<compile_context>
chip_gen: v7x
topology: tpu7x:2x2x1
jax: 0.10.2.dev20260603
libtpu: 0.0.44.dev20260713+nightly
codegen_flags: <defaults>
</compile_context>

<pallas_src>
import functools

import jax
import jax.numpy as jnp
from jax import lax
from jax.experimental import pallas as pl
from jax.experimental.pallas import tpu as pltpu
from jax.experimental.pallas import tpu_sc as plsc

F32 = jnp.float32

NC = 2
NS = 16
BLK = 512



def _proj_body(x_ref, wrel_ref, wroot_ref, t_ref, r_ref):
    x = x_ref[...]
    n = x.shape[0]
    p = jnp.dot(x, wrel_ref[...], preferred_element_type=F32)
    hi = (lax.broadcasted_iota(jnp.int32, (n, 8), 1) == 0).astype(F32)
    t_ref[:n, :] = jnp.concatenate([p, hi], axis=1)
    r_ref[...] = jnp.dot(x, wroot_ref[...], preferred_element_type=F32)


def _layer1_body(agg_ref, r_ref, b_ref, wrel_ref, wroot_ref,
                 t_ref, rout_ref, degr_ref):
    nn = r_ref.shape[0]
    a = (agg_ref[0] + agg_ref[1])[:nn]
    degr_ref[...] = 1.0 / jnp.maximum(a[:, 8:9], 1.0)
    h = jnp.maximum(a[:, 0:8] + b_ref[...] + r_ref[...], 0.0)
    t_ref[:nn, :] = jnp.dot(h, wrel_ref[...], preferred_element_type=F32)
    rout_ref[...] = jnp.dot(h, wroot_ref[...], preferred_element_type=F32)


def _layer2_body(agg_ref, r_ref, degr_ref, b_ref, wrel_ref, wroot_ref,
                 t_ref, rout_ref):
    nn = r_ref.shape[0]
    a = (agg_ref[0] + agg_ref[1])[:nn]
    h = jnp.maximum(a[:, 0:8] * degr_ref[...] + b_ref[...] + r_ref[...], 0.0)
    t_ref[:nn, :] = jnp.dot(h, wrel_ref[...], preferred_element_type=F32)
    rout_ref[...] = jnp.dot(h, wroot_ref[...], preferred_element_type=F32)


def _final_body(agg_ref, r_ref, degr_ref, b_ref, batch_ref,
                wl1_ref, bl1_ref, wl2_ref, bl2_ref, out_ref):
    nn = r_ref.shape[0]
    a = (agg_ref[0] + agg_ref[1])[:nn]
    h = jnp.maximum(a[:, 0:8] * degr_ref[...] + b_ref[...] + r_ref[...], 0.0)
    n = h.shape[0]
    g = out_ref.shape[0]
    onehot = (batch_ref[...] ==
              lax.broadcasted_iota(jnp.int32, (g, n), 0)).astype(F32)
    pooled_sum = jnp.dot(onehot, h, preferred_element_type=F32)
    cnt = jnp.maximum(jnp.sum(onehot, axis=1, keepdims=True), 1.0)
    pooled = pooled_sum / cnt
    z = jnp.maximum(
        jnp.dot(pooled, wl1_ref[...], preferred_element_type=F32) + bl1_ref[...],
        0.0)
    out_ref[...] = (jnp.dot(z, wl2_ref[...], preferred_element_type=F32)
                    + bl2_ref[...])



_NBUF = 4


def _make_edge_pass(n, nblk, w):
    bpt = nblk // (NC * NS)
    nagg = (n // (NS * 8) + 1) * NS * 8
    zrows = nagg // NS
    mesh = plsc.VectorSubcoreMesh(core_axis_name="c", subcore_axis_name="s",
                                  num_cores=NC, num_subcores=NS)

    @functools.partial(
        pl.kernel,
        out_type=jax.ShapeDtypeStruct((NC, nagg, w), F32),
        mesh=mesh,
        scratch_types=[
            pltpu.VMEM((bpt, BLK), jnp.int32),
            pltpu.VMEM((bpt, BLK), jnp.int32),
            pltpu.VMEM((_NBUF, BLK, w), F32),
            pltpu.VMEM((zrows, w), F32),
            pltpu.VMEM_SHARED((nagg, w), F32),
            pltpu.VMEM_SHARED((nagg, w), F32),
            [pltpu.SemaphoreType.DMA] * _NBUF,
            [pltpu.SemaphoreType.DMA] * _NBUF,
        ],
        compiler_params=pltpu.CompilerParams(use_tc_tiling_on_sc=False),
    )
    def edge_pass(t_hbm, src_hbm, dst_hbm, z_hbm, agg_hbm,
                  src_v, dst_v, rows_v, zb_v, agg_sh, tab_sh, gsems, ssems):
        c = lax.axis_index("c")
        s = lax.axis_index("s")
        wid = c * NS + s
        pltpu.sync_copy(src_hbm.at[pl.ds(wid * bpt, bpt)], src_v)
        pltpu.sync_copy(dst_hbm.at[pl.ds(wid * bpt, bpt)], dst_v)
        pltpu.sync_copy(t_hbm.at[pl.ds(s * zrows, zrows)],
                        tab_sh.at[pl.ds(s * zrows, zrows)])
        pltpu.sync_copy(z_hbm, zb_v)
        pltpu.sync_copy(zb_v, agg_sh.at[pl.ds(s * zrows, zrows)])
        plsc.subcore_barrier()

        for j in range(_NBUF):
            pltpu.async_copy(tab_sh.at[src_v.at[j]], rows_v.at[j], gsems[j])

        def body(g, carry):
            base = g * _NBUF
            for j in range(_NBUF):
                b = base + j
                pltpu.make_async_copy(
                    tab_sh.at[src_v.at[b]], rows_v.at[j], gsems[j]).wait()
                pltpu.sync_copy(rows_v.at[j], agg_sh.at[dst_v.at[b]], add=True)

                @pl.when(b + _NBUF < bpt)
                def _():
                    pltpu.async_copy(
                        tab_sh.at[src_v.at[b + _NBUF]], rows_v.at[j], gsems[j])
            return carry

        lax.fori_loop(0, bpt // _NBUF, body, 0)
        plsc.subcore_barrier()
        pltpu.sync_copy(agg_sh.at[pl.ds(s * zrows, zrows)],
                        agg_hbm.at[c, pl.ds(s * zrows, zrows)])

    return edge_pass



def kernel(x, edge_index, batch, W1_rel, b1, W1_root, W2_rel, b2, W2_root,
           W3_rel, b3, W3_root, W_lin1, b_lin1, W_lin2, b_lin2):
    n, d = x.shape
    e = edge_index.shape[1]
    h = W1_rel.shape[1]
    g = 64
    per_pass = BLK * NC * NS * 4
    epad = -(-e // per_pass) * per_pass
    nblk = epad // BLK
    trash = n

    src = edge_index[0]
    dst = edge_index[1]
    pad = epad - e
    nagg = (n // (NS * 8) + 1) * NS * 8
    pad_dst = trash + jnp.arange(pad, dtype=jnp.int32) % (nagg - n)
    srcb = jnp.concatenate([src, jnp.zeros((pad,), jnp.int32)]).reshape(nblk, BLK)
    dstb = jnp.concatenate([dst, pad_dst]).reshape(nblk, BLK)
    z16 = jnp.zeros((nagg // NS, 16), F32)
    z8 = jnp.zeros((nagg // NS, h), F32)

    edge_pass16 = _make_edge_pass(n, nblk, 16)
    edge_pass8 = _make_edge_pass(n, nblk, h)

    proj = pl.pallas_call(
        _proj_body,
        out_shape=[jax.ShapeDtypeStruct((nagg, 16), F32),
                   jax.ShapeDtypeStruct((n, h), F32)])
    layer1 = pl.pallas_call(
        _layer1_body,
        out_shape=[jax.ShapeDtypeStruct((nagg, h), F32),
                   jax.ShapeDtypeStruct((n, h), F32),
                   jax.ShapeDtypeStruct((n, 1), F32)])
    layer2 = pl.pallas_call(
        _layer2_body,
        out_shape=[jax.ShapeDtypeStruct((nagg, h), F32),
                   jax.ShapeDtypeStruct((n, h), F32)])
    final = pl.pallas_call(
        _final_body,
        out_shape=jax.ShapeDtypeStruct((g, 1), F32))

    t1, r1 = proj(x, W1_rel, W1_root)
    agg1 = edge_pass16(t1, srcb, dstb, z16)
    t2, r2, degr = layer1(agg1, r1, b1.reshape(1, h), W2_rel, W2_root)
    agg2 = edge_pass8(t2, srcb, dstb, z8)
    t3, r3 = layer2(agg2, r2, degr, b2.reshape(1, h), W3_rel, W3_root)
    agg3 = edge_pass8(t3, srcb, dstb, z8)
    out = final(agg3, r3, degr, b3.reshape(1, h),
                batch.reshape(1, n).astype(jnp.int32),
                W_lin1, b_lin1.reshape(1, -1), W_lin2, b_lin2.reshape(1, -1))
    return out

# --- scband reference (transcript-rebuilt; emitter-appended) ---
"""Pipeline reference for scband-graph-conv-54150947668227 (READ-ONLY COPY).

The authoritative reference and input builder live on the scoring server;
editing this copy changes nothing except your own understanding.
"""

import jax, jax.numpy as jnp
import numpy as np

N = 10000
E = 320000
D = 128
H = 8
G = 64


def setup_inputs(seed: int = 0) -> dict:
    key = jax.random.key(seed)
    ks = jax.random.split(key, 20)
    x = jax.random.normal(ks[0], (N, D), dtype=jnp.float32)
    edge_index = jax.random.randint(ks[1], (2, E), 0, N, dtype=jnp.int32)
    batch = jnp.sort(jax.random.randint(ks[2], (N,), 0, G, dtype=jnp.int32))
    W1_rel = jax.random.normal(ks[3], (D, H), dtype=jnp.float32) * 0.05
    b1 = jnp.zeros((H,), dtype=jnp.float32)
    W1_root = jax.random.normal(ks[4], (D, H), dtype=jnp.float32) * 0.05
    W2_rel = jax.random.normal(ks[5], (H, H), dtype=jnp.float32) * 0.3
    b2 = jnp.zeros((H,), dtype=jnp.float32)
    W2_root = jax.random.normal(ks[6], (H, H), dtype=jnp.float32) * 0.3
    W3_rel = jax.random.normal(ks[7], (H, H), dtype=jnp.float32) * 0.3
    b3 = jnp.zeros((H,), dtype=jnp.float32)
    W3_root = jax.random.normal(ks[8], (H, H), dtype=jnp.float32) * 0.3
    W_lin1 = jax.random.normal(ks[9], (H, H // 2), dtype=jnp.float32) * 0.3
    b_lin1 = jnp.zeros((H // 2,), dtype=jnp.float32)
    W_lin2 = jax.random.normal(ks[10], (H // 2, 1), dtype=jnp.float32) * 0.3
    b_lin2 = jnp.zeros((1,), dtype=jnp.float32)
    return {
        "x": x, "edge_index": edge_index, "batch": batch,
        "W1_rel": W1_rel, "b1": b1, "W1_root": W1_root,
        "W2_rel": W2_rel, "b2": b2, "W2_root": W2_root,
        "W3_rel": W3_rel, "b3": b3, "W3_root": W3_root,
        "W_lin1": W_lin1, "b_lin1": b_lin1, "W_lin2": W_lin2, "b_lin2": b_lin2,
    }


def _gconv(x, src, dst, W_rel, b_rel, W_root, mean):
    # PyG GraphConv: out = lin_rel(aggr_{j->i} x_j) + lin_root(x_i)
    msgs = x[src]
    agg = jax.ops.segment_sum(msgs, dst, num_segments=N)
    if mean:
        deg = jax.ops.segment_sum(jnp.ones((src.shape[0],), x.dtype), dst, num_segments=N)
        agg = agg / jnp.clip(deg, 1.0)[:, None]
    return agg @ W_rel + b_rel + x @ W_root


def reference(x, edge_index, batch, W1_rel, b1, W1_root, W2_rel, b2, W2_root,
              W3_rel, b3, W3_root, W_lin1, b_lin1, W_lin2, b_lin2):
    src = edge_index[0]
    dst = edge_index[1]
    h = jax.nn.relu(_gconv(x, src, dst, W1_rel, b1, W1_root, mean=False))
    h = jax.nn.relu(_gconv(h, src, dst, W2_rel, b2, W2_root, mean=True))
    h = jax.nn.relu(_gconv(h, src, dst, W3_rel, b3, W3_root, mean=True))
    # dropout is identity in eval mode
    pooled_sum = jax.ops.segment_sum(h, batch, num_segments=G)
    counts = jax.ops.segment_sum(jnp.ones((N,), h.dtype), batch, num_segments=G)
    pooled = pooled_sum / jnp.clip(counts, 1.0)[:, None]
    out = jax.nn.relu(pooled @ W_lin1 + b_lin1)
    out = out @ W_lin2 + b_lin2
    return out

if __name__ == "__main__":
    import jax
    _d = setup_inputs()
    print(jax.jit(kernel)(*tuple(_d.values())))

</pallas_src>

<mosaic_0001>
#map = affine_map<(d0, d1) -> (0, 0)>
#map1 = affine_map<(d0, d1) -> (0, 0, 0)>
module attributes {stable_mosaic.version = 14 : i64} {
  func.func @edge_pass(%arg0: i32, %arg1: i32, %arg2: memref<10112x16xf32, #tpu.memory_space<hbm>>, %arg3: memref<640x512xi32, #tpu.memory_space<hbm>>, %arg4: memref<640x512xi32, #tpu.memory_space<hbm>>, %arg5: memref<632x16xf32, #tpu.memory_space<hbm>>, %arg6: memref<2x10112x16xf32, #tpu.memory_space<hbm>>, %arg7: memref<20x512xi32, #tpu.memory_space<vmem>>, %arg8: memref<20x512xi32, #tpu.memory_space<vmem>>, %arg9: memref<4x512x16xf32, #tpu.memory_space<vmem>>, %arg10: memref<632x16xf32, #tpu.memory_space<vmem>>, %arg11: memref<10112x16xf32, #tpu.memory_space<vmem_shared>>, %arg12: memref<10112x16xf32, #tpu.memory_space<vmem_shared>>, %arg13: memref<!tpu.dma_semaphore, #tpu.memory_space<semaphore_mem>>, %arg14: memref<!tpu.dma_semaphore, #tpu.memory_space<semaphore_mem>>, %arg15: memref<!tpu.dma_semaphore, #tpu.memory_space<semaphore_mem>>, %arg16: memref<!tpu.dma_semaphore, #tpu.memory_space<semaphore_mem>>, %arg17: memref<!tpu.dma_semaphore, #tpu.memory_space<semaphore_mem>>, %arg18: memref<!tpu.dma_semaphore, #tpu.memory_space<semaphore_mem>>, %arg19: memref<!tpu.dma_semaphore, #tpu.memory_space<semaphore_mem>>, %arg20: memref<!tpu.dma_semaphore, #tpu.memory_space<semaphore_mem>>) attributes {dimension_semantics = [#tpu.dimension_semantics<core_parallel>, #tpu.dimension_semantics<subcore_parallel>], iteration_bounds = array<i64: 2, 16>, scalar_prefetch = 0 : i64, scratch_operands = 14 : i64, tpu.core_type = #tpu.core_type<sc_vector_subcore>, window_params = [{transform_indices = #map}, {transform_indices = #map}, {transform_indices = #map}, {transform_indices = #map}, {transform_indices = #map1}]} {
    %mul3A = arith.constant 16 : i32
    %mul3A_0 = arith.muli %arg0, %mul3A : i32
    %add3A = arith.addi %mul3A_0, %arg1 : i32
    %mul3A_1 = arith.constant 20 : i32
    %mul3A_2 = arith.muli %add3A, %mul3A_1 : i32
    "tpu.region"() ({
      %run_scoped3A = tpu.sem_alloc : memref<!tpu.dma_semaphore, #tpu.memory_space<semaphore_mem>>
      %dma_start3A_68 = arith.constant 0 : i32
      %dma_start3A_69 = tpu.memref_slice %arg3[%mul3A_2, %dma_start3A_68] : memref<640x512xi32, #tpu.memory_space<hbm>> -> memref<20x512xi32, #tpu.memory_space<hbm>>
      %dma_start3A_70 = arith.constant 0 : i32
      %dma_start3A_71 = tpu.memref_slice %arg3[%mul3A_2, %dma_start3A_70] : memref<640x512xi32, #tpu.memory_space<hbm>> -> memref<20x512xi32, #tpu.memory_space<hbm>>
      tpu.enqueue_dma source(%dma_start3A_71 : memref<20x512xi32, #tpu.memory_space<hbm>>) target(%arg7 : memref<20x512xi32, #tpu.memory_space<vmem>>) target_semaphore(%run_scoped3A : memref<!tpu.dma_semaphore, #tpu.memory_space<semaphore_mem>>)
      %dma_wait3A = arith.constant 0 : i32
      %dma_wait3A_72 = tpu.memref_slice %arg3[%mul3A_2, %dma_wait3A] : memref<640x512xi32, #tpu.memory_space<hbm>> -> memref<20x512xi32, #tpu.memory_space<hbm>>
      %dma_wait3A_73 = arith.constant 0 : i32
      %dma_wait3A_74 = tpu.memref_slice %arg3[%mul3A_2, %dma_wait3A_73] : memref<640x512xi32, #tpu.memory_space<hbm>> -> memref<20x512xi32, #tpu.memory_space<hbm>>
      tpu.wait_dma2 semaphore(%run_scoped3A : memref<!tpu.dma_semaphore, #tpu.memory_space<semaphore_mem>>) src(%dma_wait3A_74 : memref<20x512xi32, #tpu.memory_space<hbm>>) dst(%arg7 : memref<20x512xi32, #tpu.memory_space<vmem>>)
      tpu.yield
    }) : () -> ()
    %mul3A_3 = arith.constant 20 : i32
    %mul3A_4 = arith.muli %add3A, %mul3A_3 : i32
    "tpu.region"() ({
      %run_scoped3A = tpu.sem_alloc : memref<!tpu.dma_semaphore, #tpu.memory_space<semaphore_mem>>
      %dma_start3A_68 = arith.constant 0 : i32
      %dma_start3A_69 = tpu.memref_slice %arg4[%mul3A_4, %dma_start3A_68] : memref<640x512xi32, #tpu.memory_space<hbm>> -> memref<20x512xi32, #tpu.memory_space<hbm>>
      %dma_start3A_70 = arith.constant 0 : i32
      %dma_start3A_71 = tpu.memref_slice %arg4[%mul3A_4, %dma_start3A_70] : memref<640x512xi32, #tpu.memory_space<hbm>> -> memref<20x512xi32, #tpu.memory_space<hbm>>
      tpu.enqueue_dma source(%dma_start3A_71 : memref<20x512xi32, #tpu.memory_space<hbm>>) target(%arg8 : memref<20x512xi32, #tpu.memory_space<vmem>>) target_semaphore(%run_scoped3A : memref<!tpu.dma_semaphore, #tpu.memory_space<semaphore_mem>>)
      %dma_wait3A = arith.constant 0 : i32
      %dma_wait3A_72 = tpu.memref_slice %arg4[%mul3A_4, %dma_wait3A] : memref<640x512xi32, #tpu.memory_space<hbm>> -> memref<20x512xi32, #tpu.memory_space<hbm>>
      %dma_wait3A_73 = arith.constant 0 : i32
      %dma_wait3A_74 = tpu.memref_slice %arg4[%mul3A_4, %dma_wait3A_73] : memref<640x512xi32, #tpu.memory_space<hbm>> -> memref<20x512xi32, #tpu.memory_space<hbm>>
      tpu.wait_dma2 semaphore(%run_scoped3A : memref<!tpu.dma_semaphore, #tpu.memory_space<semaphore_mem>>) src(%dma_wait3A_74 : memref<20x512xi32, #tpu.memory_space<hbm>>) dst(%arg8 : memref<20x512xi32, #tpu.memory_space<vmem>>)
      tpu.yield
    }) : () -> ()
    %mul3A_5 = arith.constant 632 : i32
    %mul3A_6 = arith.muli %arg1, %mul3A_5 : i32
    %mul3A_7 = arith.constant 632 : i32
    %mul3A_8 = arith.muli %arg1, %mul3A_7 : i32
    "tpu.region"() ({
      %run_scoped3A = tpu.sem_alloc : memref<!tpu.dma_semaphore, #tpu.memory_space<semaphore_mem>>
      %dma_start3A_68 = arith.constant 0 : i32
      %dma_start3A_69 = tpu.memref_slice %arg12[%mul3A_8, %dma_start3A_68] : memref<10112x16xf32, #tpu.memory_space<vmem_shared>> -> memref<632x16xf32, #tpu.memory_space<vmem_shared>>
      %dma_start3A_70 = arith.constant 0 : i32
      %dma_start3A_71 = tpu.memref_slice %arg2[%mul3A_6, %dma_start3A_70] : memref<10112x16xf32, #tpu.memory_space<hbm>> -> memref<632x16xf32, #tpu.memory_space<hbm>>
      tpu.enqueue_dma source(%dma_start3A_71 : memref<632x16xf32, #tpu.memory_space<hbm>>) target(%dma_start3A_69 : memref<632x16xf32, #tpu.memory_space<vmem_shared>>) target_semaphore(%run_scoped3A : memref<!tpu.dma_semaphore, #tpu.memory_space<semaphore_mem>>)
      %dma_wait3A = arith.constant 0 : i32
      %dma_wait3A_72 = tpu.memref_slice %arg12[%mul3A_8, %dma_wait3A] : memref<10112x16xf32, #tpu.memory_space<vmem_shared>> -> memref<632x16xf32, #tpu.memory_space<vmem_shared>>
      %dma_wait3A_73 = arith.constant 0 : i32
      %dma_wait3A_74 = tpu.memref_slice %arg2[%mul3A_6, %dma_wait3A_73] : memref<10112x16xf32, #tpu.memory_space<hbm>> -> memref<632x16xf32, #tpu.memory_space<hbm>>
      tpu.wait_dma2 semaphore(%run_scoped3A : memref<!tpu.dma_semaphore, #tpu.memory_space<semaphore_mem>>) src(%dma_wait3A_74 : memref<632x16xf32, #tpu.memory_space<hbm>>) dst(%dma_wait3A_72 : memref<632x16xf32, #tpu.memory_space<vmem_shared>>)
      tpu.yield
    }) : () -> ()
    "tpu.region"() ({
      %run_scoped3A = tpu.sem_alloc : memref<!tpu.dma_semaphore, #tpu.memory_space<semaphore_mem>>
      tpu.enqueue_dma source(%arg5 : memref<632x16xf32, #tpu.memory_space<hbm>>) target(%arg10 : memref<632x16xf32, #tpu.memory_space<vmem>>) target_semaphore(%run_scoped3A : memref<!tpu.dma_semaphore, #tpu.memory_space<semaphore_mem>>)
      tpu.wait_dma2 semaphore(%run_scoped3A : memref<!tpu.dma_semaphore, #tpu.memory_space<semaphore_mem>>) src(%arg5 : memref<632x16xf32, #tpu.memory_space<hbm>>) dst(%arg10 : memref<632x16xf32, #tpu.memory_space<vmem>>)
      tpu.yield
    }) : () -> ()
    %mul3A_9 = arith.constant 632 : i32
    %mul3A_10 = arith.muli %arg1, %mul3A_9 : i32
    "tpu.region"() ({
      %run_scoped3A = tpu.sem_alloc : memref<!tpu.dma_semaphore, #tpu.memory_space<semaphore_mem>>
      %dma_start3A_68 = arith.constant 0 : i32
      %dma_start3A_69 = tpu.memref_slice %arg11[%mul3A_10, %dma_start3A_68] : memref<10112x16xf32, #tpu.memory_space<vmem_shared>> -> memref<632x16xf32, #tpu.memory_space<vmem_shared>>
      %dma_start3A_70 = arith.constant 0 : i32
      %dma_start3A_71 = tpu.memref_slice %arg11[%mul3A_10, %dma_start3A_70] : memref<10112x16xf32, #tpu.memory_space<vmem_shared>> -> memref<632x16xf32, #tpu.memory_space<vmem_shared>>
      tpu.enqueue_dma source(%arg10 : memref<632x16xf32, #tpu.memory_space<vmem>>) target(%dma_start3A_71 : memref<632x16xf32, #tpu.memory_space<vmem_shared>>) target_semaphore(%run_scoped3A : memref<!tpu.dma_semaphore, #tpu.memory_space<semaphore_mem>>)
      %dma_wait3A = arith.constant 0 : i32
      %dma_wait3A_72 = tpu.memref_slice %arg11[%mul3A_10, %dma_wait3A] : memref<10112x16xf32, #tpu.memory_space<vmem_shared>> -> memref<632x16xf32, #tpu.memory_space<vmem_shared>>
      %dma_wait3A_73 = arith.constant 0 : i32
      %dma_wait3A_74 = tpu.memref_slice %arg11[%mul3A_10, %dma_wait3A_73] : memref<10112x16xf32, #tpu.memory_space<vmem_shared>> -> memref<632x16xf32, #tpu.memory_space<vmem_shared>>
      tpu.wait_dma2 semaphore(%run_scoped3A : memref<!tpu.dma_semaphore, #tpu.memory_space<semaphore_mem>>) src(%arg10 : memref<632x16xf32, #tpu.memory_space<vmem>>) dst(%dma_wait3A_74 : memref<632x16xf32, #tpu.memory_space<vmem_shared>>)
      tpu.yield
    }) : () -> ()
    %barrier3A = arith.constant 0 : index
    tpu.barrier barrier_id(%barrier3A)
    %dma_start3A = arith.constant 0 : i32
    %dma_start3A_11 = arith.constant 0 : i32
    %dma_start3A_12 = arith.constant 0 : i32
    %dma_start3A_13 = arith.constant 0 : i32
    %dma_start3A_14 = tpu.memref_slice %arg9[%dma_start3A_11, %dma_start3A_12, %dma_start3A_13] : memref<4x512x16xf32, #tpu.memory_space<vmem>> -> memref<1x512x16xf32, #tpu.memory_space<vmem>>
    %dma_start3A_15 = tpu.memref_squeeze %dma_start3A_14 : memref<1x512x16xf32, #tpu.memory_space<vmem>> -> memref<512x16xf32, #tpu.memory_space<vmem>>
    %dma_start3A_16 = arith.constant 0 : i32
    %dma_start3A_17 = tpu.memref_slice %arg7[%dma_start3A, %dma_start3A_16] : memref<20x512xi32, #tpu.memory_space<vmem>> -> memref<1x512xi32, #tpu.memory_space<vmem>>
    %dma_start3A_18 = tpu.memref_squeeze %dma_start3A_17 : memref<1x512xi32, #tpu.memory_space<vmem>> -> memref<512xi32, #tpu.memory_space<vmem>>
    %dma_start3A_19 = arith.constant 0 : i32
    %dma_start3A_20 = arith.constant 0 : i32
    %dma_start3A_21 = tpu.memref_slice %arg12[%dma_start3A_19, %dma_start3A_20] : memref<10112x16xf32, #tpu.memory_space<vmem_shared>> -> memref<10112x16xf32, #tpu.memory_space<vmem_shared>>
    tpu.enqueue_indirect_dma source(%dma_start3A_21 : memref<10112x16xf32, #tpu.memory_space<vmem_shared>>) target(%dma_start3A_15 : memref<512x16xf32, #tpu.memory_space<vmem>>) offsets(%dma_start3A_18 : memref<512xi32, #tpu.memory_space<vmem>>) semaphore(%arg13 : memref<!tpu.dma_semaphore, #tpu.memory_space<semaphore_mem>>)
    %dma_start3A_22 = arith.constant 1 : i32
    %dma_start3A_23 = arith.constant 1 : i32
    %dma_start3A_24 = arith.constant 0 : i32
    %dma_start3A_25 = arith.constant 0 : i32
    %dma_start3A_26 = tpu.memref_slice %arg9[%dma_start3A_23, %dma_start3A_24, %dma_start3A_25] : memref<4x512x16xf32, #tpu.memory_space<vmem>> -> memref<1x512x16xf32, #tpu.memory_space<vmem>>
    %dma_start3A_27 = tpu.memref_squeeze %dma_start3A_26 : memref<1x512x16xf32, #tpu.memory_space<vmem>> -> memref<512x16xf32, #tpu.memory_space<vmem>>
    %dma_start3A_28 = arith.constant 0 : i32
    %dma_start3A_29 = tpu.memref_slice %arg7[%dma_start3A_22, %dma_start3A_28] : memref<20x512xi32, #tpu.memory_space<vmem>> -> memref<1x512xi32, #tpu.memory_space<vmem>>
    %dma_start3A_30 = tpu.memref_squeeze %dma_start3A_29 : memref<1x512xi32, #tpu.memory_space<vmem>> -> memref<512xi32, #tpu.memory_space<vmem>>
    %dma_start3A_31 = arith.constant 0 : i32
    %dma_start3A_32 = arith.constant 0 : i32
    %dma_start3A_33 = tpu.memref_slice %arg12[%dma_start3A_31, %dma_start3A_32] : memref<10112x16xf32, #tpu.memory_space<vmem_shared>> -> memref<10112x16xf32, #tpu.memory_space<vmem_shared>>
    tpu.enqueue_indirect_dma source(%dma_start3A_33 : memref<10112x16xf32, #tpu.memory_space<vmem_shared>>) target(%dma_start3A_27 : memref<512x16xf32, #tpu.memory_space<vmem>>) offsets(%dma_start3A_30 : memref<512xi32, #tpu.memory_space<vmem>>) semaphore(%arg14 : memref<!tpu.dma_semaphore, #tpu.memory_space<semaphore_mem>>)
    %dma_start3A_34 = arith.constant 2 : i32
    %dma_start3A_35 = arith.constant 2 : i32
    %dma_start3A_36 = arith.constant 0 : i32
    %dma_start3A_37 = arith.constant 0 : i32
    %dma_start3A_38 = tpu.memref_slice %arg9[%dma_start3A_35, %dma_start3A_36, %dma_start3A_37] : memref<4x512x16xf32, #tpu.memory_space<vmem>> -> memref<1x512x16xf32, #tpu.memory_space<vmem>>
    %dma_start3A_39 = tpu.memref_squeeze %dma_start3A_38 : memref<1x512x16xf32, #tpu.memory_space<vmem>> -> memref<512x16xf32, #tpu.memory_space<vmem>>
    %dma_start3A_40 = arith.constant 0 : i32
    %dma_start3A_41 = tpu.memref_slice %arg7[%dma_start3A_34, %dma_start3A_40] : memref<20x512xi32, #tpu.memory_space<vmem>> -> memref<1x512xi32, #tpu.memory_space<vmem>>
    %dma_start3A_42 = tpu.memref_squeeze %dma_start3A_41 : memref<1x512xi32, #tpu.memory_space<vmem>> -> memref<512xi32, #tpu.memory_space<vmem>>
    %dma_start3A_43 = arith.constant 0 : i32
    %dma_start3A_44 = arith.constant 0 : i32
    %dma_start3A_45 = tpu.memref_slice %arg12[%dma_start3A_43, %dma_start3A_44] : memref<10112x16xf32, #tpu.memory_space<vmem_shared>> -> memref<10112x16xf32, #tpu.memory_space<vmem_shared>>
    tpu.enqueue_indirect_dma source(%dma_start3A_45 : memref<10112x16xf32, #tpu.memory_space<vmem_shared>>) target(%dma_start3A_39 : memref<512x16xf32, #tpu.memory_space<vmem>>) offsets(%dma_start3A_42 : memref<512xi32, #tpu.memory_space<vmem>>) semaphore(%arg15 : memref<!tpu.dma_semaphore, #tpu.memory_space<semaphore_mem>>)
    %dma_start3A_46 = arith.constant 3 : i32
    %dma_start3A_47 = arith.constant 3 : i32
    %dma_start3A_48 = arith.constant 0 : i32
    %dma_start3A_49 = arith.constant 0 : i32
    %dma_start3A_50 = tpu.memref_slice %arg9[%dma_start3A_47, %dma_start3A_48, %dma_start3A_49] : memref<4x512x16xf32, #tpu.memory_space<vmem>> -> memref<1x512x16xf32, #tpu.memory_space<vmem>>
    %dma_start3A_51 = tpu.memref_squeeze %dma_start3A_50 : memref<1x512x16xf32, #tpu.memory_space<vmem>> -> memref<512x16xf32, #tpu.memory_space<vmem>>
    %dma_start3A_52 = arith.constant 0 : i32
    %dma_start3A_53 = tpu.memref_slice %arg7[%dma_start3A_46, %dma_start3A_52] : memref<20x512xi32, #tpu.memory_space<vmem>> -> memref<1x512xi32, #tpu.memory_space<vmem>>
    %dma_start3A_54 = tpu.memref_squeeze %dma_start3A_53 : memref<1x512xi32, #tpu.memory_space<vmem>> -> memref<512xi32, #tpu.memory_space<vmem>>
    %dma_start3A_55 = arith.constant 0 : i32
    %dma_start3A_56 = arith.constant 0 : i32
    %dma_start3A_57 = tpu.memref_slice %arg12[%dma_start3A_55, %dma_start3A_56] : memref<10112x16xf32, #tpu.memory_space<vmem_shared>> -> memref<10112x16xf32, #tpu.memory_space<vmem_shared>>
    tpu.enqueue_indirect_dma source(%dma_start3A_57 : memref<10112x16xf32, #tpu.memory_space<vmem_shared>>) target(%dma_start3A_51 : memref<512x16xf32, #tpu.memory_space<vmem>>) offsets(%dma_start3A_54 : memref<512xi32, #tpu.memory_space<vmem>>) semaphore(%arg16 : memref<!tpu.dma_semaphore, #tpu.memory_space<semaphore_mem>>)
    %scan3A = arith.constant 0 : i32
    %scan3A_58 = arith.constant 0 : i32
    %scan3A_59 = arith.constant 5 : i32
    %scan3A_60 = arith.addi %scan3A_58, %scan3A_59 : i32
    %scan3A_61 = arith.constant 1 : i32
    scf.for %scan3A_68 = %scan3A_58 to %scan3A_60 step %scan3A_61  : i32 {
      %mul3A_69 = arith.constant 4 : i32
      %mul3A_70 = arith.muli %scan3A_68, %mul3A_69 : i32
      %add3A_71 = arith.constant 0 : i32
      %add3A_72 = arith.addi %mul3A_70, %add3A_71 : i32
      %dma_wait3A = arith.constant 0 : i32
      %dma_wait3A_73 = arith.constant 0 : i32
      %dma_wait3A_74 = arith.constant 0 : i32
      %dma_wait3A_75 = tpu.memref_slice %arg9[%dma_wait3A, %dma_wait3A_73, %dma_wait3A_74] : memref<4x512x16xf32, #tpu.memory_space<vmem>> -> memref<1x512x16xf32, #tpu.memory_space<vmem>>
      %dma_wait3A_76 = tpu.memref_squeeze %dma_wait3A_75 : memref<1x512x16xf32, #tpu.memory_space<vmem>> -> memref<512x16xf32, #tpu.memory_space<vmem>>
      %dma_wait3A_77 = arith.constant 0 : i32
      %dma_wait3A_78 = tpu.memref_slice %arg7[%add3A_72, %dma_wait3A_77] : memref<20x512xi32, #tpu.memory_space<vmem>> -> memref<1x512xi32, #tpu.memory_space<vmem>>
      %dma_wait3A_79 = tpu.memref_squeeze %dma_wait3A_78 : memref<1x512xi32, #tpu.memory_space<vmem>> -> memref<512xi32, #tpu.memory_space<vmem>>
      %dma_wait3A_80 = arith.constant 0 : i32
      %dma_wait3A_81 = arith.constant 0 : i32
      %dma_wait3A_82 = tpu.memref_slice %arg12[%dma_wait3A_80, %dma_wait3A_81] : memref<10112x16xf32, #tpu.memory_space<vmem_shared>> -> memref<10112x16xf32, #tpu.memory_space<vmem_shared>>
      tpu.wait_indirect_dma semaphore(%arg13 : memref<!tpu.dma_semaphore, #tpu.memory_space<semaphore_mem>>) src(%dma_wait3A_82 : memref<10112x16xf32, #tpu.memory_space<vmem_shared>>) dst(%dma_wait3A_76 : memref<512x16xf32, #tpu.memory_space<vmem>>)
      %run_scoped3A = arith.constant 0 : i32
      "tpu.region"() ({
        %run_scoped3A_150 = tpu.sem_alloc : memref<!tpu.dma_semaphore, #tpu.memory_space<semaphore_mem>>
        %dma_start3A_151 = arith.constant 0 : i32
        %dma_start3A_152 = arith.constant 0 : i32
        %dma_start3A_153 = tpu.memref_slice %arg9[%run_scoped3A, %dma_start3A_151, %dma_start3A_152] : memref<4x512x16xf32, #tpu.memory_space<vmem>> -> memref<1x512x16xf32, #tpu.memory_space<vmem>>
        %dma_start3A_154 = tpu.memref_squeeze %dma_start3A_153 : memref<1x512x16xf32, #tpu.memory_space<vmem>> -> memref<512x16xf32, #tpu.memory_space<vmem>>
        %dma_start3A_155 = arith.constant 0 : i32
        %dma_start3A_156 = tpu.memref_slice %arg8[%add3A_72, %dma_start3A_155] : memref<20x512xi32, #tpu.memory_space<vmem>> -> memref<1x512xi32, #tpu.memory_space<vmem>>
        %dma_start3A_157 = tpu.memref_squeeze %dma_start3A_156 : memref<1x512xi32, #tpu.memory_space<vmem>> -> memref<512xi32, #tpu.memory_space<vmem>>
        %dma_start3A_158 = arith.constant 0 : i32
        %dma_start3A_159 = arith.constant 0 : i32
        %dma_start3A_160 = tpu.memref_slice %arg11[%dma_start3A_158, %dma_start3A_159] : memref<10112x16xf32, #tpu.memory_space<vmem_shared>> -> memref<10112x16xf32, #tpu.memory_space<vmem_shared>>
        tpu.enqueue_indirect_dma source(%dma_start3A_154 : memref<512x16xf32, #tpu.memory_space<vmem>>) target(%dma_start3A_160 : memref<10112x16xf32, #tpu.memory_space<vmem_shared>>) offsets(%dma_start3A_157 : memref<512xi32, #tpu.memory_space<vmem>>) semaphore(%run_scoped3A_150 : memref<!tpu.dma_semaphore, #tpu.memory_space<semaphore_mem>>) {add = true}
        %dma_wait3A_161 = arith.constant 0 : i32
        %dma_wait3A_162 = arith.constant 0 : i32
        %dma_wait3A_163 = tpu.memref_slice %arg9[%run_scoped3A, %dma_wait3A_161, %dma_wait3A_162] : memref<4x512x16xf32, #tpu.memory_space<vmem>> -> memref<1x512x16xf32, #tpu.memory_space<vmem>>
        %dma_wait3A_164 = tpu.memref_squeeze %dma_wait3A_163 : memref<1x512x16xf32, #tpu.memory_space<vmem>> -> memref<512x16xf32, #tpu.memory_space<vmem>>
        %dma_wait3A_165 = arith.constant 0 : i32
        %dma_wait3A_166 = tpu.memref_slice %arg8[%add3A_72, %dma_wait3A_165] : memref<20x512xi32, #tpu.memory_space<vmem>> -> memref<1x512xi32, #tpu.memory_space<vmem>>
        %dma_wait3A_167 = tpu.memref_squeeze %dma_wait3A_166 : memref<1x512xi32, #tpu.memory_space<vmem>> -> memref<512xi32, #tpu.memory_space<vmem>>
        %dma_wait3A_168 = arith.constant 0 : i32
        %dma_wait3A_169 = arith.constant 0 : i32
        %dma_wait3A_170 = tpu.memref_slice %arg11[%dma_wait3A_168, %dma_wait3A_169] : memref<10112x16xf32, #tpu.memory_space<vmem_shared>> -> memref<10112x16xf32, #tpu.memory_space<vmem_shared>>
        tpu.wait_indirect_dma semaphore(%run_scoped3A_150 : memref<!tpu.dma_semaphore, #tpu.memory_space<semaphore_mem>>) src(%dma_wait3A_164 : memref<512x16xf32, #tpu.memory_space<vmem>>) dst(%dma_wait3A_170 : memref<10112x16xf32, #tpu.memory_space<vmem_shared>>)
        tpu.yield
      }) : () -> ()
      %add3A_83 = arith.constant 4 : i32
      %add3A_84 = arith.addi %add3A_72, %add3A_83 : i32
      %lt3A = arith.constant 20 : i32
      %lt3A_85 = arith.cmpi slt, %add3A_84, %lt3A : i32
      %convert_element_type3A = arith.extui %lt3A_85 : i1 to i32
      %cond3A = arith.constant 0 : i32
      %cond3A_86 = arith.cmpi ne, %convert_element_type3A, %cond3A : i32
      scf.if %cond3A_86 {
        %add3A_150 = arith.constant 4 : i32
        %add3A_151 = arith.addi %add3A_72, %add3A_150 : i32
        %dma_start3A_152 = arith.constant 0 : i32
        %dma_start3A_153 = arith.constant 0 : i32
        %dma_start3A_154 = arith.constant 0 : i32
        %dma_start3A_155 = tpu.memref_slice %arg9[%dma_start3A_152, %dma_start3A_153, %dma_start3A_154] : memref<4x512x16xf32, #tpu.memory_space<vmem>> -> memref<1x512x16xf32, #tpu.memory_space<vmem>>
        %dma_start3A_156 = tpu.memref_squeeze %dma_start3A_155 : memref<1x512x16xf32, #tpu.memory_space<vmem>> -> memref<512x16xf32, #tpu.memory_space<vmem>>
        %dma_start3A_157 = arith.constant 0 : i32
        %dma_start3A_158 = tpu.memref_slice %arg7[%add3A_151, %dma_start3A_157] : memref<20x512xi32, #tpu.memory_space<vmem>> -> memref<1x512xi32, #tpu.memory_space<vmem>>
        %dma_start3A_159 = tpu.memref_squeeze %dma_start3A_158 : memref<1x512xi32, #tpu.memory_space<vmem>> -> memref<512xi32, #tpu.memory_space<vmem>>
        %dma_start3A_160 = arith.constant 0 : i32
        %dma_start3A_161 = arith.constant 0 : i32
        %dma_start3A_162 = tpu.memref_slice %arg12[%dma_start3A_160, %dma_start3A_161] : memref<10112x16xf32, #tpu.memory_space<vmem_shared>> -> memref<10112x16xf32, #tpu.memory_space<vmem_shared>>
        tpu.enqueue_indirect_dma source(%dma_start3A_162 : memref<10112x16xf32, #tpu.memory_space<vmem_shared>>) target(%dma_start3A_156 : memref<512x16xf32, #tpu.memory_space<vmem>>) offsets(%dma_start3A_159 : memref<512xi32, #tpu.memory_space<vmem>>) semaphore(%arg13 : memref<!tpu.dma_semaphore, #tpu.memory_space<semaphore_mem>>)
      } else {
      }
      %add3A_87 = arith.constant 1 : i32
      %add3A_88 = arith.addi %mul3A_70, %add3A_87 : i32
      %dma_wait3A_89 = arith.constant 1 : i32
      %dma_wait3A_90 = arith.constant 0 : i32
      %dma_wait3A_91 = arith.constant 0 : i32
      %dma_wait3A_92 = tpu.memref_slice %arg9[%dma_wait3A_89, %dma_wait3A_90, %dma_wait3A_91] : memref<4x512x16xf32, #tpu.memory_space<vmem>> -> memref<1x512x16xf32, #tpu.memory_space<vmem>>
      %dma_wait3A_93 = tpu.memref_squeeze %dma_wait3A_92 : memref<1x512x16xf32, #tpu.memory_space<vmem>> -> memref<512x16xf32, #tpu.memory_space<vmem>>
      %dma_wait3A_94 = arith.constant 0 : i32
      %dma_wait3A_95 = tpu.memref_slice %arg7[%add3A_88, %dma_wait3A_94] : memref<20x512xi32, #tpu.memory_space<vmem>> -> memref<1x512xi32, #tpu.memory_space<vmem>>
      %dma_wait3A_96 = tpu.memref_squeeze %dma_wait3A_95 : memref<1x512xi32, #tpu.memory_space<vmem>> -> memref<512xi32, #tpu.memory_space<vmem>>
      %dma_wait3A_97 = arith.constant 0 : i32
      %dma_wait3A_98 = arith.constant 0 : i32
      %dma_wait3A_99 = tpu.memref_slice %arg12[%dma_wait3A_97, %dma_wait3A_98] : memref<10112x16xf32, #tpu.memory_space<vmem_shared>> -> memref<10112x16xf32, #tpu.memory_space<vmem_shared>>
      tpu.wait_indirect_dma semaphore(%arg14 : memref<!tpu.dma_semaphore, #tpu.memory_space<semaphore_mem>>) src(%dma_wait3A_99 : memref<10112x16xf32, #tpu.memory_space<vmem_shared>>) dst(%dma_wait3A_93 : memref<512x16xf32, #tpu.memory_space<vmem>>)
      %run_scoped3A_100 = arith.constant 1 : i32
      "tpu.region"() ({
        %run_scoped3A_150 = tpu.sem_alloc : memref<!tpu.dma_semaphore, #tpu.memory_space<semaphore_mem>>
        %dma_start3A_151 = arith.constant 0 : i32
        %dma_start3A_152 = arith.constant 0 : i32
        %dma_start3A_153 = tpu.memref_slice %arg9[%run_scoped3A_100, %dma_start3A_151, %dma_start3A_152] : memref<4x512x16xf32, #tpu.memory_space<vmem>> -> memref<1x512x16xf32, #tpu.memory_space<vmem>>
        %dma_start3A_154 = tpu.memref_squeeze %dma_start3A_153 : memref<1x512x16xf32, #tpu.memory_space<vmem>> -> memref<512x16xf32, #tpu.memory_space<vmem>>
        %dma_start3A_155 = arith.constant 0 : i32
        %dma_start3A_156 = tpu.memref_slice %arg8[%add3A_88, %dma_start3A_155] : memref<20x512xi32, #tpu.memory_space<vmem>> -> memref<1x512xi32, #tpu.memory_space<vmem>>
        %dma_start3A_157 = tpu.memref_squeeze %dma_start3A_156 : memref<1x512xi32, #tpu.memory_space<vmem>> -> memref<512xi32, #tpu.memory_space<vmem>>
        %dma_start3A_158 = arith.constant 0 : i32
        %dma_start3A_159 = arith.constant 0 : i32
        %dma_start3A_160 = tpu.memref_slice %arg11[%dma_start3A_158, %dma_start3A_159] : memref<10112x16xf32, #tpu.memory_space<vmem_shared>> -> memref<10112x16xf32, #tpu.memory_space<vmem_shared>>
        tpu.enqueue_indirect_dma source(%dma_start3A_154 : memref<512x16xf32, #tpu.memory_space<vmem>>) target(%dma_start3A_160 : memref<10112x16xf32, #tpu.memory_space<vmem_shared>>) offsets(%dma_start3A_157 : memref<512xi32, #tpu.memory_space<vmem>>) semaphore(%run_scoped3A_150 : memref<!tpu.dma_semaphore, #tpu.memory_space<semaphore_mem>>) {add = true}
        %dma_wait3A_161 = arith.constant 0 : i32
        %dma_wait3A_162 = arith.constant 0 : i32
        %dma_wait3A_163 = tpu.memref_slice %arg9[%run_scoped3A_100, %dma_wait3A_161, %dma_wait3A_162] : memref<4x512x16xf32, #tpu.memory_space<vmem>> -> memref<1x512x16xf32, #tpu.memory_space<vmem>>
        %dma_wait3A_164 = tpu.memref_squeeze %dma_wait3A_163 : memref<1x512x16xf32, #tpu.memory_space<vmem>> -> memref<512x16xf32, #tpu.memory_space<vmem>>
        %dma_wait3A_165 = arith.constant 0 : i32
        %dma_wait3A_166 = tpu.memref_slice %arg8[%add3A_88, %dma_wait3A_165] : memref<20x512xi32, #tpu.memory_space<vmem>> -> memref<1x512xi32, #tpu.memory_space<vmem>>
        %dma_wait3A_167 = tpu.memref_squeeze %dma_wait3A_166 : memref<1x512xi32, #tpu.memory_space<vmem>> -> memref<512xi32, #tpu.memory_space<vmem>>
        %dma_wait3A_168 = arith.constant 0 : i32
        %dma_wait3A_169 = arith.constant 0 : i32
        %dma_wait3A_170 = tpu.memref_slice %arg11[%dma_wait3A_168, %dma_wait3A_169] : memref<10112x16xf32, #tpu.memory_space<vmem_shared>> -> memref<10112x16xf32, #tpu.memory_space<vmem_shared>>
        tpu.wait_indirect_dma semaphore(%run_scoped3A_150 : memref<!tpu.dma_semaphore, #tpu.memory_space<semaphore_mem>>) src(%dma_wait3A_164 : memref<512x16xf32, #tpu.memory_space<vmem>>) dst(%dma_wait3A_170 : memref<10112x16xf32, #tpu.memory_space<vmem_shared>>)
        tpu.yield
      }) : () -> ()
      %add3A_101 = arith.constant 4 : i32
      %add3A_102 = arith.addi %add3A_88, %add3A_101 : i32
      %lt3A_103 = arith.constant 20 : i32
      %lt3A_104 = arith.cmpi slt, %add3A_102, %lt3A_103 : i32
      %convert_element_type3A_105 = arith.extui %lt3A_104 : i1 to i32
      %cond3A_106 = arith.constant 0 : i32
      %cond3A_107 = arith.cmpi ne, %convert_element_type3A_105, %cond3A_106 : i32
      scf.if %cond3A_107 {
        %add3A_150 = arith.constant 4 : i32
        %add3A_151 = arith.addi %add3A_88, %add3A_150 : i32
        %dma_start3A_152 = arith.constant 1 : i32
        %dma_start3A_153 = arith.constant 0 : i32
        %dma_start3A_154 = arith.constant 0 : i32
        %dma_start3A_155 = tpu.memref_slice %arg9[%dma_start3A_152, %dma_start3A_153, %dma_start3A_154] : memref<4x512x16xf32, #tpu.memory_space<vmem>> -> memref<1x512x16xf32, #tpu.memory_space<vmem>>
        %dma_start3A_156 = tpu.memref_squeeze %dma_start3A_155 : memref<1x512x16xf32, #tpu.memory_space<vmem>> -> memref<512x16xf32, #tpu.memory_space<vmem>>
        %dma_start3A_157 = arith.constant 0 : i32
        %dma_start3A_158 = tpu.memref_slice %arg7[%add3A_151, %dma_start3A_157] : memref<20x512xi32, #tpu.memory_space<vmem>> -> memref<1x512xi32, #tpu.memory_space<vmem>>
        %dma_start3A_159 = tpu.memref_squeeze %dma_start3A_158 : memref<1x512xi32, #tpu.memory_space<vmem>> -> memref<512xi32, #tpu.memory_space<vmem>>
        %dma_start3A_160 = arith.constant 0 : i32
        %dma_start3A_161 = arith.constant 0 : i32
        %dma_start3A_162 = tpu.memref_slice %arg12[%dma_start3A_160, %dma_start3A_161] : memref<10112x16xf32, #tpu.memory_space<vmem_shared>> -> memref<10112x16xf32, #tpu.memory_space<vmem_shared>>
        tpu.enqueue_indirect_dma source(%dma_start3A_162 : memref<10112x16xf32, #tpu.memory_space<vmem_shared>>) target(%dma_start3A_156 : memref<512x16xf32, #tpu.memory_space<vmem>>) offsets(%dma_start3A_159 : memref<512xi32, #tpu.memory_space<vmem>>) semaphore(%arg14 : memref<!tpu.dma_semaphore, #tpu.memory_space<semaphore_mem>>)
      } else {
      }
      %add3A_108 = arith.constant 2 : i32
      %add3A_109 = arith.addi %mul3A_70, %add3A_108 : i32
      %dma_wait3A_110 = arith.constant 2 : i32
      %dma_wait3A_111 = arith.constant 0 : i32
      %dma_wait3A_112 = arith.constant 0 : i32
      %dma_wait3A_113 = tpu.memref_slice %arg9[%dma_wait3A_110, %dma_wait3A_111, %dma_wait3A_112] : memref<4x512x16xf32, #tpu.memory_space<vmem>> -> memref<1x512x16xf32, #tpu.memory_space<vmem>>
      %dma_wait3A_114 = tpu.memref_squeeze %dma_wait3A_113 : memref<1x512x16xf32, #tpu.memory_space<vmem>> -> memref<512x16xf32, #tpu.memory_space<vmem>>
      %dma_wait3A_115 = arith.constant 0 : i32
      %dma_wait3A_116 = tpu.memref_slice %arg7[%add3A_109, %dma_wait3A_115] : memref<20x512xi32, #tpu.memory_space<vmem>> -> memref<1x512xi32, #tpu.memory_space<vmem>>
      %dma_wait3A_117 = tpu.memref_squeeze %dma_wait3A_116 : memref<1x512xi32, #tpu.memory_space<vmem>> -> memref<512xi32, #tpu.memory_space<vmem>>
      %dma_wait3A_118 = arith.constant 0 : i32
      %dma_wait3A_119 = arith.constant 0 : i32
      %dma_wait3A_120 = tpu.memref_slice %arg12[%dma_wait3A_118, %dma_wait3A_119] : memref<10112x16xf32, #tpu.memory_space<vmem_shared>> -> memref<10112x16xf32, #tpu.memory_space<vmem_shared>>
      tpu.wait_indirect_dma semaphore(%arg15 : memref<!tpu.dma_semaphore, #tpu.memory_space<semaphore_mem>>) src(%dma_wait3A_120 : memref<10112x16xf32, #tpu.memory_space<vmem_shared>>) dst(%dma_wait3A_114 : memref<512x16xf32, #tpu.memory_space<vmem>>)
      %run_scoped3A_121 = arith.constant 2 : i32
      "tpu.region"() ({
        %run_scoped3A_150 = tpu.sem_alloc : memref<!tpu.dma_semaphore, #tpu.memory_space<semaphore_mem>>
        %dma_start3A_151 = arith.constant 0 : i32
        %dma_start3A_152 = arith.constant 0 : i32
        %dma_start3A_153 = tpu.memref_slice %arg9[%run_scoped3A_121, %dma_start3A_151, %dma_start3A_152] : memref<4x512x16xf32, #tpu.memory_space<vmem>> -> memref<1x512x16xf32, #tpu.memory_space<vmem>>
        %dma_start3A_154 = tpu.memref_squeeze %dma_start3A_153 : memref<1x512x16xf32, #tpu.memory_space<vmem>> -> memref<512x16xf32, #tpu.memory_space<vmem>>
        %dma_start3A_155 = arith.constant 0 : i32
        %dma_start3A_156 = tpu.memref_slice %arg8[%add3A_109, %dma_start3A_155] : memref<20x512xi32, #tpu.memory_space<vmem>> -> memref<1x512xi32, #tpu.memory_space<vmem>>
        %dma_start3A_157 = tpu.memref_squeeze %dma_start3A_156 : memref<1x512xi32, #tpu.memory_space<vmem>> -> memref<512xi32, #tpu.memory_space<vmem>>
        %dma_start3A_158 = arith.constant 0 : i32
        %dma_start3A_159 = arith.constant 0 : i32
        %dma_start3A_160 = tpu.memref_slice %arg11[%dma_start3A_158, %dma_start3A_159] : memref<10112x16xf32, #tpu.memory_space<vmem_shared>> -> memref<10112x16xf32, #tpu.memory_space<vmem_shared>>
        tpu.enqueue_indirect_dma source(%dma_start3A_154 : memref<512x16xf32, #tpu.memory_space<vmem>>) target(%dma_start3A_160 : memref<10112x16xf32, #tpu.memory_space<vmem_shared>>) offsets(%dma_start3A_157 : memref<512xi32, #tpu.memory_space<vmem>>) semaphore(%run_scoped3A_150 : memref<!tpu.dma_semaphore, #tpu.memory_space<semaphore_mem>>) {add = true}
        %dma_wait3A_161 = arith.constant 0 : i32
        %dma_wait3A_162 = arith.constant 0 : i32
        %dma_wait3A_163 = tpu.memref_slice %arg9[%run_scoped3A_121, %dma_wait3A_161, %dma_wait3A_162] : memref<4x512x16xf32, #tpu.memory_space<vmem>> -> memref<1x512x16xf32, #tpu.memory_space<vmem>>
        %dma_wait3A_164 = tpu.memref_squeeze %dma_wait3A_163 : memref<1x512x16xf32, #tpu.memory_space<vmem>> -> memref<512x16xf32, #tpu.memory_space<vmem>>
        %dma_wait3A_165 = arith.constant 0 : i32
        %dma_wait3A_166 = tpu.memref_slice %arg8[%add3A_109, %dma_wait3A_165] : memref<20x512xi32, #tpu.memory_space<vmem>> -> memref<1x512xi32, #tpu.memory_space<vmem>>
        %dma_wait3A_167 = tpu.memref_squeeze %dma_wait3A_166 : memref<1x512xi32, #tpu.memory_space<vmem>> -> memref<512xi32, #tpu.memory_space<vmem>>
        %dma_wait3A_168 = arith.constant 0 : i32
        %dma_wait3A_169 = arith.constant 0 : i32
        %dma_wait3A_170 = tpu.memref_slice %arg11[%dma_wait3A_168, %dma_wait3A_169] : memref<10112x16xf32, #tpu.memory_space<vmem_shared>> -> memref<10112x16xf32, #tpu.memory_space<vmem_shared>>
        tpu.wait_indirect_dma semaphore(%run_scoped3A_150 : memref<!tpu.dma_semaphore, #tpu.memory_space<semaphore_mem>>) src(%dma_wait3A_164 : memref<512x16xf32, #tpu.memory_space<vmem>>) dst(%dma_wait3A_170 : memref<10112x16xf32, #tpu.memory_space<vmem_shared>>)
        tpu.yield
      }) : () -> ()
      %add3A_122 = arith.constant 4 : i32
      %add3A_123 = arith.addi %add3A_109, %add3A_122 : i32
      %lt3A_124 = arith.constant 20 : i32
      %lt3A_125 = arith.cmpi slt, %add3A_123, %lt3A_124 : i32
      %convert_element_type3A_126 = arith.extui %lt3A_125 : i1 to i32
      %cond3A_127 = arith.constant 0 : i32
      %cond3A_128 = arith.cmpi ne, %convert_element_type3A_126, %cond3A_127 : i32
      scf.if %cond3A_128 {
        %add3A_150 = arith.constant 4 : i32
        %add3A_151 = arith.addi %add3A_109, %add3A_150 : i32
        %dma_start3A_152 = arith.constant 2 : i32
        %dma_start3A_153 = arith.constant 0 : i32
        %dma_start3A_154 = arith.constant 0 : i32
        %dma_start3A_155 = tpu.memref_slice %arg9[%dma_start3A_152, %dma_start3A_153, %dma_start3A_154] : memref<4x512x16xf32, #tpu.memory_space<vmem>> -> memref<1x512x16xf32, #tpu.memory_space<vmem>>
        %dma_start3A_156 = tpu.memref_squeeze %dma_start3A_155 : memref<1x512x16xf32, #tpu.memory_space<vmem>> -> memref<512x16xf32, #tpu.memory_space<vmem>>
        %dma_start3A_157 = arith.constant 0 : i32
        %dma_start3A_158 = tpu.memref_slice %arg7[%add3A_151, %dma_start3A_157] : memref<20x512xi32, #tpu.memory_space<vmem>> -> memref<1x512xi32, #tpu.memory_space<vmem>>
        %dma_start3A_159 = tpu.memref_squeeze %dma_start3A_158 : memref<1x512xi32, #tpu.memory_space<vmem>> -> memref<512xi32, #tpu.memory_space<vmem>>
        %dma_start3A_160 = arith.constant 0 : i32
        %dma_start3A_161 = arith.constant 0 : i32
        %dma_start3A_162 = tpu.memref_slice %arg12[%dma_start3A_160, %dma_start3A_161] : memref<10112x16xf32, #tpu.memory_space<vmem_shared>> -> memref<10112x16xf32, #tpu.memory_space<vmem_shared>>
        tpu.enqueue_indirect_dma source(%dma_start3A_162 : memref<10112x16xf32, #tpu.memory_space<vmem_shared>>) target(%dma_start3A_156 : memref<512x16xf32, #tpu.memory_space<vmem>>) offsets(%dma_start3A_159 : memref<512xi32, #tpu.memory_space<vmem>>) semaphore(%arg15 : memref<!tpu.dma_semaphore, #tpu.memory_space<semaphore_mem>>)
      } else {
      }
      %add3A_129 = arith.constant 3 : i32
      %add3A_130 = arith.addi %mul3A_70, %add3A_129 : i32
      %dma_wait3A_131 = arith.constant 3 : i32
      %dma_wait3A_132 = arith.constant 0 : i32
      %dma_wait3A_133 = arith.constant 0 : i32
      %dma_wait3A_134 = tpu.memref_slice %arg9[%dma_wait3A_131, %dma_wait3A_132, %dma_wait3A_133] : memref<4x512x16xf32, #tpu.memory_space<vmem>> -> memref<1x512x16xf32, #tpu.memory_space<vmem>>
      %dma_wait3A_135 = tpu.memref_squeeze %dma_wait3A_134 : memref<1x512x16xf32, #tpu.memory_space<vmem>> -> memref<512x16xf32, #tpu.memory_space<vmem>>
      %dma_wait3A_136 = arith.constant 0 : i32
      %dma_wait3A_137 = tpu.memref_slice %arg7[%add3A_130, %dma_wait3A_136] : memref<20x512xi32, #tpu.memory_space<vmem>> -> memref<1x512xi32, #tpu.memory_space<vmem>>
      %dma_wait3A_138 = tpu.memref_squeeze %dma_wait3A_137 : memref<1x512xi32, #tpu.memory_space<vmem>> -> memref<512xi32, #tpu.memory_space<vmem>>
      %dma_wait3A_139 = arith.constant 0 : i32
      %dma_wait3A_140 = arith.constant 0 : i32
      %dma_wait3A_141 = tpu.memref_slice %arg12[%dma_wait3A_139, %dma_wait3A_140] : memref<10112x16xf32, #tpu.memory_space<vmem_shared>> -> memref<10112x16xf32, #tpu.memory_space<vmem_shared>>
      tpu.wait_indirect_dma semaphore(%arg16 : memref<!tpu.dma_semaphore, #tpu.memory_space<semaphore_mem>>) src(%dma_wait3A_141 : memref<10112x16xf32, #tpu.memory_space<vmem_shared>>) dst(%dma_wait3A_135 : memref<512x16xf32, #tpu.memory_space<vmem>>)
      %run_scoped3A_142 = arith.constant 3 : i32
      "tpu.region"() ({
        %run_scoped3A_150 = tpu.sem_alloc : memref<!tpu.dma_semaphore, #tpu.memory_space<semaphore_mem>>
        %dma_start3A_151 = arith.constant 0 : i32
        %dma_start3A_152 = arith.constant 0 : i32
        %dma_start3A_153 = tpu.memref_slice %arg9[%run_scoped3A_142, %dma_start3A_151, %dma_start3A_152] : memref<4x512x16xf32, #tpu.memory_space<vmem>> -> memref<1x512x16xf32, #tpu.memory_space<vmem>>
        %dma_start3A_154 = tpu.memref_squeeze %dma_start3A_153 : memref<1x512x16xf32, #tpu.memory_space<vmem>> -> memref<512x16xf32, #tpu.memory_space<vmem>>
        %dma_start3A_155 = arith.constant 0 : i32
        %dma_start3A_156 = tpu.memref_slice %arg8[%add3A_130, %dma_start3A_155] : memref<20x512xi32, #tpu.memory_space<vmem>> -> memref<1x512xi32, #tpu.memory_space<vmem>>
        %dma_start3A_157 = tpu.memref_squeeze %dma_start3A_156 : memref<1x512xi32, #tpu.memory_space<vmem>> -> memref<512xi32, #tpu.memory_space<vmem>>
        %dma_start3A_158 = arith.constant 0 : i32
        %dma_start3A_159 = arith.constant 0 : i32
        %dma_start3A_160 = tpu.memref_slice %arg11[%dma_start3A_158, %dma_start3A_159] : memref<10112x16xf32, #tpu.memory_space<vmem_shared>> -> memref<10112x16xf32, #tpu.memory_space<vmem_shared>>
        tpu.enqueue_indirect_dma source(%dma_start3A_154 : memref<512x16xf32, #tpu.memory_space<vmem>>) target(%dma_start3A_160 : memref<10112x16xf32, #tpu.memory_space<vmem_shared>>) offsets(%dma_start3A_157 : memref<512xi32, #tpu.memory_space<vmem>>) semaphore(%run_scoped3A_150 : memref<!tpu.dma_semaphore, #tpu.memory_space<semaphore_mem>>) {add = true}
        %dma_wait3A_161 = arith.constant 0 : i32
        %dma_wait3A_162 = arith.constant 0 : i32
        %dma_wait3A_163 = tpu.memref_slice %arg9[%run_scoped3A_142, %dma_wait3A_161, %dma_wait3A_162] : memref<4x512x16xf32, #tpu.memory_space<vmem>> -> memref<1x512x16xf32, #tpu.memory_space<vmem>>
        %dma_wait3A_164 = tpu.memref_squeeze %dma_wait3A_163 : memref<1x512x16xf32, #tpu.memory_space<vmem>> -> memref<512x16xf32, #tpu.memory_space<vmem>>
        %dma_wait3A_165 = arith.constant 0 : i32
        %dma_wait3A_166 = tpu.memref_slice %arg8[%add3A_130, %dma_wait3A_165] : memref<20x512xi32, #tpu.memory_space<vmem>> -> memref<1x512xi32, #tpu.memory_space<vmem>>
        %dma_wait3A_167 = tpu.memref_squeeze %dma_wait3A_166 : memref<1x512xi32, #tpu.memory_space<vmem>> -> memref<512xi32, #tpu.memory_space<vmem>>
        %dma_wait3A_168 = arith.constant 0 : i32
        %dma_wait3A_169 = arith.constant 0 : i32
        %dma_wait3A_170 = tpu.memref_slice %arg11[%dma_wait3A_168, %dma_wait3A_169] : memref<10112x16xf32, #tpu.memory_space<vmem_shared>> -> memref<10112x16xf32, #tpu.memory_space<vmem_shared>>
        tpu.wait_indirect_dma semaphore(%run_scoped3A_150 : memref<!tpu.dma_semaphore, #tpu.memory_space<semaphore_mem>>) src(%dma_wait3A_164 : memref<512x16xf32, #tpu.memory_space<vmem>>) dst(%dma_wait3A_170 : memref<10112x16xf32, #tpu.memory_space<vmem_shared>>)
        tpu.yield
      }) : () -> ()
      %add3A_143 = arith.constant 4 : i32
      %add3A_144 = arith.addi %add3A_130, %add3A_143 : i32
      %lt3A_145 = arith.constant 20 : i32
      %lt3A_146 = arith.cmpi slt, %add3A_144, %lt3A_145 : i32
      %convert_element_type3A_147 = arith.extui %lt3A_146 : i1 to i32
      %cond3A_148 = arith.constant 0 : i32
      %cond3A_149 = arith.cmpi ne, %convert_element_type3A_147, %cond3A_148 : i32
      scf.if %cond3A_149 {
        %add3A_150 = arith.constant 4 : i32
        %add3A_151 = arith.addi %add3A_130, %add3A_150 : i32
        %dma_start3A_152 = arith.constant 3 : i32
        %dma_start3A_153 = arith.constant 0 : i32
        %dma_start3A_154 = arith.constant 0 : i32
        %dma_start3A_155 = tpu.memref_slice %arg9[%dma_start3A_152, %dma_start3A_153, %dma_start3A_154] : memref<4x512x16xf32, #tpu.memory_space<vmem>> -> memref<1x512x16xf32, #tpu.memory_space<vmem>>
        %dma_start3A_156 = tpu.memref_squeeze %dma_start3A_155 : memref<1x512x16xf32, #tpu.memory_space<vmem>> -> memref<512x16xf32, #tpu.memory_space<vmem>>
        %dma_start3A_157 = arith.constant 0 : i32
        %dma_start3A_158 = tpu.memref_slice %arg7[%add3A_151, %dma_start3A_157] : memref<20x512xi32, #tpu.memory_space<vmem>> -> memref<1x512xi32, #tpu.memory_space<vmem>>
        %dma_start3A_159 = tpu.memref_squeeze %dma_start3A_158 : memref<1x512xi32, #tpu.memory_space<vmem>> -> memref<512xi32, #tpu.memory_space<vmem>>
        %dma_start3A_160 = arith.constant 0 : i32
        %dma_start3A_161 = arith.constant 0 : i32
        %dma_start3A_162 = tpu.memref_slice %arg12[%dma_start3A_160, %dma_start3A_161] : memref<10112x16xf32, #tpu.memory_space<vmem_shared>> -> memref<10112x16xf32, #tpu.memory_space<vmem_shared>>
        tpu.enqueue_indirect_dma source(%dma_start3A_162 : memref<10112x16xf32, #tpu.memory_space<vmem_shared>>) target(%dma_start3A_156 : memref<512x16xf32, #tpu.memory_space<vmem>>) offsets(%dma_start3A_159 : memref<512xi32, #tpu.memory_space<vmem>>) semaphore(%arg16 : memref<!tpu.dma_semaphore, #tpu.memory_space<semaphore_mem>>)
      } else {
      }
    }
    %scan3A_62 = arith.constant 5 : i32
    %barrier3A_63 = arith.constant 0 : index
    tpu.barrier barrier_id(%barrier3A_63)
    %mul3A_64 = arith.constant 632 : i32
    %mul3A_65 = arith.muli %arg1, %mul3A_64 : i32
    %mul3A_66 = arith.constant 632 : i32
    %mul3A_67 = arith.muli %arg1, %mul3A_66 : i32
    "tpu.region"() ({
      %run_scoped3A = tpu.sem_alloc : memref<!tpu.dma_semaphore, #tpu.memory_space<semaphore_mem>>
      %dma_start3A_68 = arith.constant 0 : i32
      %dma_start3A_69 = tpu.memref_slice %arg6[%arg0, %mul3A_67, %dma_start3A_68] : memref<2x10112x16xf32, #tpu.memory_space<hbm>> -> memref<1x632x16xf32, #tpu.memory_space<hbm>>
      %dma_start3A_70 = tpu.memref_squeeze %dma_start3A_69 : memref<1x632x16xf32, #tpu.memory_space<hbm>> -> memref<632x16xf32, #tpu.memory_space<hbm>>
      %dma_start3A_71 = arith.constant 0 : i32
      %dma_start3A_72 = tpu.memref_slice %arg11[%mul3A_65, %dma_start3A_71] : memref<10112x16xf32, #tpu.memory_space<vmem_shared>> -> memref<632x16xf32, #tpu.memory_space<vmem_shared>>
      tpu.enqueue_dma source(%dma_start3A_72 : memref<632x16xf32, #tpu.memory_space<vmem_shared>>) target(%dma_start3A_70 : memref<632x16xf32, #tpu.memory_space<hbm>>) target_semaphore(%run_scoped3A : memref<!tpu.dma_semaphore, #tpu.memory_space<semaphore_mem>>)
      %dma_wait3A = arith.constant 0 : i32
      %dma_wait3A_73 = tpu.memref_slice %arg6[%arg0, %mul3A_67, %dma_wait3A] : memref<2x10112x16xf32, #tpu.memory_space<hbm>> -> memref<1x632x16xf32, #tpu.memory_space<hbm>>
      %dma_wait3A_74 = tpu.memref_squeeze %dma_wait3A_73 : memref<1x632x16xf32, #tpu.memory_space<hbm>> -> memref<632x16xf32, #tpu.memory_space<hbm>>
      %dma_wait3A_75 = arith.constant 0 : i32
      %dma_wait3A_76 = tpu.memref_slice %arg11[%mul3A_65, %dma_wait3A_75] : memref<10112x16xf32, #tpu.memory_space<vmem_shared>> -> memref<632x16xf32, #tpu.memory_space<vmem_shared>>
      tpu.wait_dma2 semaphore(%run_scoped3A : memref<!tpu.dma_semaphore, #tpu.memory_space<semaphore_mem>>) src(%dma_wait3A_76 : memref<632x16xf32, #tpu.memory_space<vmem_shared>>) dst(%dma_wait3A_74 : memref<632x16xf32, #tpu.memory_space<hbm>>)
      tpu.yield
    }) : () -> ()
    return
  }
}

#map = affine_map<(d0, d1) -> (0, 0)>
#map1 = affine_map<(d0, d1) -> (0, 0, 0)>
module attributes {stable_mosaic.version = 14 : i64} {
  func.func @edge_pass(%arg0: i32, %arg1: i32, %arg2: memref<10112x8xf32, #tpu.memory_space<hbm>>, %arg3: memref<640x512xi32, #tpu.memory_space<hbm>>, %arg4: memref<640x512xi32, #tpu.memory_space<hbm>>, %arg5: memref<632x8xf32, #tpu.memory_space<hbm>>, %arg6: memref<2x10112x8xf32, #tpu.memory_space<hbm>>, %arg7: memref<20x512xi32, #tpu.memory_space<vmem>>, %arg8: memref<20x512xi32, #tpu.memory_space<vmem>>, %arg9: memref<4x512x8xf32, #tpu.memory_space<vmem>>, %arg10: memref<632x8xf32, #tpu.memory_space<vmem>>, %arg11: memref<10112x8xf32, #tpu.memory_space<vmem_shared>>, %arg12: memref<10112x8xf32, #tpu.memory_space<vmem_shared>>, %arg13: memref<!tpu.dma_semaphore, #tpu.memory_space<semaphore_mem>>, %arg14: memref<!tpu.dma_semaphore, #tpu.memory_space<semaphore_mem>>, %arg15: memref<!tpu.dma_semaphore, #tpu.memory_space<semaphore_mem>>, %arg16: memref<!tpu.dma_semaphore, #tpu.memory_space<semaphore_mem>>, %arg17: memref<!tpu.dma_semaphore, #tpu.memory_space<semaphore_mem>>, %arg18: memref<!tpu.dma_semaphore, #tpu.memory_space<semaphore_mem>>, %arg19: memref<!tpu.dma_semaphore, #tpu.memory_space<semaphore_mem>>, %arg20: memref<!tpu.dma_semaphore, #tpu.memory_space<semaphore_mem>>) attributes {dimension_semantics = [#tpu.dimension_semantics<core_parallel>, #tpu.dimension_semantics<subcore_parallel>], iteration_bounds = array<i64: 2, 16>, scalar_prefetch = 0 : i64, scratch_operands = 14 : i64, tpu.core_type = #tpu.core_type<sc_vector_subcore>, window_params = [{transform_indices = #map}, {transform_indices = #map}, {transform_indices = #map}, {transform_indices = #map}, {transform_indices = #map1}]} {
    %mul3A = arith.constant 16 : i32
    %mul3A_0 = arith.muli %arg0, %mul3A : i32
    %add3A = arith.addi %mul3A_0, %arg1 : i32
    %mul3A_1 = arith.constant 20 : i32
    %mul3A_2 = arith.muli %add3A, %mul3A_1 : i32
    "tpu.region"() ({
      %run_scoped3A = tpu.sem_alloc : memref<!tpu.dma_semaphore, #tpu.memory_space<semaphore_mem>>
      %dma_start3A_68 = arith.constant 0 : i32
      %dma_start3A_69 = tpu.memref_slice %arg3[%mul3A_2, %dma_start3A_68] : memref<640x512xi32, #tpu.memory_space<hbm>> -> memref<20x512xi32, #tpu.memory_space<hbm>>
      %dma_start3A_70 = arith.constant 0 : i32
      %dma_start3A_71 = tpu.memref_slice %arg3[%mul3A_2, %dma_start3A_70] : memref<640x512xi32, #tpu.memory_space<hbm>> -> memref<20x512xi32, #tpu.memory_space<hbm>>
      tpu.enqueue_dma source(%dma_start3A_71 : memref<20x512xi32, #tpu.memory_space<hbm>>) target(%arg7 : memref<20x512xi32, #tpu.memory_space<vmem>>) target_semaphore(%run_scoped3A : memref<!tpu.dma_semaphore, #tpu.memory_space<semaphore_mem>>)
      %dma_wait3A = arith.constant 0 : i32
      %dma_wait3A_72 = tpu.memref_slice %arg3[%mul3A_2, %dma_wait3A] : memref<640x512xi32, #tpu.memory_space<hbm>> -> memref<20x512xi32, #tpu.memory_space<hbm>>
      %dma_wait3A_73 = arith.constant 0 : i32
      %dma_wait3A_74 = tpu.memref_slice %arg3[%mul3A_2, %dma_wait3A_73] : memref<640x512xi32, #tpu.memory_space<hbm>> -> memref<20x512xi32, #tpu.memory_space<hbm>>
      tpu.wait_dma2 semaphore(%run_scoped3A : memref<!tpu.dma_semaphore, #tpu.memory_space<semaphore_mem>>) src(%dma_wait3A_74 : memref<20x512xi32, #tpu.memory_space<hbm>>) dst(%arg7 : memref<20x512xi32, #tpu.memory_space<vmem>>)
      tpu.yield
    }) : () -> ()
    %mul3A_3 = arith.constant 20 : i32
    %mul3A_4 = arith.muli %add3A, %mul3A_3 : i32
    "tpu.region"() ({
      %run_scoped3A = tpu.sem_alloc : memref<!tpu.dma_semaphore, #tpu.memory_space<semaphore_mem>>
      %dma_start3A_68 = arith.constant 0 : i32
      %dma_start3A_69 = tpu.memref_slice %arg4[%mul3A_4, %dma_start3A_68] : memref<640x512xi32, #tpu.memory_space<hbm>> -> memref<20x512xi32, #tpu.memory_space<hbm>>
      %dma_start3A_70 = arith.constant 0 : i32
      %dma_start3A_71 = tpu.memref_slice %arg4[%mul3A_4, %dma_start3A_70] : memref<640x512xi32, #tpu.memory_space<hbm>> -> memref<20x512xi32, #tpu.memory_space<hbm>>
      tpu.enqueue_dma source(%dma_start3A_71 : memref<20x512xi32, #tpu.memory_space<hbm>>) target(%arg8 : memref<20x512xi32, #tpu.memory_space<vmem>>) target_semaphore(%run_scoped3A : memref<!tpu.dma_semaphore, #tpu.memory_space<semaphore_mem>>)
      %dma_wait3A = arith.constant 0 : i32
      %dma_wait3A_72 = tpu.memref_slice %arg4[%mul3A_4, %dma_wait3A] : memref<640x512xi32, #tpu.memory_space<hbm>> -> memref<20x512xi32, #tpu.memory_space<hbm>>
      %dma_wait3A_73 = arith.constant 0 : i32
      %dma_wait3A_74 = tpu.memref_slice %arg4[%mul3A_4, %dma_wait3A_73] : memref<640x512xi32, #tpu.memory_space<hbm>> -> memref<20x512xi32, #tpu.memory_space<hbm>>
      tpu.wait_dma2 semaphore(%run_scoped3A : memref<!tpu.dma_semaphore, #tpu.memory_space<semaphore_mem>>) src(%dma_wait3A_74 : memref<20x512xi32, #tpu.memory_space<hbm>>) dst(%arg8 : memref<20x512xi32, #tpu.memory_space<vmem>>)
      tpu.yield
    }) : () -> ()
    %mul3A_5 = arith.constant 632 : i32
    %mul3A_6 = arith.muli %arg1, %mul3A_5 : i32
    %mul3A_7 = arith.constant 632 : i32
    %mul3A_8 = arith.muli %arg1, %mul3A_7 : i32
    "tpu.region"() ({
      %run_scoped3A = tpu.sem_alloc : memref<!tpu.dma_semaphore, #tpu.memory_space<semaphore_mem>>
      %dma_start3A_68 = arith.constant 0 : i32
      %dma_start3A_69 = tpu.memref_slice %arg12[%mul3A_8, %dma_start3A_68] : memref<10112x8xf32, #tpu.memory_space<vmem_shared>> -> memref<632x8xf32, #tpu.memory_space<vmem_shared>>
      %dma_start3A_70 = arith.constant 0 : i32
      %dma_start3A_71 = tpu.memref_slice %arg2[%mul3A_6, %dma_start3A_70] : memref<10112x8xf32, #tpu.memory_space<hbm>> -> memref<632x8xf32, #tpu.memory_space<hbm>>
      tpu.enqueue_dma source(%dma_start3A_71 : memref<632x8xf32, #tpu.memory_space<hbm>>) target(%dma_start3A_69 : memref<632x8xf32, #tpu.memory_space<vmem_shared>>) target_semaphore(%run_scoped3A : memref<!tpu.dma_semaphore, #tpu.memory_space<semaphore_mem>>)
      %dma_wait3A = arith.constant 0 : i32
      %dma_wait3A_72 = tpu.memref_slice %arg12[%mul3A_8, %dma_wait3A] : memref<10112x8xf32, #tpu.memory_space<vmem_shared>> -> memref<632x8xf32, #tpu.memory_space<vmem_shared>>
      %dma_wait3A_73 = arith.constant 0 : i32
      %dma_wait3A_74 = tpu.memref_slice %arg2[%mul3A_6, %dma_wait3A_73] : memref<10112x8xf32, #tpu.memory_space<hbm>> -> memref<632x8xf32, #tpu.memory_space<hbm>>
      tpu.wait_dma2 semaphore(%run_scoped3A : memref<!tpu.dma_semaphore, #tpu.memory_space<semaphore_mem>>) src(%dma_wait3A_74 : memref<632x8xf32, #tpu.memory_space<hbm>>) dst(%dma_wait3A_72 : memref<632x8xf32, #tpu.memory_space<vmem_shared>>)
      tpu.yield
    }) : () -> ()
    "tpu.region"() ({
      %run_scoped3A = tpu.sem_alloc : memref<!tpu.dma_semaphore, #tpu.memory_space<semaphore_mem>>
      tpu.enqueue_dma source(%arg5 : memref<632x8xf32, #tpu.memory_space<hbm>>) target(%arg10 : memref<632x8xf32, #tpu.memory_space<vmem>>) target_semaphore(%run_scoped3A : memref<!tpu.dma_semaphore, #tpu.memory_space<semaphore_mem>>)
      tpu.wait_dma2 semaphore(%run_scoped3A : memref<!tpu.dma_semaphore, #tpu.memory_space<semaphore_mem>>) src(%arg5 : memref<632x8xf32, #tpu.memory_space<hbm>>) dst(%arg10 : memref<632x8xf32, #tpu.memory_space<vmem>>)
      tpu.yield
    }) : () -> ()
    %mul3A_9 = arith.constant 632 : i32
    %mul3A_10 = arith.muli %arg1, %mul3A_9 : i32
    "tpu.region"() ({
      %run_scoped3A = tpu.sem_alloc : memref<!tpu.dma_semaphore, #tpu.memory_space<semaphore_mem>>
      %dma_start3A_68 = arith.constant 0 : i32
      %dma_start3A_69 = tpu.memref_slice %arg11[%mul3A_10, %dma_start3A_68] : memref<10112x8xf32, #tpu.memory_space<vmem_shared>> -> memref<632x8xf32, #tpu.memory_space<vmem_shared>>
      %dma_start3A_70 = arith.constant 0 : i32
      %dma_start3A_71 = tpu.memref_slice %arg11[%mul3A_10, %dma_start3A_70] : memref<10112x8xf32, #tpu.memory_space<vmem_shared>> -> memref<632x8xf32, #tpu.memory_space<vmem_shared>>
      tpu.enqueue_dma source(%arg10 : memref<632x8xf32, #tpu.memory_space<vmem>>) target(%dma_start3A_71 : memref<632x8xf32, #tpu.memory_space<vmem_shared>>) target_semaphore(%run_scoped3A : memref<!tpu.dma_semaphore, #tpu.memory_space<semaphore_mem>>)
      %dma_wait3A = arith.constant 0 : i32
      %dma_wait3A_72 = tpu.memref_slice %arg11[%mul3A_10, %dma_wait3A] : memref<10112x8xf32, #tpu.memory_space<vmem_shared>> -> memref<632x8xf32, #tpu.memory_space<vmem_shared>>
      %dma_wait3A_73 = arith.constant 0 : i32
      %dma_wait3A_74 = tpu.memref_slice %arg11[%mul3A_10, %dma_wait3A_73] : memref<10112x8xf32, #tpu.memory_space<vmem_shared>> -> memref<632x8xf32, #tpu.memory_space<vmem_shared>>
      tpu.wait_dma2 semaphore(%run_scoped3A : memref<!tpu.dma_semaphore, #tpu.memory_space<semaphore_mem>>) src(%arg10 : memref<632x8xf32, #tpu.memory_space<vmem>>) dst(%dma_wait3A_74 : memref<632x8xf32, #tpu.memory_space<vmem_shared>>)
      tpu.yield
    }) : () -> ()
    %barrier3A = arith.constant 0 : index
    tpu.barrier barrier_id(%barrier3A)
    %dma_start3A = arith.constant 0 : i32
    %dma_start3A_11 = arith.constant 0 : i32
    %dma_start3A_12 = arith.constant 0 : i32
    %dma_start3A_13 = arith.constant 0 : i32
    %dma_start3A_14 = tpu.memref_slice %arg9[%dma_start3A_11, %dma_start3A_12, %dma_start3A_13] : memref<4x512x8xf32, #tpu.memory_space<vmem>> -> memref<1x512x8xf32, #tpu.memory_space<vmem>>
    %dma_start3A_15 = tpu.memref_squeeze %dma_start3A_14 : memref<1x512x8xf32, #tpu.memory_space<vmem>> -> memref<512x8xf32, #tpu.memory_space<vmem>>
    %dma_start3A_16 = arith.constant 0 : i32
    %dma_start3A_17 = tpu.memref_slice %arg7[%dma_start3A, %dma_start3A_16] : memref<20x512xi32, #tpu.memory_space<vmem>> -> memref<1x512xi32, #tpu.memory_space<vmem>>
    %dma_start3A_18 = tpu.memref_squeeze %dma_start3A_17 : memref<1x512xi32, #tpu.memory_space<vmem>> -> memref<512xi32, #tpu.memory_space<vmem>>
    %dma_start3A_19 = arith.constant 0 : i32
    %dma_start3A_20 = arith.constant 0 : i32
    %dma_start3A_21 = tpu.memref_slice %arg12[%dma_start3A_19, %dma_start3A_20] : memref<10112x8xf32, #tpu.memory_space<vmem_shared>> -> memref<10112x8xf32, #tpu.memory_space<vmem_shared>>
    tpu.enqueue_indirect_dma source(%dma_start3A_21 : memref<10112x8xf32, #tpu.memory_space<vmem_shared>>) target(%dma_start3A_15 : memref<512x8xf32, #tpu.memory_space<vmem>>) offsets(%dma_start3A_18 : memref<512xi32, #tpu.memory_space<vmem>>) semaphore(%arg13 : memref<!tpu.dma_semaphore, #tpu.memory_space<semaphore_mem>>)
    %dma_start3A_22 = arith.constant 1 : i32
    %dma_start3A_23 = arith.constant 1 : i32
    %dma_start3A_24 = arith.constant 0 : i32
    %dma_start3A_25 = arith.constant 0 : i32
    %dma_start3A_26 = tpu.memref_slice %arg9[%dma_start3A_23, %dma_start3A_24, %dma_start3A_25] : memref<4x512x8xf32, #tpu.memory_space<vmem>> -> memref<1x512x8xf32, #tpu.memory_space<vmem>>
    %dma_start3A_27 = tpu.memref_squeeze %dma_start3A_26 : memref<1x512x8xf32, #tpu.memory_space<vmem>> -> memref<512x8xf32, #tpu.memory_space<vmem>>
    %dma_start3A_28 = arith.constant 0 : i32
    %dma_start3A_29 = tpu.memref_slice %arg7[%dma_start3A_22, %dma_start3A_28] : memref<20x512xi32, #tpu.memory_space<vmem>> -> memref<1x512xi32, #tpu.memory_space<vmem>>
    %dma_start3A_30 = tpu.memref_squeeze %dma_start3A_29 : memref<1x512xi32, #tpu.memory_space<vmem>> -> memref<512xi32, #tpu.memory_space<vmem>>
    %dma_start3A_31 = arith.constant 0 : i32
    %dma_start3A_32 = arith.constant 0 : i32
    %dma_start3A_33 = tpu.memref_slice %arg12[%dma_start3A_31, %dma_start3A_32] : memref<10112x8xf32, #tpu.memory_space<vmem_shared>> -> memref<10112x8xf32, #tpu.memory_space<vmem_shared>>
    tpu.enqueue_indirect_dma source(%dma_start3A_33 : memref<10112x8xf32, #tpu.memory_space<vmem_shared>>) target(%dma_start3A_27 : memref<512x8xf32, #tpu.memory_space<vmem>>) offsets(%dma_start3A_30 : memref<512xi32, #tpu.memory_space<vmem>>) semaphore(%arg14 : memref<!tpu.dma_semaphore, #tpu.memory_space<semaphore_mem>>)
    %dma_start3A_34 = arith.constant 2 : i32
    %dma_start3A_35 = arith.constant 2 : i32
    %dma_start3A_36 = arith.constant 0 : i32
    %dma_start3A_37 = arith.constant 0 : i32
    %dma_start3A_38 = tpu.memref_slice %arg9[%dma_start3A_35, %dma_start3A_36, %dma_start3A_37] : memref<4x512x8xf32, #tpu.memory_space<vmem>> -> memref<1x512x8xf32, #tpu.memory_space<vmem>>
    %dma_start3A_39 = tpu.memref_squeeze %dma_start3A_38 : memref<1x512x8xf32, #tpu.memory_space<vmem>> -> memref<512x8xf32, #tpu.memory_space<vmem>>
    %dma_start3A_40 = arith.constant 0 : i32
    %dma_start3A_41 = tpu.memref_slice %arg7[%dma_start3A_34, %dma_start3A_40] : memref<20x512xi32, #tpu.memory_space<vmem>> -> memref<1x512xi32, #tpu.memory_space<vmem>>
    %dma_start3A_42 = tpu.memref_squeeze %dma_start3A_41 : memref<1x512xi32, #tpu.memory_space<vmem>> -> memref<512xi32, #tpu.memory_space<vmem>>
    %dma_start3A_43 = arith.constant 0 : i32
    %dma_start3A_44 = arith.constant 0 : i32
    %dma_start3A_45 = tpu.memref_slice %arg12[%dma_start3A_43, %dma_start3A_44] : memref<10112x8xf32, #tpu.memory_space<vmem_shared>> -> memref<10112x8xf32, #tpu.memory_space<vmem_shared>>
    tpu.enqueue_indirect_dma source(%dma_start3A_45 : memref<10112x8xf32, #tpu.memory_space<vmem_shared>>) target(%dma_start3A_39 : memref<512x8xf32, #tpu.memory_space<vmem>>) offsets(%dma_start3A_42 : memref<512xi32, #tpu.memory_space<vmem>>) semaphore(%arg15 : memref<!tpu.dma_semaphore, #tpu.memory_space<semaphore_mem>>)
    %dma_start3A_46 = arith.constant 3 : i32
    %dma_start3A_47 = arith.constant 3 : i32
    %dma_start3A_48 = arith.constant 0 : i32
    %dma_start3A_49 = arith.constant 0 : i32
    %dma_start3A_50 = tpu.memref_slice %arg9[%dma_start3A_47, %dma_start3A_48, %dma_start3A_49] : memref<4x512x8xf32, #tpu.memory_space<vmem>> -> memref<1x512x8xf32, #tpu.memory_space<vmem>>
    %dma_start3A_51 = tpu.memref_squeeze %dma_start3A_50 : memref<1x512x8xf32, #tpu.memory_space<vmem>> -> memref<512x8xf32, #tpu.memory_space<vmem>>
    %dma_start3A_52 = arith.constant 0 : i32
    %dma_start3A_53 = tpu.memref_slice %arg7[%dma_start3A_46, %dma_start3A_52] : memref<20x512xi32, #tpu.memory_space<vmem>> -> memref<1x512xi32, #tpu.memory_space<vmem>>
    %dma_start3A_54 = tpu.memref_squeeze %dma_start3A_53 : memref<1x512xi32, #tpu.memory_space<vmem>> -> memref<512xi32, #tpu.memory_space<vmem>>
    %dma_start3A_55 = arith.constant 0 : i32
    %dma_start3A_56 = arith.constant 0 : i32
    %dma_start3A_57 = tpu.memref_slice %arg12[%dma_start3A_55, %dma_start3A_56] : memref<10112x8xf32, #tpu.memory_space<vmem_shared>> -> memref<10112x8xf32, #tpu.memory_space<vmem_shared>>
    tpu.enqueue_indirect_dma source(%dma_start3A_57 : memref<10112x8xf32, #tpu.memory_space<vmem_shared>>) target(%dma_start3A_51 : memref<512x8xf32, #tpu.memory_space<vmem>>) offsets(%dma_start3A_54 : memref<512xi32, #tpu.memory_space<vmem>>) semaphore(%arg16 : memref<!tpu.dma_semaphore, #tpu.memory_space<semaphore_mem>>)
    %scan3A = arith.constant 0 : i32
    %scan3A_58 = arith.constant 0 : i32
    %scan3A_59 = arith.constant 5 : i32
    %scan3A_60 = arith.addi %scan3A_58, %scan3A_59 : i32
    %scan3A_61 = arith.constant 1 : i32
    scf.for %scan3A_68 = %scan3A_58 to %scan3A_60 step %scan3A_61  : i32 {
      %mul3A_69 = arith.constant 4 : i32
      %mul3A_70 = arith.muli %scan3A_68, %mul3A_69 : i32
      %add3A_71 = arith.constant 0 : i32
      %add3A_72 = arith.addi %mul3A_70, %add3A_71 : i32
      %dma_wait3A = arith.constant 0 : i32
      %dma_wait3A_73 = arith.constant 0 : i32
      %dma_wait3A_74 = arith.constant 0 : i32
      %dma_wait3A_75 = tpu.memref_slice %arg9[%dma_wait3A, %dma_wait3A_73, %dma_wait3A_74] : memref<4x512x8xf32, #tpu.memory_space<vmem>> -> memref<1x512x8xf32, #tpu.memory_space<vmem>>
      %dma_wait3A_76 = tpu.memref_squeeze %dma_wait3A_75 : memref<1x512x8xf32, #tpu.memory_space<vmem>> -> memref<512x8xf32, #tpu.memory_space<vmem>>
      %dma_wait3A_77 = arith.constant 0 : i32
      %dma_wait3A_78 = tpu.memref_slice %arg7[%add3A_72, %dma_wait3A_77] : memref<20x512xi32, #tpu.memory_space<vmem>> -> memref<1x512xi32, #tpu.memory_space<vmem>>
      %dma_wait3A_79 = tpu.memref_squeeze %dma_wait3A_78 : memref<1x512xi32, #tpu.memory_space<vmem>> -> memref<512xi32, #tpu.memory_space<vmem>>
      %dma_wait3A_80 = arith.constant 0 : i32
      %dma_wait3A_81 = arith.constant 0 : i32
      %dma_wait3A_82 = tpu.memref_slice %arg12[%dma_wait3A_80, %dma_wait3A_81] : memref<10112x8xf32, #tpu.memory_space<vmem_shared>> -> memref<10112x8xf32, #tpu.memory_space<vmem_shared>>
      tpu.wait_indirect_dma semaphore(%arg13 : memref<!tpu.dma_semaphore, #tpu.memory_space<semaphore_mem>>) src(%dma_wait3A_82 : memref<10112x8xf32, #tpu.memory_space<vmem_shared>>) dst(%dma_wait3A_76 : memref<512x8xf32, #tpu.memory_space<vmem>>)
      %run_scoped3A = arith.constant 0 : i32
      "tpu.region"() ({
        %run_scoped3A_150 = tpu.sem_alloc : memref<!tpu.dma_semaphore, #tpu.memory_space<semaphore_mem>>
        %dma_start3A_151 = arith.constant 0 : i32
        %dma_start3A_152 = arith.constant 0 : i32
        %dma_start3A_153 = tpu.memref_slice %arg9[%run_scoped3A, %dma_start3A_151, %dma_start3A_152] : memref<4x512x8xf32, #tpu.memory_space<vmem>> -> memref<1x512x8xf32, #tpu.memory_space<vmem>>
        %dma_start3A_154 = tpu.memref_squeeze %dma_start3A_153 : memref<1x512x8xf32, #tpu.memory_space<vmem>> -> memref<512x8xf32, #tpu.memory_space<vmem>>
        %dma_start3A_155 = arith.constant 0 : i32
        %dma_start3A_156 = tpu.memref_slice %arg8[%add3A_72, %dma_start3A_155] : memref<20x512xi32, #tpu.memory_space<vmem>> -> memref<1x512xi32, #tpu.memory_space<vmem>>
        %dma_start3A_157 = tpu.memref_squeeze %dma_start3A_156 : memref<1x512xi32, #tpu.memory_space<vmem>> -> memref<512xi32, #tpu.memory_space<vmem>>
        %dma_start3A_158 = arith.constant 0 : i32
        %dma_start3A_159 = arith.constant 0 : i32
        %dma_start3A_160 = tpu.memref_slice %arg11[%dma_start3A_158, %dma_start3A_159] : memref<10112x8xf32, #tpu.memory_space<vmem_shared>> -> memref<10112x8xf32, #tpu.memory_space<vmem_shared>>
        tpu.enqueue_indirect_dma source(%dma_start3A_154 : memref<512x8xf32, #tpu.memory_space<vmem>>) target(%dma_start3A_160 : memref<10112x8xf32, #tpu.memory_space<vmem_shared>>) offsets(%dma_start3A_157 : memref<512xi32, #tpu.memory_space<vmem>>) semaphore(%run_scoped3A_150 : memref<!tpu.dma_semaphore, #tpu.memory_space<semaphore_mem>>) {add = true}
        %dma_wait3A_161 = arith.constant 0 : i32
        %dma_wait3A_162 = arith.constant 0 : i32
        %dma_wait3A_163 = tpu.memref_slice %arg9[%run_scoped3A, %dma_wait3A_161, %dma_wait3A_162] : memref<4x512x8xf32, #tpu.memory_space<vmem>> -> memref<1x512x8xf32, #tpu.memory_space<vmem>>
        %dma_wait3A_164 = tpu.memref_squeeze %dma_wait3A_163 : memref<1x512x8xf32, #tpu.memory_space<vmem>> -> memref<512x8xf32, #tpu.memory_space<vmem>>
        %dma_wait3A_165 = arith.constant 0 : i32
        %dma_wait3A_166 = tpu.memref_slice %arg8[%add3A_72, %dma_wait3A_165] : memref<20x512xi32, #tpu.memory_space<vmem>> -> memref<1x512xi32, #tpu.memory_space<vmem>>
        %dma_wait3A_167 = tpu.memref_squeeze %dma_wait3A_166 : memref<1x512xi32, #tpu.memory_space<vmem>> -> memref<512xi32, #tpu.memory_space<vmem>>
        %dma_wait3A_168 = arith.constant 0 : i32
        %dma_wait3A_169 = arith.constant 0 : i32
        %dma_wait3A_170 = tpu.memref_slice %arg11[%dma_wait3A_168, %dma_wait3A_169] : memref<10112x8xf32, #tpu.memory_space<vmem_shared>> -> memref<10112x8xf32, #tpu.memory_space<vmem_shared>>
        tpu.wait_indirect_dma semaphore(%run_scoped3A_150 : memref<!tpu.dma_semaphore, #tpu.memory_space<semaphore_mem>>) src(%dma_wait3A_164 : memref<512x8xf32, #tpu.memory_space<vmem>>) dst(%dma_wait3A_170 : memref<10112x8xf32, #tpu.memory_space<vmem_shared>>)
        tpu.yield
      }) : () -> ()
      %add3A_83 = arith.constant 4 : i32
      %add3A_84 = arith.addi %add3A_72, %add3A_83 : i32
      %lt3A = arith.constant 20 : i32
      %lt3A_85 = arith.cmpi slt, %add3A_84, %lt3A : i32
      %convert_element_type3A = arith.extui %lt3A_85 : i1 to i32
      %cond3A = arith.constant 0 : i32
      %cond3A_86 = arith.cmpi ne, %convert_element_type3A, %cond3A : i32
      scf.if %cond3A_86 {
        %add3A_150 = arith.constant 4 : i32
        %add3A_151 = arith.addi %add3A_72, %add3A_150 : i32
        %dma_start3A_152 = arith.constant 0 : i32
        %dma_start3A_153 = arith.constant 0 : i32
        %dma_start3A_154 = arith.constant 0 : i32
        %dma_start3A_155 = tpu.memref_slice %arg9[%dma_start3A_152, %dma_start3A_153, %dma_start3A_154] : memref<4x512x8xf32, #tpu.memory_space<vmem>> -> memref<1x512x8xf32, #tpu.memory_space<vmem>>
        %dma_start3A_156 = tpu.memref_squeeze %dma_start3A_155 : memref<1x512x8xf32, #tpu.memory_space<vmem>> -> memref<512x8xf32, #tpu.memory_space<vmem>>
        %dma_start3A_157 = arith.constant 0 : i32
        %dma_start3A_158 = tpu.memref_slice %arg7[%add3A_151, %dma_start3A_157] : memref<20x512xi32, #tpu.memory_space<vmem>> -> memref<1x512xi32, #tpu.memory_space<vmem>>
        %dma_start3A_159 = tpu.memref_squeeze %dma_start3A_158 : memref<1x512xi32, #tpu.memory_space<vmem>> -> memref<512xi32, #tpu.memory_space<vmem>>
        %dma_start3A_160 = arith.constant 0 : i32
        %dma_start3A_161 = arith.constant 0 : i32
        %dma_start3A_162 = tpu.memref_slice %arg12[%dma_start3A_160, %dma_start3A_161] : memref<10112x8xf32, #tpu.memory_space<vmem_shared>> -> memref<10112x8xf32, #tpu.memory_space<vmem_shared>>
        tpu.enqueue_indirect_dma source(%dma_start3A_162 : memref<10112x8xf32, #tpu.memory_space<vmem_shared>>) target(%dma_start3A_156 : memref<512x8xf32, #tpu.memory_space<vmem>>) offsets(%dma_start3A_159 : memref<512xi32, #tpu.memory_space<vmem>>) semaphore(%arg13 : memref<!tpu.dma_semaphore, #tpu.memory_space<semaphore_mem>>)
      } else {
      }
      %add3A_87 = arith.constant 1 : i32
      %add3A_88 = arith.addi %mul3A_70, %add3A_87 : i32
      %dma_wait3A_89 = arith.constant 1 : i32
      %dma_wait3A_90 = arith.constant 0 : i32
      %dma_wait3A_91 = arith.constant 0 : i32
      %dma_wait3A_92 = tpu.memref_slice %arg9[%dma_wait3A_89, %dma_wait3A_90, %dma_wait3A_91] : memref<4x512x8xf32, #tpu.memory_space<vmem>> -> memref<1x512x8xf32, #tpu.memory_space<vmem>>
      %dma_wait3A_93 = tpu.memref_squeeze %dma_wait3A_92 : memref<1x512x8xf32, #tpu.memory_space<vmem>> -> memref<512x8xf32, #tpu.memory_space<vmem>>
      %dma_wait3A_94 = arith.constant 0 : i32
      %dma_wait3A_95 = tpu.memref_slice %arg7[%add3A_88, %dma_wait3A_94] : memref<20x512xi32, #tpu.memory_space<vmem>> -> memref<1x512xi32, #tpu.memory_space<vmem>>
      %dma_wait3A_96 = tpu.memref_squeeze %dma_wait3A_95 : memref<1x512xi32, #tpu.memory_space<vmem>> -> memref<512xi32, #tpu.memory_space<vmem>>
      %dma_wait3A_97 = arith.constant 0 : i32
      %dma_wait3A_98 = arith.constant 0 : i32
      %dma_wait3A_99 = tpu.memref_slice %arg12[%dma_wait3A_97, %dma_wait3A_98] : memref<10112x8xf32, #tpu.memory_space<vmem_shared>> -> memref<10112x8xf32, #tpu.memory_space<vmem_shared>>
      tpu.wait_indirect_dma semaphore(%arg14 : memref<!tpu.dma_semaphore, #tpu.memory_space<semaphore_mem>>) src(%dma_wait3A_99 : memref<10112x8xf32, #tpu.memory_space<vmem_shared>>) dst(%dma_wait3A_93 : memref<512x8xf32, #tpu.memory_space<vmem>>)
      %run_scoped3A_100 = arith.constant 1 : i32
      "tpu.region"() ({
        %run_scoped3A_150 = tpu.sem_alloc : memref<!tpu.dma_semaphore, #tpu.memory_space<semaphore_mem>>
        %dma_start3A_151 = arith.constant 0 : i32
        %dma_start3A_152 = arith.constant 0 : i32
        %dma_start3A_153 = tpu.memref_slice %arg9[%run_scoped3A_100, %dma_start3A_151, %dma_start3A_152] : memref<4x512x8xf32, #tpu.memory_space<vmem>> -> memref<1x512x8xf32, #tpu.memory_space<vmem>>
        %dma_start3A_154 = tpu.memref_squeeze %dma_start3A_153 : memref<1x512x8xf32, #tpu.memory_space<vmem>> -> memref<512x8xf32, #tpu.memory_space<vmem>>
        %dma_start3A_155 = arith.constant 0 : i32
        %dma_start3A_156 = tpu.memref_slice %arg8[%add3A_88, %dma_start3A_155] : memref<20x512xi32, #tpu.memory_space<vmem>> -> memref<1x512xi32, #tpu.memory_space<vmem>>
        %dma_start3A_157 = tpu.memref_squeeze %dma_start3A_156 : memref<1x512xi32, #tpu.memory_space<vmem>> -> memref<512xi32, #tpu.memory_space<vmem>>
        %dma_start3A_158 = arith.constant 0 : i32
        %dma_start3A_159 = arith.constant 0 : i32
        %dma_start3A_160 = tpu.memref_slice %arg11[%dma_start3A_158, %dma_start3A_159] : memref<10112x8xf32, #tpu.memory_space<vmem_shared>> -> memref<10112x8xf32, #tpu.memory_space<vmem_shared>>
        tpu.enqueue_indirect_dma source(%dma_start3A_154 : memref<512x8xf32, #tpu.memory_space<vmem>>) target(%dma_start3A_160 : memref<10112x8xf32, #tpu.memory_space<vmem_shared>>) offsets(%dma_start3A_157 : memref<512xi32, #tpu.memory_space<vmem>>) semaphore(%run_scoped3A_150 : memref<!tpu.dma_semaphore, #tpu.memory_space<semaphore_mem>>) {add = true}
        %dma_wait3A_161 = arith.constant 0 : i32
        %dma_wait3A_162 = arith.constant 0 : i32
        %dma_wait3A_163 = tpu.memref_slice %arg9[%run_scoped3A_100, %dma_wait3A_161, %dma_wait3A_162] : memref<4x512x8xf32, #tpu.memory_space<vmem>> -> memref<1x512x8xf32, #tpu.memory_space<vmem>>
        %dma_wait3A_164 = tpu.memref_squeeze %dma_wait3A_163 : memref<1x512x8xf32, #tpu.memory_space<vmem>> -> memref<512x8xf32, #tpu.memory_space<vmem>>
        %dma_wait3A_165 = arith.constant 0 : i32
        %dma_wait3A_166 = tpu.memref_slice %arg8[%add3A_88, %dma_wait3A_165] : memref<20x512xi32, #tpu.memory_space<vmem>> -> memref<1x512xi32, #tpu.memory_space<vmem>>
        %dma_wait3A_167 = tpu.memref_squeeze %dma_wait3A_166 : memref<1x512xi32, #tpu.memory_space<vmem>> -> memref<512xi32, #tpu.memory_space<vmem>>
        %dma_wait3A_168 = arith.constant 0 : i32
        %dma_wait3A_169 = arith.constant 0 : i32
        %dma_wait3A_170 = tpu.memref_slice %arg11[%dma_wait3A_168, %dma_wait3A_169] : memref<10112x8xf32, #tpu.memory_space<vmem_shared>> -> memref<10112x8xf32, #tpu.memory_space<vmem_shared>>
        tpu.wait_indirect_dma semaphore(%run_scoped3A_150 : memref<!tpu.dma_semaphore, #tpu.memory_space<semaphore_mem>>) src(%dma_wait3A_164 : memref<512x8xf32, #tpu.memory_space<vmem>>) dst(%dma_wait3A_170 : memref<10112x8xf32, #tpu.memory_space<vmem_shared>>)
        tpu.yield
      }) : () -> ()
      %add3A_101 = arith.constant 4 : i32
      %add3A_102 = arith.addi %add3A_88, %add3A_101 : i32
      %lt3A_103 = arith.constant 20 : i32
      %lt3A_104 = arith.cmpi slt, %add3A_102, %lt3A_103 : i32
      %convert_element_type3A_105 = arith.extui %lt3A_104 : i1 to i32
      %cond3A_106 = arith.constant 0 : i32
      %cond3A_107 = arith.cmpi ne, %convert_element_type3A_105, %cond3A_106 : i32
      scf.if %cond3A_107 {
        %add3A_150 = arith.constant 4 : i32
        %add3A_151 = arith.addi %add3A_88, %add3A_150 : i32
        %dma_start3A_152 = arith.constant 1 : i32
        %dma_start3A_153 = arith.constant 0 : i32
        %dma_start3A_154 = arith.constant 0 : i32
        %dma_start3A_155 = tpu.memref_slice %arg9[%dma_start3A_152, %dma_start3A_153, %dma_start3A_154] : memref<4x512x8xf32, #tpu.memory_space<vmem>> -> memref<1x512x8xf32, #tpu.memory_space<vmem>>
        %dma_start3A_156 = tpu.memref_squeeze %dma_start3A_155 : memref<1x512x8xf32, #tpu.memory_space<vmem>> -> memref<512x8xf32, #tpu.memory_space<vmem>>
        %dma_start3A_157 = arith.constant 0 : i32
        %dma_start3A_158 = tpu.memref_slice %arg7[%add3A_151, %dma_start3A_157] : memref<20x512xi32, #tpu.memory_space<vmem>> -> memref<1x512xi32, #tpu.memory_space<vmem>>
        %dma_start3A_159 = tpu.memref_squeeze %dma_start3A_158 : memref<1x512xi32, #tpu.memory_space<vmem>> -> memref<512xi32, #tpu.memory_space<vmem>>
        %dma_start3A_160 = arith.constant 0 : i32
        %dma_start3A_161 = arith.constant 0 : i32
        %dma_start3A_162 = tpu.memref_slice %arg12[%dma_start3A_160, %dma_start3A_161] : memref<10112x8xf32, #tpu.memory_space<vmem_shared>> -> memref<10112x8xf32, #tpu.memory_space<vmem_shared>>
        tpu.enqueue_indirect_dma source(%dma_start3A_162 : memref<10112x8xf32, #tpu.memory_space<vmem_shared>>) target(%dma_start3A_156 : memref<512x8xf32, #tpu.memory_space<vmem>>) offsets(%dma_start3A_159 : memref<512xi32, #tpu.memory_space<vmem>>) semaphore(%arg14 : memref<!tpu.dma_semaphore, #tpu.memory_space<semaphore_mem>>)
      } else {
      }
      %add3A_108 = arith.constant 2 : i32
      %add3A_109 = arith.addi %mul3A_70, %add3A_108 : i32
      %dma_wait3A_110 = arith.constant 2 : i32
      %dma_wait3A_111 = arith.constant 0 : i32
      %dma_wait3A_112 = arith.constant 0 : i32
      %dma_wait3A_113 = tpu.memref_slice %arg9[%dma_wait3A_110, %dma_wait3A_111, %dma_wait3A_112] : memref<4x512x8xf32, #tpu.memory_space<vmem>> -> memref<1x512x8xf32, #tpu.memory_space<vmem>>
      %dma_wait3A_114 = tpu.memref_squeeze %dma_wait3A_113 : memref<1x512x8xf32, #tpu.memory_space<vmem>> -> memref<512x8xf32, #tpu.memory_space<vmem>>
      %dma_wait3A_115 = arith.constant 0 : i32
      %dma_wait3A_116 = tpu.memref_slice %arg7[%add3A_109, %dma_wait3A_115] : memref<20x512xi32, #tpu.memory_space<vmem>> -> memref<1x512xi32, #tpu.memory_space<vmem>>
      %dma_wait3A_117 = tpu.memref_squeeze %dma_wait3A_116 : memref<1x512xi32, #tpu.memory_space<vmem>> -> memref<512xi32, #tpu.memory_space<vmem>>
      %dma_wait3A_118 = arith.constant 0 : i32
      %dma_wait3A_119 = arith.constant 0 : i32
      %dma_wait3A_120 = tpu.memref_slice %arg12[%dma_wait3A_118, %dma_wait3A_119] : memref<10112x8xf32, #tpu.memory_space<vmem_shared>> -> memref<10112x8xf32, #tpu.memory_space<vmem_shared>>
      tpu.wait_indirect_dma semaphore(%arg15 : memref<!tpu.dma_semaphore, #tpu.memory_space<semaphore_mem>>) src(%dma_wait3A_120 : memref<10112x8xf32, #tpu.memory_space<vmem_shared>>) dst(%dma_wait3A_114 : memref<512x8xf32, #tpu.memory_space<vmem>>)
      %run_scoped3A_121 = arith.constant 2 : i32
      "tpu.region"() ({
        %run_scoped3A_150 = tpu.sem_alloc : memref<!tpu.dma_semaphore, #tpu.memory_space<semaphore_mem>>
        %dma_start3A_151 = arith.constant 0 : i32
        %dma_start3A_152 = arith.constant 0 : i32
        %dma_start3A_153 = tpu.memref_slice %arg9[%run_scoped3A_121, %dma_start3A_151, %dma_start3A_152] : memref<4x512x8xf32, #tpu.memory_space<vmem>> -> memref<1x512x8xf32, #tpu.memory_space<vmem>>
        %dma_start3A_154 = tpu.memref_squeeze %dma_start3A_153 : memref<1x512x8xf32, #tpu.memory_space<vmem>> -> memref<512x8xf32, #tpu.memory_space<vmem>>
        %dma_start3A_155 = arith.constant 0 : i32
        %dma_start3A_156 = tpu.memref_slice %arg8[%add3A_109, %dma_start3A_155] : memref<20x512xi32, #tpu.memory_space<vmem>> -> memref<1x512xi32, #tpu.memory_space<vmem>>
        %dma_start3A_157 = tpu.memref_squeeze %dma_start3A_156 : memref<1x512xi32, #tpu.memory_space<vmem>> -> memref<512xi32, #tpu.memory_space<vmem>>
        %dma_start3A_158 = arith.constant 0 : i32
        %dma_start3A_159 = arith.constant 0 : i32
        %dma_start3A_160 = tpu.memref_slice %arg11[%dma_start3A_158, %dma_start3A_159] : memref<10112x8xf32, #tpu.memory_space<vmem_shared>> -> memref<10112x8xf32, #tpu.memory_space<vmem_shared>>
        tpu.enqueue_indirect_dma source(%dma_start3A_154 : memref<512x8xf32, #tpu.memory_space<vmem>>) target(%dma_start3A_160 : memref<10112x8xf32, #tpu.memory_space<vmem_shared>>) offsets(%dma_start3A_157 : memref<512xi32, #tpu.memory_space<vmem>>) semaphore(%run_scoped3A_150 : memref<!tpu.dma_semaphore, #tpu.memory_space<semaphore_mem>>) {add = true}
        %dma_wait3A_161 = arith.constant 0 : i32
        %dma_wait3A_162 = arith.constant 0 : i32
        %dma_wait3A_163 = tpu.memref_slice %arg9[%run_scoped3A_121, %dma_wait3A_161, %dma_wait3A_162] : memref<4x512x8xf32, #tpu.memory_space<vmem>> -> memref<1x512x8xf32, #tpu.memory_space<vmem>>
        %dma_wait3A_164 = tpu.memref_squeeze %dma_wait3A_163 : memref<1x512x8xf32, #tpu.memory_space<vmem>> -> memref<512x8xf32, #tpu.memory_space<vmem>>
        %dma_wait3A_165 = arith.constant 0 : i32
        %dma_wait3A_166 = tpu.memref_slice %arg8[%add3A_109, %dma_wait3A_165] : memref<20x512xi32, #tpu.memory_space<vmem>> -> memref<1x512xi32, #tpu.memory_space<vmem>>
        %dma_wait3A_167 = tpu.memref_squeeze %dma_wait3A_166 : memref<1x512xi32, #tpu.memory_space<vmem>> -> memref<512xi32, #tpu.memory_space<vmem>>
        %dma_wait3A_168 = arith.constant 0 : i32
        %dma_wait3A_169 = arith.constant 0 : i32
        %dma_wait3A_170 = tpu.memref_slice %arg11[%dma_wait3A_168, %dma_wait3A_169] : memref<10112x8xf32, #tpu.memory_space<vmem_shared>> -> memref<10112x8xf32, #tpu.memory_space<vmem_shared>>
        tpu.wait_indirect_dma semaphore(%run_scoped3A_150 : memref<!tpu.dma_semaphore, #tpu.memory_space<semaphore_mem>>) src(%dma_wait3A_164 : memref<512x8xf32, #tpu.memory_space<vmem>>) dst(%dma_wait3A_170 : memref<10112x8xf32, #tpu.memory_space<vmem_shared>>)
        tpu.yield
      }) : () -> ()
      %add3A_122 = arith.constant 4 : i32
      %add3A_123 = arith.addi %add3A_109, %add3A_122 : i32
      %lt3A_124 = arith.constant 20 : i32
      %lt3A_125 = arith.cmpi slt, %add3A_123, %lt3A_124 : i32
      %convert_element_type3A_126 = arith.extui %lt3A_125 : i1 to i32
      %cond3A_127 = arith.constant 0 : i32
      %cond3A_128 = arith.cmpi ne, %convert_element_type3A_126, %cond3A_127 : i32
      scf.if %cond3A_128 {
        %add3A_150 = arith.constant 4 : i32
        %add3A_151 = arith.addi %add3A_109, %add3A_150 : i32
        %dma_start3A_152 = arith.constant 2 : i32
        %dma_start3A_153 = arith.constant 0 : i32
        %dma_start3A_154 = arith.constant 0 : i32
        %dma_start3A_155 = tpu.memref_slice %arg9[%dma_start3A_152, %dma_start3A_153, %dma_start3A_154] : memref<4x512x8xf32, #tpu.memory_space<vmem>> -> memref<1x512x8xf32, #tpu.memory_space<vmem>>
        %dma_start3A_156 = tpu.memref_squeeze %dma_start3A_155 : memref<1x512x8xf32, #tpu.memory_space<vmem>> -> memref<512x8xf32, #tpu.memory_space<vmem>>
        %dma_start3A_157 = arith.constant 0 : i32
        %dma_start3A_158 = tpu.memref_slice %arg7[%add3A_151, %dma_start3A_157] : memref<20x512xi32, #tpu.memory_space<vmem>> -> memref<1x512xi32, #tpu.memory_space<vmem>>
        %dma_start3A_159 = tpu.memref_squeeze %dma_start3A_158 : memref<1x512xi32, #tpu.memory_space<vmem>> -> memref<512xi32, #tpu.memory_space<vmem>>
        %dma_start3A_160 = arith.constant 0 : i32
        %dma_start3A_161 = arith.constant 0 : i32
        %dma_start3A_162 = tpu.memref_slice %arg12[%dma_start3A_160, %dma_start3A_161] : memref<10112x8xf32, #tpu.memory_space<vmem_shared>> -> memref<10112x8xf32, #tpu.memory_space<vmem_shared>>
        tpu.enqueue_indirect_dma source(%dma_start3A_162 : memref<10112x8xf32, #tpu.memory_space<vmem_shared>>) target(%dma_start3A_156 : memref<512x8xf32, #tpu.memory_space<vmem>>) offsets(%dma_start3A_159 : memref<512xi32, #tpu.memory_space<vmem>>) semaphore(%arg15 : memref<!tpu.dma_semaphore, #tpu.memory_space<semaphore_mem>>)
      } else {
      }
      %add3A_129 = arith.constant 3 : i32
      %add3A_130 = arith.addi %mul3A_70, %add3A_129 : i32
      %dma_wait3A_131 = arith.constant 3 : i32
      %dma_wait3A_132 = arith.constant 0 : i32
      %dma_wait3A_133 = arith.constant 0 : i32
      %dma_wait3A_134 = tpu.memref_slice %arg9[%dma_wait3A_131, %dma_wait3A_132, %dma_wait3A_133] : memref<4x512x8xf32, #tpu.memory_space<vmem>> -> memref<1x512x8xf32, #tpu.memory_space<vmem>>
      %dma_wait3A_135 = tpu.memref_squeeze %dma_wait3A_134 : memref<1x512x8xf32, #tpu.memory_space<vmem>> -> memref<512x8xf32, #tpu.memory_space<vmem>>
      %dma_wait3A_136 = arith.constant 0 : i32
      %dma_wait3A_137 = tpu.memref_slice %arg7[%add3A_130, %dma_wait3A_136] : memref<20x512xi32, #tpu.memory_space<vmem>> -> memref<1x512xi32, #tpu.memory_space<vmem>>
      %dma_wait3A_138 = tpu.memref_squeeze %dma_wait3A_137 : memref<1x512xi32, #tpu.memory_space<vmem>> -> memref<512xi32, #tpu.memory_space<vmem>>
      %dma_wait3A_139 = arith.constant 0 : i32
      %dma_wait3A_140 = arith.constant 0 : i32
      %dma_wait3A_141 = tpu.memref_slice %arg12[%dma_wait3A_139, %dma_wait3A_140] : memref<10112x8xf32, #tpu.memory_space<vmem_shared>> -> memref<10112x8xf32, #tpu.memory_space<vmem_shared>>
      tpu.wait_indirect_dma semaphore(%arg16 : memref<!tpu.dma_semaphore, #tpu.memory_space<semaphore_mem>>) src(%dma_wait3A_141 : memref<10112x8xf32, #tpu.memory_space<vmem_shared>>) dst(%dma_wait3A_135 : memref<512x8xf32, #tpu.memory_space<vmem>>)
      %run_scoped3A_142 = arith.constant 3 : i32
      "tpu.region"() ({
        %run_scoped3A_150 = tpu.sem_alloc : memref<!tpu.dma_semaphore, #tpu.memory_space<semaphore_mem>>
        %dma_start3A_151 = arith.constant 0 : i32
        %dma_start3A_152 = arith.constant 0 : i32
        %dma_start3A_153 = tpu.memref_slice %arg9[%run_scoped3A_142, %dma_start3A_151, %dma_start3A_152] : memref<4x512x8xf32, #tpu.memory_space<vmem>> -> memref<1x512x8xf32, #tpu.memory_space<vmem>>
        %dma_start3A_154 = tpu.memref_squeeze %dma_start3A_153 : memref<1x512x8xf32, #tpu.memory_space<vmem>> -> memref<512x8xf32, #tpu.memory_space<vmem>>
        %dma_start3A_155 = arith.constant 0 : i32
        %dma_start3A_156 = tpu.memref_slice %arg8[%add3A_130, %dma_start3A_155] : memref<20x512xi32, #tpu.memory_space<vmem>> -> memref<1x512xi32, #tpu.memory_space<vmem>>
        %dma_start3A_157 = tpu.memref_squeeze %dma_start3A_156 : memref<1x512xi32, #tpu.memory_space<vmem>> -> memref<512xi32, #tpu.memory_space<vmem>>
        %dma_start3A_158 = arith.constant 0 : i32
        %dma_start3A_159 = arith.constant 0 : i32
        %dma_start3A_160 = tpu.memref_slice %arg11[%dma_start3A_158, %dma_start3A_159] : memref<10112x8xf32, #tpu.memory_space<vmem_shared>> -> memref<10112x8xf32, #tpu.memory_space<vmem_shared>>
        tpu.enqueue_indirect_dma source(%dma_start3A_154 : memref<512x8xf32, #tpu.memory_space<vmem>>) target(%dma_start3A_160 : memref<10112x8xf32, #tpu.memory_space<vmem_shared>>) offsets(%dma_start3A_157 : memref<512xi32, #tpu.memory_space<vmem>>) semaphore(%run_scoped3A_150 : memref<!tpu.dma_semaphore, #tpu.memory_space<semaphore_mem>>) {add = true}
        %dma_wait3A_161 = arith.constant 0 : i32
        %dma_wait3A_162 = arith.constant 0 : i32
        %dma_wait3A_163 = tpu.memref_slice %arg9[%run_scoped3A_142, %dma_wait3A_161, %dma_wait3A_162] : memref<4x512x8xf32, #tpu.memory_space<vmem>> -> memref<1x512x8xf32, #tpu.memory_space<vmem>>
        %dma_wait3A_164 = tpu.memref_squeeze %dma_wait3A_163 : memref<1x512x8xf32, #tpu.memory_space<vmem>> -> memref<512x8xf32, #tpu.memory_space<vmem>>
        %dma_wait3A_165 = arith.constant 0 : i32
        %dma_wait3A_166 = tpu.memref_slice %arg8[%add3A_130, %dma_wait3A_165] : memref<20x512xi32, #tpu.memory_space<vmem>> -> memref<1x512xi32, #tpu.memory_space<vmem>>
        %dma_wait3A_167 = tpu.memref_squeeze %dma_wait3A_166 : memref<1x512xi32, #tpu.memory_space<vmem>> -> memref<512xi32, #tpu.memory_space<vmem>>
        %dma_wait3A_168 = arith.constant 0 : i32
        %dma_wait3A_169 = arith.constant 0 : i32
        %dma_wait3A_170 = tpu.memref_slice %arg11[%dma_wait3A_168, %dma_wait3A_169] : memref<10112x8xf32, #tpu.memory_space<vmem_shared>> -> memref<10112x8xf32, #tpu.memory_space<vmem_shared>>
        tpu.wait_indirect_dma semaphore(%run_scoped3A_150 : memref<!tpu.dma_semaphore, #tpu.memory_space<semaphore_mem>>) src(%dma_wait3A_164 : memref<512x8xf32, #tpu.memory_space<vmem>>) dst(%dma_wait3A_170 : memref<10112x8xf32, #tpu.memory_space<vmem_shared>>)
        tpu.yield
      }) : () -> ()
      %add3A_143 = arith.constant 4 : i32
      %add3A_144 = arith.addi %add3A_130, %add3A_143 : i32
      %lt3A_145 = arith.constant 20 : i32
      %lt3A_146 = arith.cmpi slt, %add3A_144, %lt3A_145 : i32
      %convert_element_type3A_147 = arith.extui %lt3A_146 : i1 to i32
      %cond3A_148 = arith.constant 0 : i32
      %cond3A_149 = arith.cmpi ne, %convert_element_type3A_147, %cond3A_148 : i32
      scf.if %cond3A_149 {
        %add3A_150 = arith.constant 4 : i32
        %add3A_151 = arith.addi %add3A_130, %add3A_150 : i32
        %dma_start3A_152 = arith.constant 3 : i32
        %dma_start3A_153 = arith.constant 0 : i32
        %dma_start3A_154 = arith.constant 0 : i32
        %dma_start3A_155 = tpu.memref_slice %arg9[%dma_start3A_152, %dma_start3A_153, %dma_start3A_154] : memref<4x512x8xf32, #tpu.memory_space<vmem>> -> memref<1x512x8xf32, #tpu.memory_space<vmem>>
        %dma_start3A_156 = tpu.memref_squeeze %dma_start3A_155 : memref<1x512x8xf32, #tpu.memory_space<vmem>> -> memref<512x8xf32, #tpu.memory_space<vmem>>
        %dma_start3A_157 = arith.constant 0 : i32
        %dma_start3A_158 = tpu.memref_slice %arg7[%add3A_151, %dma_start3A_157] : memref<20x512xi32, #tpu.memory_space<vmem>> -> memref<1x512xi32, #tpu.memory_space<vmem>>
        %dma_start3A_159 = tpu.memref_squeeze %dma_start3A_158 : memref<1x512xi32, #tpu.memory_space<vmem>> -> memref<512xi32, #tpu.memory_space<vmem>>
        %dma_start3A_160 = arith.constant 0 : i32
        %dma_start3A_161 = arith.constant 0 : i32
        %dma_start3A_162 = tpu.memref_slice %arg12[%dma_start3A_160, %dma_start3A_161] : memref<10112x8xf32, #tpu.memory_space<vmem_shared>> -> memref<10112x8xf32, #tpu.memory_space<vmem_shared>>
        tpu.enqueue_indirect_dma source(%dma_start3A_162 : memref<10112x8xf32, #tpu.memory_space<vmem_shared>>) target(%dma_start3A_156 : memref<512x8xf32, #tpu.memory_space<vmem>>) offsets(%dma_start3A_159 : memref<512xi32, #tpu.memory_space<vmem>>) semaphore(%arg16 : memref<!tpu.dma_semaphore, #tpu.memory_space<semaphore_mem>>)
      } else {
      }
    }
    %scan3A_62 = arith.constant 5 : i32
    %barrier3A_63 = arith.constant 0 : index
    tpu.barrier barrier_id(%barrier3A_63)
    %mul3A_64 = arith.constant 632 : i32
    %mul3A_65 = arith.muli %arg1, %mul3A_64 : i32
    %mul3A_66 = arith.constant 632 : i32
    %mul3A_67 = arith.muli %arg1, %mul3A_66 : i32
    "tpu.region"() ({
      %run_scoped3A = tpu.sem_alloc : memref<!tpu.dma_semaphore, #tpu.memory_space<semaphore_mem>>
      %dma_start3A_68 = arith.constant 0 : i32
      %dma_start3A_69 = tpu.memref_slice %arg6[%arg0, %mul3A_67, %dma_start3A_68] : memref<2x10112x8xf32, #tpu.memory_space<hbm>> -> memref<1x632x8xf32, #tpu.memory_space<hbm>>
      %dma_start3A_70 = tpu.memref_squeeze %dma_start3A_69 : memref<1x632x8xf32, #tpu.memory_space<hbm>> -> memref<632x8xf32, #tpu.memory_space<hbm>>
      %dma_start3A_71 = arith.constant 0 : i32
      %dma_start3A_72 = tpu.memref_slice %arg11[%mul3A_65, %dma_start3A_71] : memref<10112x8xf32, #tpu.memory_space<vmem_shared>> -> memref<632x8xf32, #tpu.memory_space<vmem_shared>>
      tpu.enqueue_dma source(%dma_start3A_72 : memref<632x8xf32, #tpu.memory_space<vmem_shared>>) target(%dma_start3A_70 : memref<632x8xf32, #tpu.memory_space<hbm>>) target_semaphore(%run_scoped3A : memref<!tpu.dma_semaphore, #tpu.memory_space<semaphore_mem>>)
      %dma_wait3A = arith.constant 0 : i32
      %dma_wait3A_73 = tpu.memref_slice %arg6[%arg0, %mul3A_67, %dma_wait3A] : memref<2x10112x8xf32, #tpu.memory_space<hbm>> -> memref<1x632x8xf32, #tpu.memory_space<hbm>>
      %dma_wait3A_74 = tpu.memref_squeeze %dma_wait3A_73 : memref<1x632x8xf32, #tpu.memory_space<hbm>> -> memref<632x8xf32, #tpu.memory_space<hbm>>
      %dma_wait3A_75 = arith.constant 0 : i32
      %dma_wait3A_76 = tpu.memref_slice %arg11[%mul3A_65, %dma_wait3A_75] : memref<10112x8xf32, #tpu.memory_space<vmem_shared>> -> memref<632x8xf32, #tpu.memory_space<vmem_shared>>
      tpu.wait_dma2 semaphore(%run_scoped3A : memref<!tpu.dma_semaphore, #tpu.memory_space<semaphore_mem>>) src(%dma_wait3A_76 : memref<632x8xf32, #tpu.memory_space<vmem_shared>>) dst(%dma_wait3A_74 : memref<632x8xf32, #tpu.memory_space<hbm>>)
      tpu.yield
    }) : () -> ()
    return
  }
}

#map = affine_map<(d0, d1) -> (0, 0)>
#map1 = affine_map<(d0, d1) -> (0, 0, 0)>
module attributes {stable_mosaic.version = 14 : i64} {
  func.func @edge_pass(%arg0: i32, %arg1: i32, %arg2: memref<10112x8xf32, #tpu.memory_space<hbm>>, %arg3: memref<640x512xi32, #tpu.memory_space<hbm>>, %arg4: memref<640x512xi32, #tpu.memory_space<hbm>>, %arg5: memref<632x8xf32, #tpu.memory_space<hbm>>, %arg6: memref<2x10112x8xf32, #tpu.memory_space<hbm>>, %arg7: memref<20x512xi32, #tpu.memory_space<vmem>>, %arg8: memref<20x512xi32, #tpu.memory_space<vmem>>, %arg9: memref<4x512x8xf32, #tpu.memory_space<vmem>>, %arg10: memref<632x8xf32, #tpu.memory_space<vmem>>, %arg11: memref<10112x8xf32, #tpu.memory_space<vmem_shared>>, %arg12: memref<10112x8xf32, #tpu.memory_space<vmem_shared>>, %arg13: memref<!tpu.dma_semaphore, #tpu.memory_space<semaphore_mem>>, %arg14: memref<!tpu.dma_semaphore, #tpu.memory_space<semaphore_mem>>, %arg15: memref<!tpu.dma_semaphore, #tpu.memory_space<semaphore_mem>>, %arg16: memref<!tpu.dma_semaphore, #tpu.memory_space<semaphore_mem>>, %arg17: memref<!tpu.dma_semaphore, #tpu.memory_space<semaphore_mem>>, %arg18: memref<!tpu.dma_semaphore, #tpu.memory_space<semaphore_mem>>, %arg19: memref<!tpu.dma_semaphore, #tpu.memory_space<semaphore_mem>>, %arg20: memref<!tpu.dma_semaphore, #tpu.memory_space<semaphore_mem>>) attributes {dimension_semantics = [#tpu.dimension_semantics<core_parallel>, #tpu.dimension_semantics<subcore_parallel>], iteration_bounds = array<i64: 2, 16>, scalar_prefetch = 0 : i64, scratch_operands = 14 : i64, tpu.core_type = #tpu.core_type<sc_vector_subcore>, window_params = [{transform_indices = #map}, {transform_indices = #map}, {transform_indices = #map}, {transform_indices = #map}, {transform_indices = #map1}]} {
    %mul3A = arith.constant 16 : i32
    %mul3A_0 = arith.muli %arg0, %mul3A : i32
    %add3A = arith.addi %mul3A_0, %arg1 : i32
    %mul3A_1 = arith.constant 20 : i32
    %mul3A_2 = arith.muli %add3A, %mul3A_1 : i32
    "tpu.region"() ({
      %run_scoped3A = tpu.sem_alloc : memref<!tpu.dma_semaphore, #tpu.memory_space<semaphore_mem>>
      %dma_start3A_68 = arith.constant 0 : i32
      %dma_start3A_69 = tpu.memref_slice %arg3[%mul3A_2, %dma_start3A_68] : memref<640x512xi32, #tpu.memory_space<hbm>> -> memref<20x512xi32, #tpu.memory_space<hbm>>
      %dma_start3A_70 = arith.constant 0 : i32
      %dma_start3A_71 = tpu.memref_slice %arg3[%mul3A_2, %dma_start3A_70] : memref<640x512xi32, #tpu.memory_space<hbm>> -> memref<20x512xi32, #tpu.memory_space<hbm>>
      tpu.enqueue_dma source(%dma_start3A_71 : memref<20x512xi32, #tpu.memory_space<hbm>>) target(%arg7 : memref<20x512xi32, #tpu.memory_space<vmem>>) target_semaphore(%run_scoped3A : memref<!tpu.dma_semaphore, #tpu.memory_space<semaphore_mem>>)
      %dma_wait3A = arith.constant 0 : i32
      %dma_wait3A_72 = tpu.memref_slice %arg3[%mul3A_2, %dma_wait3A] : memref<640x512xi32, #tpu.memory_space<hbm>> -> memref<20x512xi32, #tpu.memory_space<hbm>>
      %dma_wait3A_73 = arith.constant 0 : i32
      %dma_wait3A_74 = tpu.memref_slice %arg3[%mul3A_2, %dma_wait3A_73] : memref<640x512xi32, #tpu.memory_space<hbm>> -> memref<20x512xi32, #tpu.memory_space<hbm>>
      tpu.wait_dma2 semaphore(%run_scoped3A : memref<!tpu.dma_semaphore, #tpu.memory_space<semaphore_mem>>) src(%dma_wait3A_74 : memref<20x512xi32, #tpu.memory_space<hbm>>) dst(%arg7 : memref<20x512xi32, #tpu.memory_space<vmem>>)
      tpu.yield
    }) : () -> ()
    %mul3A_3 = arith.constant 20 : i32
    %mul3A_4 = arith.muli %add3A, %mul3A_3 : i32
    "tpu.region"() ({
      %run_scoped3A = tpu.sem_alloc : memref<!tpu.dma_semaphore, #tpu.memory_space<semaphore_mem>>
      %dma_start3A_68 = arith.constant 0 : i32
      %dma_start3A_69 = tpu.memref_slice %arg4[%mul3A_4, %dma_start3A_68] : memref<640x512xi32, #tpu.memory_space<hbm>> -> memref<20x512xi32, #tpu.memory_space<hbm>>
      %dma_start3A_70 = arith.constant 0 : i32
      %dma_start3A_71 = tpu.memref_slice %arg4[%mul3A_4, %dma_start3A_70] : memref<640x512xi32, #tpu.memory_space<hbm>> -> memref<20x512xi32, #tpu.memory_space<hbm>>
      tpu.enqueue_dma source(%dma_start3A_71 : memref<20x512xi32, #tpu.memory_space<hbm>>) target(%arg8 : memref<20x512xi32, #tpu.memory_space<vmem>>) target_semaphore(%run_scoped3A : memref<!tpu.dma_semaphore, #tpu.memory_space<semaphore_mem>>)
      %dma_wait3A = arith.constant 0 : i32
      %dma_wait3A_72 = tpu.memref_slice %arg4[%mul3A_4, %dma_wait3A] : memref<640x512xi32, #tpu.memory_space<hbm>> -> memref<20x512xi32, #tpu.memory_space<hbm>>
      %dma_wait3A_73 = arith.constant 0 : i32
      %dma_wait3A_74 = tpu.memref_slice %arg4[%mul3A_4, %dma_wait3A_73] : memref<640x512xi32, #tpu.memory_space<hbm>> -> memref<20x512xi32, #tpu.memory_space<hbm>>
      tpu.wait_dma2 semaphore(%run_scoped3A : memref<!tpu.dma_semaphore, #tpu.memory_space<semaphore_mem>>) src(%dma_wait3A_74 : memref<20x512xi32, #tpu.memory_space<hbm>>) dst(%arg8 : memref<20x512xi32, #tpu.memory_space<vmem>>)
      tpu.yield
    }) : () -> ()
    %mul3A_5 = arith.constant 632 : i32
    %mul3A_6 = arith.muli %arg1, %mul3A_5 : i32
    %mul3A_7 = arith.constant 632 : i32
    %mul3A_8 = arith.muli %arg1, %mul3A_7 : i32
    "tpu.region"() ({
      %run_scoped3A = tpu.sem_alloc : memref<!tpu.dma_semaphore, #tpu.memory_space<semaphore_mem>>
      %dma_start3A_68 = arith.constant 0 : i32
      %dma_start3A_69 = tpu.memref_slice %arg12[%mul3A_8, %dma_start3A_68] : memref<10112x8xf32, #tpu.memory_space<vmem_shared>> -> memref<632x8xf32, #tpu.memory_space<vmem_shared>>
      %dma_start3A_70 = arith.constant 0 : i32
      %dma_start3A_71 = tpu.memref_slice %arg2[%mul3A_6, %dma_start3A_70] : memref<10112x8xf32, #tpu.memory_space<hbm>> -> memref<632x8xf32, #tpu.memory_space<hbm>>
      tpu.enqueue_dma source(%dma_start3A_71 : memref<632x8xf32, #tpu.memory_space<hbm>>) target(%dma_start3A_69 : memref<632x8xf32, #tpu.memory_space<vmem_shared>>) target_semaphore(%run_scoped3A : memref<!tpu.dma_semaphore, #tpu.memory_space<semaphore_mem>>)
      %dma_wait3A = arith.constant 0 : i32
      %dma_wait3A_72 = tpu.memref_slice %arg12[%mul3A_8, %dma_wait3A] : memref<10112x8xf32, #tpu.memory_space<vmem_shared>> -> memref<632x8xf32, #tpu.memory_space<vmem_shared>>
      %dma_wait3A_73 = arith.constant 0 : i32
      %dma_wait3A_74 = tpu.memref_slice %arg2[%mul3A_6, %dma_wait3A_73] : memref<10112x8xf32, #tpu.memory_space<hbm>> -> memref<632x8xf32, #tpu.memory_space<hbm>>
      tpu.wait_dma2 semaphore(%run_scoped3A : memref<!tpu.dma_semaphore, #tpu.memory_space<semaphore_mem>>) src(%dma_wait3A_74 : memref<632x8xf32, #tpu.memory_space<hbm>>) dst(%dma_wait3A_72 : memref<632x8xf32, #tpu.memory_space<vmem_shared>>)
      tpu.yield
    }) : () -> ()
    "tpu.region"() ({
      %run_scoped3A = tpu.sem_alloc : memref<!tpu.dma_semaphore, #tpu.memory_space<semaphore_mem>>
      tpu.enqueue_dma source(%arg5 : memref<632x8xf32, #tpu.memory_space<hbm>>) target(%arg10 : memref<632x8xf32, #tpu.memory_space<vmem>>) target_semaphore(%run_scoped3A : memref<!tpu.dma_semaphore, #tpu.memory_space<semaphore_mem>>)
      tpu.wait_dma2 semaphore(%run_scoped3A : memref<!tpu.dma_semaphore, #tpu.memory_space<semaphore_mem>>) src(%arg5 : memref<632x8xf32, #tpu.memory_space<hbm>>) dst(%arg10 : memref<632x8xf32, #tpu.memory_space<vmem>>)
      tpu.yield
    }) : () -> ()
    %mul3A_9 = arith.constant 632 : i32
    %mul3A_10 = arith.muli %arg1, %mul3A_9 : i32
    "tpu.region"() ({
      %run_scoped3A = tpu.sem_alloc : memref<!tpu.dma_semaphore, #tpu.memory_space<semaphore_mem>>
      %dma_start3A_68 = arith.constant 0 : i32
      %dma_start3A_69 = tpu.memref_slice %arg11[%mul3A_10, %dma_start3A_68] : memref<10112x8xf32, #tpu.memory_space<vmem_shared>> -> memref<632x8xf32, #tpu.memory_space<vmem_shared>>
      %dma_start3A_70 = arith.constant 0 : i32
      %dma_start3A_71 = tpu.memref_slice %arg11[%mul3A_10, %dma_start3A_70] : memref<10112x8xf32, #tpu.memory_space<vmem_shared>> -> memref<632x8xf32, #tpu.memory_space<vmem_shared>>
      tpu.enqueue_dma source(%arg10 : memref<632x8xf32, #tpu.memory_space<vmem>>) target(%dma_start3A_71 : memref<632x8xf32, #tpu.memory_space<vmem_shared>>) target_semaphore(%run_scoped3A : memref<!tpu.dma_semaphore, #tpu.memory_space<semaphore_mem>>)
      %dma_wait3A = arith.constant 0 : i32
      %dma_wait3A_72 = tpu.memref_slice %arg11[%mul3A_10, %dma_wait3A] : memref<10112x8xf32, #tpu.memory_space<vmem_shared>> -> memref<632x8xf32, #tpu.memory_space<vmem_shared>>
      %dma_wait3A_73 = arith.constant 0 : i32
      %dma_wait3A_74 = tpu.memref_slice %arg11[%mul3A_10, %dma_wait3A_73] : memref<10112x8xf32, #tpu.memory_space<vmem_shared>> -> memref<632x8xf32, #tpu.memory_space<vmem_shared>>
      tpu.wait_dma2 semaphore(%run_scoped3A : memref<!tpu.dma_semaphore, #tpu.memory_space<semaphore_mem>>) src(%arg10 : memref<632x8xf32, #tpu.memory_space<vmem>>) dst(%dma_wait3A_74 : memref<632x8xf32, #tpu.memory_space<vmem_shared>>)
      tpu.yield
    }) : () -> ()
    %barrier3A = arith.constant 0 : index
    tpu.barrier barrier_id(%barrier3A)
    %dma_start3A = arith.constant 0 : i32
    %dma_start3A_11 = arith.constant 0 : i32
    %dma_start3A_12 = arith.constant 0 : i32
    %dma_start3A_13 = arith.constant 0 : i32
    %dma_start3A_14 = tpu.memref_slice %arg9[%dma_start3A_11, %dma_start3A_12, %dma_start3A_13] : memref<4x512x8xf32, #tpu.memory_space<vmem>> -> memref<1x512x8xf32, #tpu.memory_space<vmem>>
    %dma_start3A_15 = tpu.memref_squeeze %dma_start3A_14 : memref<1x512x8xf32, #tpu.memory_space<vmem>> -> memref<512x8xf32, #tpu.memory_space<vmem>>
    %dma_start3A_16 = arith.constant 0 : i32
    %dma_start3A_17 = tpu.memref_slice %arg7[%dma_start3A, %dma_start3A_16] : memref<20x512xi32, #tpu.memory_space<vmem>> -> memref<1x512xi32, #tpu.memory_space<vmem>>
    %dma_start3A_18 = tpu.memref_squeeze %dma_start3A_17 : memref<1x512xi32, #tpu.memory_space<vmem>> -> memref<512xi32, #tpu.memory_space<vmem>>
    %dma_start3A_19 = arith.constant 0 : i32
    %dma_start3A_20 = arith.constant 0 : i32
    %dma_start3A_21 = tpu.memref_slice %arg12[%dma_start3A_19, %dma_start3A_20] : memref<10112x8xf32, #tpu.memory_space<vmem_shared>> -> memref<10112x8xf32, #tpu.memory_space<vmem_shared>>
    tpu.enqueue_indirect_dma source(%dma_start3A_21 : memref<10112x8xf32, #tpu.memory_space<vmem_shared>>) target(%dma_start3A_15 : memref<512x8xf32, #tpu.memory_space<vmem>>) offsets(%dma_start3A_18 : memref<512xi32, #tpu.memory_space<vmem>>) semaphore(%arg13 : memref<!tpu.dma_semaphore, #tpu.memory_space<semaphore_mem>>)
    %dma_start3A_22 = arith.constant 1 : i32
    %dma_start3A_23 = arith.constant 1 : i32
    %dma_start3A_24 = arith.constant 0 : i32
    %dma_start3A_25 = arith.constant 0 : i32
    %dma_start3A_26 = tpu.memref_slice %arg9[%dma_start3A_23, %dma_start3A_24, %dma_start3A_25] : memref<4x512x8xf32, #tpu.memory_space<vmem>> -> memref<1x512x8xf32, #tpu.memory_space<vmem>>
    %dma_start3A_27 = tpu.memref_squeeze %dma_start3A_26 : memref<1x512x8xf32, #tpu.memory_space<vmem>> -> memref<512x8xf32, #tpu.memory_space<vmem>>
    %dma_start3A_28 = arith.constant 0 : i32
    %dma_start3A_29 = tpu.memref_slice %arg7[%dma_start3A_22, %dma_start3A_28] : memref<20x512xi32, #tpu.memory_space<vmem>> -> memref<1x512xi32, #tpu.memory_space<vmem>>
    %dma_start3A_30 = tpu.memref_squeeze %dma_start3A_29 : memref<1x512xi32, #tpu.memory_space<vmem>> -> memref<512xi32, #tpu.memory_space<vmem>>
    %dma_start3A_31 = arith.constant 0 : i32
    %dma_start3A_32 = arith.constant 0 : i32
    %dma_start3A_33 = tpu.memref_slice %arg12[%dma_start3A_31, %dma_start3A_32] : memref<10112x8xf32, #tpu.memory_space<vmem_shared>> -> memref<10112x8xf32, #tpu.memory_space<vmem_shared>>
    tpu.enqueue_indirect_dma source(%dma_start3A_33 : memref<10112x8xf32, #tpu.memory_space<vmem_shared>>) target(%dma_start3A_27 : memref<512x8xf32, #tpu.memory_space<vmem>>) offsets(%dma_start3A_30 : memref<512xi32, #tpu.memory_space<vmem>>) semaphore(%arg14 : memref<!tpu.dma_semaphore, #tpu.memory_space<semaphore_mem>>)
    %dma_start3A_34 = arith.constant 2 : i32
    %dma_start3A_35 = arith.constant 2 : i32
    %dma_start3A_36 = arith.constant 0 : i32
    %dma_start3A_37 = arith.constant 0 : i32
    %dma_start3A_38 = tpu.memref_slice %arg9[%dma_start3A_35, %dma_start3A_36, %dma_start3A_37] : memref<4x512x8xf32, #tpu.memory_space<vmem>> -> memref<1x512x8xf32, #tpu.memory_space<vmem>>
    %dma_start3A_39 = tpu.memref_squeeze %dma_start3A_38 : memref<1x512x8xf32, #tpu.memory_space<vmem>> -> memref<512x8xf32, #tpu.memory_space<vmem>>
    %dma_start3A_40 = arith.constant 0 : i32
    %dma_start3A_41 = tpu.memref_slice %arg7[%dma_start3A_34, %dma_start3A_40] : memref<20x512xi32, #tpu.memory_space<vmem>> -> memref<1x512xi32, #tpu.memory_space<vmem>>
    %dma_start3A_42 = tpu.memref_squeeze %dma_start3A_41 : memref<1x512xi32, #tpu.memory_space<vmem>> -> memref<512xi32, #tpu.memory_space<vmem>>
    %dma_start3A_43 = arith.constant 0 : i32
    %dma_start3A_44 = arith.constant 0 : i32
    %dma_start3A_45 = tpu.memref_slice %arg12[%dma_start3A_43, %dma_start3A_44] : memref<10112x8xf32, #tpu.memory_space<vmem_shared>> -> memref<10112x8xf32, #tpu.memory_space<vmem_shared>>
    tpu.enqueue_indirect_dma source(%dma_start3A_45 : memref<10112x8xf32, #tpu.memory_space<vmem_shared>>) target(%dma_start3A_39 : memref<512x8xf32, #tpu.memory_space<vmem>>) offsets(%dma_start3A_42 : memref<512xi32, #tpu.memory_space<vmem>>) semaphore(%arg15 : memref<!tpu.dma_semaphore, #tpu.memory_space<semaphore_mem>>)
    %dma_start3A_46 = arith.constant 3 : i32
    %dma_start3A_47 = arith.constant 3 : i32
    %dma_start3A_48 = arith.constant 0 : i32
    %dma_start3A_49 = arith.constant 0 : i32
    %dma_start3A_50 = tpu.memref_slice %arg9[%dma_start3A_47, %dma_start3A_48, %dma_start3A_49] : memref<4x512x8xf32, #tpu.memory_space<vmem>> -> memref<1x512x8xf32, #tpu.memory_space<vmem>>
    %dma_start3A_51 = tpu.memref_squeeze %dma_start3A_50 : memref<1x512x8xf32, #tpu.memory_space<vmem>> -> memref<512x8xf32, #tpu.memory_space<vmem>>
    %dma_start3A_52 = arith.constant 0 : i32
    %dma_start3A_53 = tpu.memref_slice %arg7[%dma_start3A_46, %dma_start3A_52] : memref<20x512xi32, #tpu.memory_space<vmem>> -> memref<1x512xi32, #tpu.memory_space<vmem>>
    %dma_start3A_54 = tpu.memref_squeeze %dma_start3A_53 : memref<1x512xi32, #tpu.memory_space<vmem>> -> memref<512xi32, #tpu.memory_space<vmem>>
    %dma_start3A_55 = arith.constant 0 : i32
    %dma_start3A_56 = arith.constant 0 : i32
    %dma_start3A_57 = tpu.memref_slice %arg12[%dma_start3A_55, %dma_start3A_56] : memref<10112x8xf32, #tpu.memory_space<vmem_shared>> -> memref<10112x8xf32, #tpu.memory_space<vmem_shared>>
    tpu.enqueue_indirect_dma source(%dma_start3A_57 : memref<10112x8xf32, #tpu.memory_space<vmem_shared>>) target(%dma_start3A_51 : memref<512x8xf32, #tpu.memory_space<vmem>>) offsets(%dma_start3A_54 : memref<512xi32, #tpu.memory_space<vmem>>) semaphore(%arg16 : memref<!tpu.dma_semaphore, #tpu.memory_space<semaphore_mem>>)
    %scan3A = arith.constant 0 : i32
    %scan3A_58 = arith.constant 0 : i32
    %scan3A_59 = arith.constant 5 : i32
    %scan3A_60 = arith.addi %scan3A_58, %scan3A_59 : i32
    %scan3A_61 = arith.constant 1 : i32
    scf.for %scan3A_68 = %scan3A_58 to %scan3A_60 step %scan3A_61  : i32 {
      %mul3A_69 = arith.constant 4 : i32
      %mul3A_70 = arith.muli %scan3A_68, %mul3A_69 : i32
      %add3A_71 = arith.constant 0 : i32
      %add3A_72 = arith.addi %mul3A_70, %add3A_71 : i32
      %dma_wait3A = arith.constant 0 : i32
      %dma_wait3A_73 = arith.constant 0 : i32
      %dma_wait3A_74 = arith.constant 0 : i32
      %dma_wait3A_75 = tpu.memref_slice %arg9[%dma_wait3A, %dma_wait3A_73, %dma_wait3A_74] : memref<4x512x8xf32, #tpu.memory_space<vmem>> -> memref<1x512x8xf32, #tpu.memory_space<vmem>>
      %dma_wait3A_76 = tpu.memref_squeeze %dma_wait3A_75 : memref<1x512x8xf32, #tpu.memory_space<vmem>> -> memref<512x8xf32, #tpu.memory_space<vmem>>
      %dma_wait3A_77 = arith.constant 0 : i32
      %dma_wait3A_78 = tpu.memref_slice %arg7[%add3A_72, %dma_wait3A_77] : memref<20x512xi32, #tpu.memory_space<vmem>> -> memref<1x512xi32, #tpu.memory_space<vmem>>
      %dma_wait3A_79 = tpu.memref_squeeze %dma_wait3A_78 : memref<1x512xi32, #tpu.memory_space<vmem>> -> memref<512xi32, #tpu.memory_space<vmem>>
      %dma_wait3A_80 = arith.constant 0 : i32
      %dma_wait3A_81 = arith.constant 0 : i32
      %dma_wait3A_82 = tpu.memref_slice %arg12[%dma_wait3A_80, %dma_wait3A_81] : memref<10112x8xf32, #tpu.memory_space<vmem_shared>> -> memref<10112x8xf32, #tpu.memory_space<vmem_shared>>
      tpu.wait_indirect_dma semaphore(%arg13 : memref<!tpu.dma_semaphore, #tpu.memory_space<semaphore_mem>>) src(%dma_wait3A_82 : memref<10112x8xf32, #tpu.memory_space<vmem_shared>>) dst(%dma_wait3A_76 : memref<512x8xf32, #tpu.memory_space<vmem>>)
      %run_scoped3A = arith.constant 0 : i32
      "tpu.region"() ({
        %run_scoped3A_150 = tpu.sem_alloc : memref<!tpu.dma_semaphore, #tpu.memory_space<semaphore_mem>>
        %dma_start3A_151 = arith.constant 0 : i32
        %dma_start3A_152 = arith.constant 0 : i32
        %dma_start3A_153 = tpu.memref_slice %arg9[%run_scoped3A, %dma_start3A_151, %dma_start3A_152] : memref<4x512x8xf32, #tpu.memory_space<vmem>> -> memref<1x512x8xf32, #tpu.memory_space<vmem>>
        %dma_start3A_154 = tpu.memref_squeeze %dma_start3A_153 : memref<1x512x8xf32, #tpu.memory_space<vmem>> -> memref<512x8xf32, #tpu.memory_space<vmem>>
        %dma_start3A_155 = arith.constant 0 : i32
        %dma_start3A_156 = tpu.memref_slice %arg8[%add3A_72, %dma_start3A_155] : memref<20x512xi32, #tpu.memory_space<vmem>> -> memref<1x512xi32, #tpu.memory_space<vmem>>
        %dma_start3A_157 = tpu.memref_squeeze %dma_start3A_156 : memref<1x512xi32, #tpu.memory_space<vmem>> -> memref<512xi32, #tpu.memory_space<vmem>>
        %dma_start3A_158 = arith.constant 0 : i32
        %dma_start3A_159 = arith.constant 0 : i32
        %dma_start3A_160 = tpu.memref_slice %arg11[%dma_start3A_158, %dma_start3A_159] : memref<10112x8xf32, #tpu.memory_space<vmem_shared>> -> memref<10112x8xf32, #tpu.memory_space<vmem_shared>>
        tpu.enqueue_indirect_dma source(%dma_start3A_154 : memref<512x8xf32, #tpu.memory_space<vmem>>) target(%dma_start3A_160 : memref<10112x8xf32, #tpu.memory_space<vmem_shared>>) offsets(%dma_start3A_157 : memref<512xi32, #tpu.memory_space<vmem>>) semaphore(%run_scoped3A_150 : memref<!tpu.dma_semaphore, #tpu.memory_space<semaphore_mem>>) {add = true}
        %dma_wait3A_161 = arith.constant 0 : i32
        %dma_wait3A_162 = arith.constant 0 : i32
        %dma_wait3A_163 = tpu.memref_slice %arg9[%run_scoped3A, %dma_wait3A_161, %dma_wait3A_162] : memref<4x512x8xf32, #tpu.memory_space<vmem>> -> memref<1x512x8xf32, #tpu.memory_space<vmem>>
        %dma_wait3A_164 = tpu.memref_squeeze %dma_wait3A_163 : memref<1x512x8xf32, #tpu.memory_space<vmem>> -> memref<512x8xf32, #tpu.memory_space<vmem>>
        %dma_wait3A_165 = arith.constant 0 : i32
        %dma_wait3A_166 = tpu.memref_slice %arg8[%add3A_72, %dma_wait3A_165] : memref<20x512xi32, #tpu.memory_space<vmem>> -> memref<1x512xi32, #tpu.memory_space<vmem>>
        %dma_wait3A_167 = tpu.memref_squeeze %dma_wait3A_166 : memref<1x512xi32, #tpu.memory_space<vmem>> -> memref<512xi32, #tpu.memory_space<vmem>>
        %dma_wait3A_168 = arith.constant 0 : i32
        %dma_wait3A_169 = arith.constant 0 : i32
        %dma_wait3A_170 = tpu.memref_slice %arg11[%dma_wait3A_168, %dma_wait3A_169] : memref<10112x8xf32, #tpu.memory_space<vmem_shared>> -> memref<10112x8xf32, #tpu.memory_space<vmem_shared>>
        tpu.wait_indirect_dma semaphore(%run_scoped3A_150 : memref<!tpu.dma_semaphore, #tpu.memory_space<semaphore_mem>>) src(%dma_wait3A_164 : memref<512x8xf32, #tpu.memory_space<vmem>>) dst(%dma_wait3A_170 : memref<10112x8xf32, #tpu.memory_space<vmem_shared>>)
        tpu.yield
      }) : () -> ()
      %add3A_83 = arith.constant 4 : i32
      %add3A_84 = arith.addi %add3A_72, %add3A_83 : i32
      %lt3A = arith.constant 20 : i32
      %lt3A_85 = arith.cmpi slt, %add3A_84, %lt3A : i32
      %convert_element_type3A = arith.extui %lt3A_85 : i1 to i32
      %cond3A = arith.constant 0 : i32
      %cond3A_86 = arith.cmpi ne, %convert_element_type3A, %cond3A : i32
      scf.if %cond3A_86 {
        %add3A_150 = arith.constant 4 : i32
        %add3A_151 = arith.addi %add3A_72, %add3A_150 : i32
        %dma_start3A_152 = arith.constant 0 : i32
        %dma_start3A_153 = arith.constant 0 : i32
        %dma_start3A_154 = arith.constant 0 : i32
        %dma_start3A_155 = tpu.memref_slice %arg9[%dma_start3A_152, %dma_start3A_153, %dma_start3A_154] : memref<4x512x8xf32, #tpu.memory_space<vmem>> -> memref<1x512x8xf32, #tpu.memory_space<vmem>>
        %dma_start3A_156 = tpu.memref_squeeze %dma_start3A_155 : memref<1x512x8xf32, #tpu.memory_space<vmem>> -> memref<512x8xf32, #tpu.memory_space<vmem>>
        %dma_start3A_157 = arith.constant 0 : i32
        %dma_start3A_158 = tpu.memref_slice %arg7[%add3A_151, %dma_start3A_157] : memref<20x512xi32, #tpu.memory_space<vmem>> -> memref<1x512xi32, #tpu.memory_space<vmem>>
        %dma_start3A_159 = tpu.memref_squeeze %dma_start3A_158 : memref<1x512xi32, #tpu.memory_space<vmem>> -> memref<512xi32, #tpu.memory_space<vmem>>
        %dma_start3A_160 = arith.constant 0 : i32
        %dma_start3A_161 = arith.constant 0 : i32
        %dma_start3A_162 = tpu.memref_slice %arg12[%dma_start3A_160, %dma_start3A_161] : memref<10112x8xf32, #tpu.memory_space<vmem_shared>> -> memref<10112x8xf32, #tpu.memory_space<vmem_shared>>
        tpu.enqueue_indirect_dma source(%dma_start3A_162 : memref<10112x8xf32, #tpu.memory_space<vmem_shared>>) target(%dma_start3A_156 : memref<512x8xf32, #tpu.memory_space<vmem>>) offsets(%dma_start3A_159 : memref<512xi32, #tpu.memory_space<vmem>>) semaphore(%arg13 : memref<!tpu.dma_semaphore, #tpu.memory_space<semaphore_mem>>)
      } else {
      }
      %add3A_87 = arith.constant 1 : i32
      %add3A_88 = arith.addi %mul3A_70, %add3A_87 : i32
      %dma_wait3A_89 = arith.constant 1 : i32
      %dma_wait3A_90 = arith.constant 0 : i32
      %dma_wait3A_91 = arith.constant 0 : i32
      %dma_wait3A_92 = tpu.memref_slice %arg9[%dma_wait3A_89, %dma_wait3A_90, %dma_wait3A_91] : memref<4x512x8xf32, #tpu.memory_space<vmem>> -> memref<1x512x8xf32, #tpu.memory_space<vmem>>
      %dma_wait3A_93 = tpu.memref_squeeze %dma_wait3A_92 : memref<1x512x8xf32, #tpu.memory_space<vmem>> -> memref<512x8xf32, #tpu.memory_space<vmem>>
      %dma_wait3A_94 = arith.constant 0 : i32
      %dma_wait3A_95 = tpu.memref_slice %arg7[%add3A_88, %dma_wait3A_94] : memref<20x512xi32, #tpu.memory_space<vmem>> -> memref<1x512xi32, #tpu.memory_space<vmem>>
      %dma_wait3A_96 = tpu.memref_squeeze %dma_wait3A_95 : memref<1x512xi32, #tpu.memory_space<vmem>> -> memref<512xi32, #tpu.memory_space<vmem>>
      %dma_wait3A_97 = arith.constant 0 : i32
      %dma_wait3A_98 = arith.constant 0 : i32
      %dma_wait3A_99 = tpu.memref_slice %arg12[%dma_wait3A_97, %dma_wait3A_98] : memref<10112x8xf32, #tpu.memory_space<vmem_shared>> -> memref<10112x8xf32, #tpu.memory_space<vmem_shared>>
      tpu.wait_indirect_dma semaphore(%arg14 : memref<!tpu.dma_semaphore, #tpu.memory_space<semaphore_mem>>) src(%dma_wait3A_99 : memref<10112x8xf32, #tpu.memory_space<vmem_shared>>) dst(%dma_wait3A_93 : memref<512x8xf32, #tpu.memory_space<vmem>>)
      %run_scoped3A_100 = arith.constant 1 : i32
      "tpu.region"() ({
        %run_scoped3A_150 = tpu.sem_alloc : memref<!tpu.dma_semaphore, #tpu.memory_space<semaphore_mem>>
        %dma_start3A_151 = arith.constant 0 : i32
        %dma_start3A_152 = arith.constant 0 : i32
        %dma_start3A_153 = tpu.memref_slice %arg9[%run_scoped3A_100, %dma_start3A_151, %dma_start3A_152] : memref<4x512x8xf32, #tpu.memory_space<vmem>> -> memref<1x512x8xf32, #tpu.memory_space<vmem>>
        %dma_start3A_154 = tpu.memref_squeeze %dma_start3A_153 : memref<1x512x8xf32, #tpu.memory_space<vmem>> -> memref<512x8xf32, #tpu.memory_space<vmem>>
        %dma_start3A_155 = arith.constant 0 : i32
        %dma_start3A_156 = tpu.memref_slice %arg8[%add3A_88, %dma_start3A_155] : memref<20x512xi32, #tpu.memory_space<vmem>> -> memref<1x512xi32, #tpu.memory_space<vmem>>
        %dma_start3A_157 = tpu.memref_squeeze %dma_start3A_156 : memref<1x512xi32, #tpu.memory_space<vmem>> -> memref<512xi32, #tpu.memory_space<vmem>>
        %dma_start3A_158 = arith.constant 0 : i32
        %dma_start3A_159 = arith.constant 0 : i32
        %dma_start3A_160 = tpu.memref_slice %arg11[%dma_start3A_158, %dma_start3A_159] : memref<10112x8xf32, #tpu.memory_space<vmem_shared>> -> memref<10112x8xf32, #tpu.memory_space<vmem_shared>>
        tpu.enqueue_indirect_dma source(%dma_start3A_154 : memref<512x8xf32, #tpu.memory_space<vmem>>) target(%dma_start3A_160 : memref<10112x8xf32, #tpu.memory_space<vmem_shared>>) offsets(%dma_start3A_157 : memref<512xi32, #tpu.memory_space<vmem>>) semaphore(%run_scoped3A_150 : memref<!tpu.dma_semaphore, #tpu.memory_space<semaphore_mem>>) {add = true}
        %dma_wait3A_161 = arith.constant 0 : i32
        %dma_wait3A_162 = arith.constant 0 : i32
        %dma_wait3A_163 = tpu.memref_slice %arg9[%run_scoped3A_100, %dma_wait3A_161, %dma_wait3A_162] : memref<4x512x8xf32, #tpu.memory_space<vmem>> -> memref<1x512x8xf32, #tpu.memory_space<vmem>>
        %dma_wait3A_164 = tpu.memref_squeeze %dma_wait3A_163 : memref<1x512x8xf32, #tpu.memory_space<vmem>> -> memref<512x8xf32, #tpu.memory_space<vmem>>
        %dma_wait3A_165 = arith.constant 0 : i32
        %dma_wait3A_166 = tpu.memref_slice %arg8[%add3A_88, %dma_wait3A_165] : memref<20x512xi32, #tpu.memory_space<vmem>> -> memref<1x512xi32, #tpu.memory_space<vmem>>
        %dma_wait3A_167 = tpu.memref_squeeze %dma_wait3A_166 : memref<1x512xi32, #tpu.memory_space<vmem>> -> memref<512xi32, #tpu.memory_space<vmem>>
        %dma_wait3A_168 = arith.constant 0 : i32
        %dma_wait3A_169 = arith.constant 0 : i32
        %dma_wait3A_170 = tpu.memref_slice %arg11[%dma_wait3A_168, %dma_wait3A_169] : memref<10112x8xf32, #tpu.memory_space<vmem_shared>> -> memref<10112x8xf32, #tpu.memory_space<vmem_shared>>
        tpu.wait_indirect_dma semaphore(%run_scoped3A_150 : memref<!tpu.dma_semaphore, #tpu.memory_space<semaphore_mem>>) src(%dma_wait3A_164 : memref<512x8xf32, #tpu.memory_space<vmem>>) dst(%dma_wait3A_170 : memref<10112x8xf32, #tpu.memory_space<vmem_shared>>)
        tpu.yield
      }) : () -> ()
      %add3A_101 = arith.constant 4 : i32
      %add3A_102 = arith.addi %add3A_88, %add3A_101 : i32
      %lt3A_103 = arith.constant 20 : i32
      %lt3A_104 = arith.cmpi slt, %add3A_102, %lt3A_103 : i32
      %convert_element_type3A_105 = arith.extui %lt3A_104 : i1 to i32
      %cond3A_106 = arith.constant 0 : i32
      %cond3A_107 = arith.cmpi ne, %convert_element_type3A_105, %cond3A_106 : i32
      scf.if %cond3A_107 {
        %add3A_150 = arith.constant 4 : i32
        %add3A_151 = arith.addi %add3A_88, %add3A_150 : i32
        %dma_start3A_152 = arith.constant 1 : i32
        %dma_start3A_153 = arith.constant 0 : i32
        %dma_start3A_154 = arith.constant 0 : i32
        %dma_start3A_155 = tpu.memref_slice %arg9[%dma_start3A_152, %dma_start3A_153, %dma_start3A_154] : memref<4x512x8xf32, #tpu.memory_space<vmem>> -> memref<1x512x8xf32, #tpu.memory_space<vmem>>
        %dma_start3A_156 = tpu.memref_squeeze %dma_start3A_155 : memref<1x512x8xf32, #tpu.memory_space<vmem>> -> memref<512x8xf32, #tpu.memory_space<vmem>>
        %dma_start3A_157 = arith.constant 0 : i32
        %dma_start3A_158 = tpu.memref_slice %arg7[%add3A_151, %dma_start3A_157] : memref<20x512xi32, #tpu.memory_space<vmem>> -> memref<1x512xi32, #tpu.memory_space<vmem>>
        %dma_start3A_159 = tpu.memref_squeeze %dma_start3A_158 : memref<1x512xi32, #tpu.memory_space<vmem>> -> memref<512xi32, #tpu.memory_space<vmem>>
        %dma_start3A_160 = arith.constant 0 : i32
        %dma_start3A_161 = arith.constant 0 : i32
        %dma_start3A_162 = tpu.memref_slice %arg12[%dma_start3A_160, %dma_start3A_161] : memref<10112x8xf32, #tpu.memory_space<vmem_shared>> -> memref<10112x8xf32, #tpu.memory_space<vmem_shared>>
        tpu.enqueue_indirect_dma source(%dma_start3A_162 : memref<10112x8xf32, #tpu.memory_space<vmem_shared>>) target(%dma_start3A_156 : memref<512x8xf32, #tpu.memory_space<vmem>>) offsets(%dma_start3A_159 : memref<512xi32, #tpu.memory_space<vmem>>) semaphore(%arg14 : memref<!tpu.dma_semaphore, #tpu.memory_space<semaphore_mem>>)
      } else {
      }
      %add3A_108 = arith.constant 2 : i32
      %add3A_109 = arith.addi %mul3A_70, %add3A_108 : i32
      %dma_wait3A_110 = arith.constant 2 : i32
      %dma_wait3A_111 = arith.constant 0 : i32
      %dma_wait3A_112 = arith.constant 0 : i32
      %dma_wait3A_113 = tpu.memref_slice %arg9[%dma_wait3A_110, %dma_wait3A_111, %dma_wait3A_112] : memref<4x512x8xf32, #tpu.memory_space<vmem>> -> memref<1x512x8xf32, #tpu.memory_space<vmem>>
      %dma_wait3A_114 = tpu.memref_squeeze %dma_wait3A_113 : memref<1x512x8xf32, #tpu.memory_space<vmem>> -> memref<512x8xf32, #tpu.memory_space<vmem>>
      %dma_wait3A_115 = arith.constant 0 : i32
      %dma_wait3A_116 = tpu.memref_slice %arg7[%add3A_109, %dma_wait3A_115] : memref<20x512xi32, #tpu.memory_space<vmem>> -> memref<1x512xi32, #tpu.memory_space<vmem>>
      %dma_wait3A_117 = tpu.memref_squeeze %dma_wait3A_116 : memref<1x512xi32, #tpu.memory_space<vmem>> -> memref<512xi32, #tpu.memory_space<vmem>>
      %dma_wait3A_118 = arith.constant 0 : i32
      %dma_wait3A_119 = arith.constant 0 : i32
      %dma_wait3A_120 = tpu.memref_slice %arg12[%dma_wait3A_118, %dma_wait3A_119] : memref<10112x8xf32, #tpu.memory_space<vmem_shared>> -> memref<10112x8xf32, #tpu.memory_space<vmem_shared>>
      tpu.wait_indirect_dma semaphore(%arg15 : memref<!tpu.dma_semaphore, #tpu.memory_space<semaphore_mem>>) src(%dma_wait3A_120 : memref<10112x8xf32, #tpu.memory_space<vmem_shared>>) dst(%dma_wait3A_114 : memref<512x8xf32, #tpu.memory_space<vmem>>)
      %run_scoped3A_121 = arith.constant 2 : i32
      "tpu.region"() ({
        %run_scoped3A_150 = tpu.sem_alloc : memref<!tpu.dma_semaphore, #tpu.memory_space<semaphore_mem>>
        %dma_start3A_151 = arith.constant 0 : i32
        %dma_start3A_152 = arith.constant 0 : i32
        %dma_start3A_153 = tpu.memref_slice %arg9[%run_scoped3A_121, %dma_start3A_151, %dma_start3A_152] : memref<4x512x8xf32, #tpu.memory_space<vmem>> -> memref<1x512x8xf32, #tpu.memory_space<vmem>>
        %dma_start3A_154 = tpu.memref_squeeze %dma_start3A_153 : memref<1x512x8xf32, #tpu.memory_space<vmem>> -> memref<512x8xf32, #tpu.memory_space<vmem>>
        %dma_start3A_155 = arith.constant 0 : i32
        %dma_start3A_156 = tpu.memref_slice %arg8[%add3A_109, %dma_start3A_155] : memref<20x512xi32, #tpu.memory_space<vmem>> -> memref<1x512xi32, #tpu.memory_space<vmem>>
        %dma_start3A_157 = tpu.memref_squeeze %dma_start3A_156 : memref<1x512xi32, #tpu.memory_space<vmem>> -> memref<512xi32, #tpu.memory_space<vmem>>
        %dma_start3A_158 = arith.constant 0 : i32
        %dma_start3A_159 = arith.constant 0 : i32
        %dma_start3A_160 = tpu.memref_slice %arg11[%dma_start3A_158, %dma_start3A_159] : memref<10112x8xf32, #tpu.memory_space<vmem_shared>> -> memref<10112x8xf32, #tpu.memory_space<vmem_shared>>
        tpu.enqueue_indirect_dma source(%dma_start3A_154 : memref<512x8xf32, #tpu.memory_space<vmem>>) target(%dma_start3A_160 : memref<10112x8xf32, #tpu.memory_space<vmem_shared>>) offsets(%dma_start3A_157 : memref<512xi32, #tpu.memory_space<vmem>>) semaphore(%run_scoped3A_150 : memref<!tpu.dma_semaphore, #tpu.memory_space<semaphore_mem>>) {add = true}
        %dma_wait3A_161 = arith.constant 0 : i32
        %dma_wait3A_162 = arith.constant 0 : i32
        %dma_wait3A_163 = tpu.memref_slice %arg9[%run_scoped3A_121, %dma_wait3A_161, %dma_wait3A_162] : memref<4x512x8xf32, #tpu.memory_space<vmem>> -> memref<1x512x8xf32, #tpu.memory_space<vmem>>
        %dma_wait3A_164 = tpu.memref_squeeze %dma_wait3A_163 : memref<1x512x8xf32, #tpu.memory_space<vmem>> -> memref<512x8xf32, #tpu.memory_space<vmem>>
        %dma_wait3A_165 = arith.constant 0 : i32
        %dma_wait3A_166 = tpu.memref_slice %arg8[%add3A_109, %dma_wait3A_165] : memref<20x512xi32, #tpu.memory_space<vmem>> -> memref<1x512xi32, #tpu.memory_space<vmem>>
        %dma_wait3A_167 = tpu.memref_squeeze %dma_wait3A_166 : memref<1x512xi32, #tpu.memory_space<vmem>> -> memref<512xi32, #tpu.memory_space<vmem>>
        %dma_wait3A_168 = arith.constant 0 : i32
        %dma_wait3A_169 = arith.constant 0 : i32
        %dma_wait3A_170 = tpu.memref_slice %arg11[%dma_wait3A_168, %dma_wait3A_169] : memref<10112x8xf32, #tpu.memory_space<vmem_shared>> -> memref<10112x8xf32, #tpu.memory_space<vmem_shared>>
        tpu.wait_indirect_dma semaphore(%run_scoped3A_150 : memref<!tpu.dma_semaphore, #tpu.memory_space<semaphore_mem>>) src(%dma_wait3A_164 : memref<512x8xf32, #tpu.memory_space<vmem>>) dst(%dma_wait3A_170 : memref<10112x8xf32, #tpu.memory_space<vmem_shared>>)
        tpu.yield
      }) : () -> ()
      %add3A_122 = arith.constant 4 : i32
      %add3A_123 = arith.addi %add3A_109, %add3A_122 : i32
      %lt3A_124 = arith.constant 20 : i32
      %lt3A_125 = arith.cmpi slt, %add3A_123, %lt3A_124 : i32
      %convert_element_type3A_126 = arith.extui %lt3A_125 : i1 to i32
      %cond3A_127 = arith.constant 0 : i32
      %cond3A_128 = arith.cmpi ne, %convert_element_type3A_126, %cond3A_127 : i32
      scf.if %cond3A_128 {
        %add3A_150 = arith.constant 4 : i32
        %add3A_151 = arith.addi %add3A_109, %add3A_150 : i32
        %dma_start3A_152 = arith.constant 2 : i32
        %dma_start3A_153 = arith.constant 0 : i32
        %dma_start3A_154 = arith.constant 0 : i32
        %dma_start3A_155 = tpu.memref_slice %arg9[%dma_start3A_152, %dma_start3A_153, %dma_start3A_154] : memref<4x512x8xf32, #tpu.memory_space<vmem>> -> memref<1x512x8xf32, #tpu.memory_space<vmem>>
        %dma_start3A_156 = tpu.memref_squeeze %dma_start3A_155 : memref<1x512x8xf32, #tpu.memory_space<vmem>> -> memref<512x8xf32, #tpu.memory_space<vmem>>
        %dma_start3A_157 = arith.constant 0 : i32
        %dma_start3A_158 = tpu.memref_slice %arg7[%add3A_151, %dma_start3A_157] : memref<20x512xi32, #tpu.memory_space<vmem>> -> memref<1x512xi32, #tpu.memory_space<vmem>>
        %dma_start3A_159 = tpu.memref_squeeze %dma_start3A_158 : memref<1x512xi32, #tpu.memory_space<vmem>> -> memref<512xi32, #tpu.memory_space<vmem>>
        %dma_start3A_160 = arith.constant 0 : i32
        %dma_start3A_161 = arith.constant 0 : i32
        %dma_start3A_162 = tpu.memref_slice %arg12[%dma_start3A_160, %dma_start3A_161] : memref<10112x8xf32, #tpu.memory_space<vmem_shared>> -> memref<10112x8xf32, #tpu.memory_space<vmem_shared>>
        tpu.enqueue_indirect_dma source(%dma_start3A_162 : memref<10112x8xf32, #tpu.memory_space<vmem_shared>>) target(%dma_start3A_156 : memref<512x8xf32, #tpu.memory_space<vmem>>) offsets(%dma_start3A_159 : memref<512xi32, #tpu.memory_space<vmem>>) semaphore(%arg15 : memref<!tpu.dma_semaphore, #tpu.memory_space<semaphore_mem>>)
      } else {
      }
      %add3A_129 = arith.constant 3 : i32
      %add3A_130 = arith.addi %mul3A_70, %add3A_129 : i32
      %dma_wait3A_131 = arith.constant 3 : i32
      %dma_wait3A_132 = arith.constant 0 : i32
      %dma_wait3A_133 = arith.constant 0 : i32
      %dma_wait3A_134 = tpu.memref_slice %arg9[%dma_wait3A_131, %dma_wait3A_132, %dma_wait3A_133] : memref<4x512x8xf32, #tpu.memory_space<vmem>> -> memref<1x512x8xf32, #tpu.memory_space<vmem>>
      %dma_wait3A_135 = tpu.memref_squeeze %dma_wait3A_134 : memref<1x512x8xf32, #tpu.memory_space<vmem>> -> memref<512x8xf32, #tpu.memory_space<vmem>>
      %dma_wait3A_136 = arith.constant 0 : i32
      %dma_wait3A_137 = tpu.memref_slice %arg7[%add3A_130, %dma_wait3A_136] : memref<20x512xi32, #tpu.memory_space<vmem>> -> memref<1x512xi32, #tpu.memory_space<vmem>>
      %dma_wait3A_138 = tpu.memref_squeeze %dma_wait3A_137 : memref<1x512xi32, #tpu.memory_space<vmem>> -> memref<512xi32, #tpu.memory_space<vmem>>
      %dma_wait3A_139 = arith.constant 0 : i32
      %dma_wait3A_140 = arith.constant 0 : i32
      %dma_wait3A_141 = tpu.memref_slice %arg12[%dma_wait3A_139, %dma_wait3A_140] : memref<10112x8xf32, #tpu.memory_space<vmem_shared>> -> memref<10112x8xf32, #tpu.memory_space<vmem_shared>>
      tpu.wait_indirect_dma semaphore(%arg16 : memref<!tpu.dma_semaphore, #tpu.memory_space<semaphore_mem>>) src(%dma_wait3A_141 : memref<10112x8xf32, #tpu.memory_space<vmem_shared>>) dst(%dma_wait3A_135 : memref<512x8xf32, #tpu.memory_space<vmem>>)
      %run_scoped3A_142 = arith.constant 3 : i32
      "tpu.region"() ({
        %run_scoped3A_150 = tpu.sem_alloc : memref<!tpu.dma_semaphore, #tpu.memory_space<semaphore_mem>>
        %dma_start3A_151 = arith.constant 0 : i32
        %dma_start3A_152 = arith.constant 0 : i32
        %dma_start3A_153 = tpu.memref_slice %arg9[%run_scoped3A_142, %dma_start3A_151, %dma_start3A_152] : memref<4x512x8xf32, #tpu.memory_space<vmem>> -> memref<1x512x8xf32, #tpu.memory_space<vmem>>
        %dma_start3A_154 = tpu.memref_squeeze %dma_start3A_153 : memref<1x512x8xf32, #tpu.memory_space<vmem>> -> memref<512x8xf32, #tpu.memory_space<vmem>>
        %dma_start3A_155 = arith.constant 0 : i32
        %dma_start3A_156 = tpu.memref_slice %arg8[%add3A_130, %dma_start3A_155] : memref<20x512xi32, #tpu.memory_space<vmem>> -> memref<1x512xi32, #tpu.memory_space<vmem>>
        %dma_start3A_157 = tpu.memref_squeeze %dma_start3A_156 : memref<1x512xi32, #tpu.memory_space<vmem>> -> memref<512xi32, #tpu.memory_space<vmem>>
        %dma_start3A_158 = arith.constant 0 : i32
        %dma_start3A_159 = arith.constant 0 : i32
        %dma_start3A_160 = tpu.memref_slice %arg11[%dma_start3A_158, %dma_start3A_159] : memref<10112x8xf32, #tpu.memory_space<vmem_shared>> -> memref<10112x8xf32, #tpu.memory_space<vmem_shared>>
        tpu.enqueue_indirect_dma source(%dma_start3A_154 : memref<512x8xf32, #tpu.memory_space<vmem>>) target(%dma_start3A_160 : memref<10112x8xf32, #tpu.memory_space<vmem_shared>>) offsets(%dma_start3A_157 : memref<512xi32, #tpu.memory_space<vmem>>) semaphore(%run_scoped3A_150 : memref<!tpu.dma_semaphore, #tpu.memory_space<semaphore_mem>>) {add = true}
        %dma_wait3A_161 = arith.constant 0 : i32
        %dma_wait3A_162 = arith.constant 0 : i32
        %dma_wait3A_163 = tpu.memref_slice %arg9[%run_scoped3A_142, %dma_wait3A_161, %dma_wait3A_162] : memref<4x512x8xf32, #tpu.memory_space<vmem>> -> memref<1x512x8xf32, #tpu.memory_space<vmem>>
        %dma_wait3A_164 = tpu.memref_squeeze %dma_wait3A_163 : memref<1x512x8xf32, #tpu.memory_space<vmem>> -> memref<512x8xf32, #tpu.memory_space<vmem>>
        %dma_wait3A_165 = arith.constant 0 : i32
        %dma_wait3A_166 = tpu.memref_slice %arg8[%add3A_130, %dma_wait3A_165] : memref<20x512xi32, #tpu.memory_space<vmem>> -> memref<1x512xi32, #tpu.memory_space<vmem>>
        %dma_wait3A_167 = tpu.memref_squeeze %dma_wait3A_166 : memref<1x512xi32, #tpu.memory_space<vmem>> -> memref<512xi32, #tpu.memory_space<vmem>>
        %dma_wait3A_168 = arith.constant 0 : i32
        %dma_wait3A_169 = arith.constant 0 : i32
        %dma_wait3A_170 = tpu.memref_slice %arg11[%dma_wait3A_168, %dma_wait3A_169] : memref<10112x8xf32, #tpu.memory_space<vmem_shared>> -> memref<10112x8xf32, #tpu.memory_space<vmem_shared>>
        tpu.wait_indirect_dma semaphore(%run_scoped3A_150 : memref<!tpu.dma_semaphore, #tpu.memory_space<semaphore_mem>>) src(%dma_wait3A_164 : memref<512x8xf32, #tpu.memory_space<vmem>>) dst(%dma_wait3A_170 : memref<10112x8xf32, #tpu.memory_space<vmem_shared>>)
        tpu.yield
      }) : () -> ()
      %add3A_143 = arith.constant 4 : i32
      %add3A_144 = arith.addi %add3A_130, %add3A_143 : i32
      %lt3A_145 = arith.constant 20 : i32
      %lt3A_146 = arith.cmpi slt, %add3A_144, %lt3A_145 : i32
      %convert_element_type3A_147 = arith.extui %lt3A_146 : i1 to i32
      %cond3A_148 = arith.constant 0 : i32
      %cond3A_149 = arith.cmpi ne, %convert_element_type3A_147, %cond3A_148 : i32
      scf.if %cond3A_149 {
        %add3A_150 = arith.constant 4 : i32
        %add3A_151 = arith.addi %add3A_130, %add3A_150 : i32
        %dma_start3A_152 = arith.constant 3 : i32
        %dma_start3A_153 = arith.constant 0 : i32
        %dma_start3A_154 = arith.constant 0 : i32
        %dma_start3A_155 = tpu.memref_slice %arg9[%dma_start3A_152, %dma_start3A_153, %dma_start3A_154] : memref<4x512x8xf32, #tpu.memory_space<vmem>> -> memref<1x512x8xf32, #tpu.memory_space<vmem>>
        %dma_start3A_156 = tpu.memref_squeeze %dma_start3A_155 : memref<1x512x8xf32, #tpu.memory_space<vmem>> -> memref<512x8xf32, #tpu.memory_space<vmem>>
        %dma_start3A_157 = arith.constant 0 : i32
        %dma_start3A_158 = tpu.memref_slice %arg7[%add3A_151, %dma_start3A_157] : memref<20x512xi32, #tpu.memory_space<vmem>> -> memref<1x512xi32, #tpu.memory_space<vmem>>
        %dma_start3A_159 = tpu.memref_squeeze %dma_start3A_158 : memref<1x512xi32, #tpu.memory_space<vmem>> -> memref<512xi32, #tpu.memory_space<vmem>>
        %dma_start3A_160 = arith.constant 0 : i32
        %dma_start3A_161 = arith.constant 0 : i32
        %dma_start3A_162 = tpu.memref_slice %arg12[%dma_start3A_160, %dma_start3A_161] : memref<10112x8xf32, #tpu.memory_space<vmem_shared>> -> memref<10112x8xf32, #tpu.memory_space<vmem_shared>>
        tpu.enqueue_indirect_dma source(%dma_start3A_162 : memref<10112x8xf32, #tpu.memory_space<vmem_shared>>) target(%dma_start3A_156 : memref<512x8xf32, #tpu.memory_space<vmem>>) offsets(%dma_start3A_159 : memref<512xi32, #tpu.memory_space<vmem>>) semaphore(%arg16 : memref<!tpu.dma_semaphore, #tpu.memory_space<semaphore_mem>>)
      } else {
      }
    }
    %scan3A_62 = arith.constant 5 : i32
    %barrier3A_63 = arith.constant 0 : index
    tpu.barrier barrier_id(%barrier3A_63)
    %mul3A_64 = arith.constant 632 : i32
    %mul3A_65 = arith.muli %arg1, %mul3A_64 : i32
    %mul3A_66 = arith.constant 632 : i32
    %mul3A_67 = arith.muli %arg1, %mul3A_66 : i32
    "tpu.region"() ({
      %run_scoped3A = tpu.sem_alloc : memref<!tpu.dma_semaphore, #tpu.memory_space<semaphore_mem>>
      %dma_start3A_68 = arith.constant 0 : i32
      %dma_start3A_69 = tpu.memref_slice %arg6[%arg0, %mul3A_67, %dma_start3A_68] : memref<2x10112x8xf32, #tpu.memory_space<hbm>> -> memref<1x632x8xf32, #tpu.memory_space<hbm>>
      %dma_start3A_70 = tpu.memref_squeeze %dma_start3A_69 : memref<1x632x8xf32, #tpu.memory_space<hbm>> -> memref<632x8xf32, #tpu.memory_space<hbm>>
      %dma_start3A_71 = arith.constant 0 : i32
      %dma_start3A_72 = tpu.memref_slice %arg11[%mul3A_65, %dma_start3A_71] : memref<10112x8xf32, #tpu.memory_space<vmem_shared>> -> memref<632x8xf32, #tpu.memory_space<vmem_shared>>
      tpu.enqueue_dma source(%dma_start3A_72 : memref<632x8xf32, #tpu.memory_space<vmem_shared>>) target(%dma_start3A_70 : memref<632x8xf32, #tpu.memory_space<hbm>>) target_semaphore(%run_scoped3A : memref<!tpu.dma_semaphore, #tpu.memory_space<semaphore_mem>>)
      %dma_wait3A = arith.constant 0 : i32
      %dma_wait3A_73 = tpu.memref_slice %arg6[%arg0, %mul3A_67, %dma_wait3A] : memref<2x10112x8xf32, #tpu.memory_space<hbm>> -> memref<1x632x8xf32, #tpu.memory_space<hbm>>
      %dma_wait3A_74 = tpu.memref_squeeze %dma_wait3A_73 : memref<1x632x8xf32, #tpu.memory_space<hbm>> -> memref<632x8xf32, #tpu.memory_space<hbm>>
      %dma_wait3A_75 = arith.constant 0 : i32
      %dma_wait3A_76 = tpu.memref_slice %arg11[%mul3A_65, %dma_wait3A_75] : memref<10112x8xf32, #tpu.memory_space<vmem_shared>> -> memref<632x8xf32, #tpu.memory_space<vmem_shared>>
      tpu.wait_dma2 semaphore(%run_scoped3A : memref<!tpu.dma_semaphore, #tpu.memory_space<semaphore_mem>>) src(%dma_wait3A_76 : memref<632x8xf32, #tpu.memory_space<vmem_shared>>) dst(%dma_wait3A_74 : memref<632x8xf32, #tpu.memory_space<hbm>>)
      tpu.yield
    }) : () -> ()
    return
  }
}

module attributes {stable_mosaic.version = 14 : i64} {
  func.func @_proj_body(%arg0: memref<10000x128xf32, #tpu.memory_space<vmem>>, %arg1: memref<128x8xf32, #tpu.memory_space<vmem>>, %arg2: memref<128x8xf32, #tpu.memory_space<vmem>>, %arg3: memref<10112x16xf32, #tpu.memory_space<vmem>>, %arg4: memref<10000x8xf32, #tpu.memory_space<vmem>>) attributes {dimension_semantics = [], scalar_prefetch = 0 : i64, scratch_operands = 0 : i64, tpu.core_type = #tpu.core_type<tc>} {
    %get3A = arith.constant 0 : index
    %get3A_0 = arith.constant 0 : index
    %get3A_1 = vector.load %arg0[%get3A, %get3A_0] : memref<10000x128xf32, #tpu.memory_space<vmem>>, vector<10000x128xf32>
    %get3A_2 = arith.constant 0 : index
    %get3A_3 = arith.constant 0 : index
    %get3A_4 = vector.load %arg1[%get3A_2, %get3A_3] : memref<128x8xf32, #tpu.memory_space<vmem>>, vector<128x8xf32>
    %dot_general3A = arith.constant dense<0.000000e+00> : vector<10000x8xf32>
    %dot_general3A_5 = tpu.matmul %get3A_1, %get3A_4, %dot_general3A {dimension_numbers = #tpu.dot_dimension_numbers<[1], [0], [0], [1], [0, 0, 1, 1], [], []>, transpose_lhs_hint = false} : vector<10000x128xf32>, vector<128x8xf32>, vector<10000x8xf32> -> vector<10000x8xf32>
    %iota3A = tpu.iota {dimensions = array<i32: 1>} : vector<10000x8xi32>
    %eq3A = arith.constant 0 : i32
    %eq3A_6 = vector.broadcast %eq3A : i32 to vector<10000x8xi32>
    %eq3A_7 = arith.cmpi eq, %iota3A, %eq3A_6 : vector<10000x8xi32>
    %convert_element_type3A = arith.extui %eq3A_7 : vector<10000x8xi1> to vector<10000x8xi32>
    %convert_element_type3A_8 = arith.sitofp %convert_element_type3A : vector<10000x8xi32> to vector<10000x8xf32>
    %concatenate3A = tpu.concatenate %dot_general3A_5, %convert_element_type3A_8 in 1 : vector<10000x8xf32>, vector<10000x8xf32> -> vector<10000x16xf32>
    %swap3A = arith.constant 0 : index
    %swap3A_9 = arith.constant 0 : index
    %swap3A_10 = vector.load %arg3[%swap3A, %swap3A_9] : memref<10112x16xf32, #tpu.memory_space<vmem>>, vector<10000x16xf32>
    tpu.vector_store %arg3[%swap3A, %swap3A_9], %concatenate3A {strides = array<i32>} : memref<10112x16xf32, #tpu.memory_space<vmem>>, vector<10000x16xf32>,
    %get3A_11 = arith.constant 0 : index
    %get3A_12 = arith.constant 0 : index
    %get3A_13 = vector.load %arg2[%get3A_11, %get3A_12] : memref<128x8xf32, #tpu.memory_space<vmem>>, vector<128x8xf32>
    %dot_general3A_14 = arith.constant dense<0.000000e+00> : vector<10000x8xf32>
    %dot_general3A_15 = tpu.matmul %get3A_1, %get3A_13, %dot_general3A_14 {dimension_numbers = #tpu.dot_dimension_numbers<[1], [0], [0], [1], [0, 0, 1, 1], [], []>, transpose_lhs_hint = false} : vector<10000x128xf32>, vector<128x8xf32>, vector<10000x8xf32> -> vector<10000x8xf32>
    %swap3A_16 = arith.constant 0 : index
    %swap3A_17 = arith.constant 0 : index
    %swap3A_18 = vector.load %arg4[%swap3A_16, %swap3A_17] : memref<10000x8xf32, #tpu.memory_space<vmem>>, vector<10000x8xf32>
    tpu.vector_store %arg4[%swap3A_16, %swap3A_17], %dot_general3A_15 {strides = array<i32>} : memref<10000x8xf32, #tpu.memory_space<vmem>>, vector<10000x8xf32>,
    return
  }
}

module attributes {stable_mosaic.version = 14 : i64} {
  func.func @_layer1_body(%arg0: memref<2x10112x16xf32, #tpu.memory_space<vmem>>, %arg1: memref<10000x8xf32, #tpu.memory_space<vmem>>, %arg2: memref<1x8xf32, #tpu.memory_space<vmem>>, %arg3: memref<8x8xf32, #tpu.memory_space<vmem>>, %arg4: memref<8x8xf32, #tpu.memory_space<vmem>>, %arg5: memref<10112x8xf32, #tpu.memory_space<vmem>>, %arg6: memref<10000x8xf32, #tpu.memory_space<vmem>>, %arg7: memref<10000x1xf32, #tpu.memory_space<vmem>>) attributes {dimension_semantics = [], scalar_prefetch = 0 : i64, scratch_operands = 0 : i64, tpu.core_type = #tpu.core_type<tc>} {
    %get3A = arith.constant 0 : index
    %get3A_0 = arith.constant 0 : index
    %get3A_1 = arith.constant 0 : index
    %get3A_2 = vector.load %arg0[%get3A, %get3A_0, %get3A_1] : memref<2x10112x16xf32, #tpu.memory_space<vmem>>, vector<1x10112x16xf32>
    %get3A_3 = vector.shape_cast %get3A_2 : vector<1x10112x16xf32> to vector<10112x16xf32>
    %get3A_4 = arith.constant 1 : index
    %get3A_5 = arith.constant 0 : index
    %get3A_6 = arith.constant 0 : index
    %get3A_7 = vector.load %arg0[%get3A_4, %get3A_5, %get3A_6] : memref<2x10112x16xf32, #tpu.memory_space<vmem>>, vector<1x10112x16xf32>
    %get3A_8 = vector.shape_cast %get3A_7 : vector<1x10112x16xf32> to vector<10112x16xf32>
    %add3A = arith.addf %get3A_3, %get3A_8 : vector<10112x16xf32>
    %slice3A = vector.extract_strided_slice %add3A {offsets = [0, 0], sizes = [10000, 16], strides = [1, 1]} : vector<10112x16xf32> to vector<10000x16xf32>
    %slice3A_9 = vector.extract_strided_slice %slice3A {offsets = [0, 8], sizes = [10000, 1], strides = [1, 1]} : vector<10000x16xf32> to vector<10000x1xf32>
    %max3A = arith.constant 1.000000e+00 : f32
    %max3A_10 = vector.broadcast %max3A : f32 to vector<10000x1xf32>
    %max3A_11 = arith.maximumf %slice3A_9, %max3A_10 : vector<10000x1xf32>
    %div3A = arith.constant 1.000000e+00 : f32
    %div3A_12 = vector.broadcast %div3A : f32 to vector<10000x1xf32>
    %div3A_13 = arith.divf %div3A_12, %max3A_11 : vector<10000x1xf32>
    %swap3A = arith.constant 0 : index
    %swap3A_14 = arith.constant 0 : index
    %swap3A_15 = vector.load %arg7[%swap3A, %swap3A_14] : memref<10000x1xf32, #tpu.memory_space<vmem>>, vector<10000x1xf32>
    tpu.vector_store %arg7[%swap3A, %swap3A_14], %div3A_13 {strides = array<i32>} : memref<10000x1xf32, #tpu.memory_space<vmem>>, vector<10000x1xf32>,
    %slice3A_16 = vector.extract_strided_slice %slice3A {offsets = [0, 0], sizes = [10000, 8], strides = [1, 1]} : vector<10000x16xf32> to vector<10000x8xf32>
    %get3A_17 = arith.constant 0 : index
    %get3A_18 = arith.constant 0 : index
    %get3A_19 = vector.load %arg2[%get3A_17, %get3A_18] : memref<1x8xf32, #tpu.memory_space<vmem>>, vector<1x8xf32>
    %add3A_20 = vector.broadcast %get3A_19 : vector<1x8xf32> to vector<10000x8xf32>
    %add3A_21 = arith.addf %slice3A_16, %add3A_20 : vector<10000x8xf32>
    %get3A_22 = arith.constant 0 : index
    %get3A_23 = arith.constant 0 : index
    %get3A_24 = vector.load %arg1[%get3A_22, %get3A_23] : memref<10000x8xf32, #tpu.memory_space<vmem>>, vector<10000x8xf32>
    %add3A_25 = arith.addf %add3A_21, %get3A_24 : vector<10000x8xf32>
    %max3A_26 = arith.constant 0.000000e+00 : f32
    %max3A_27 = vector.broadcast %max3A_26 : f32 to vector<10000x8xf32>
    %max3A_28 = arith.maximumf %add3A_25, %max3A_27 : vector<10000x8xf32>
    %get3A_29 = arith.constant 0 : index
    %get3A_30 = arith.constant 0 : index
    %get3A_31 = vector.load %arg3[%get3A_29, %get3A_30] : memref<8x8xf32, #tpu.memory_space<vmem>>, vector<8x8xf32>
    %dot_general3A = arith.constant dense<0.000000e+00> : vector<10000x8xf32>
    %dot_general3A_32 = tpu.matmul %max3A_28, %get3A_31, %dot_general3A {dimension_numbers = #tpu.dot_dimension_numbers<[1], [0], [0], [1], [0, 0, 1, 1], [], []>, transpose_lhs_hint = false} : vector<10000x8xf32>, vector<8x8xf32>, vector<10000x8xf32> -> vector<10000x8xf32>
    %swap3A_33 = arith.constant 0 : index
    %swap3A_34 = arith.constant 0 : index
    %swap3A_35 = vector.load %arg5[%swap3A_33, %swap3A_34] : memref<10112x8xf32, #tpu.memory_space<vmem>>, vector<10000x8xf32>
    tpu.vector_store %arg5[%swap3A_33, %swap3A_34], %dot_general3A_32 {strides = array<i32>} : memref<10112x8xf32, #tpu.memory_space<vmem>>, vector<10000x8xf32>,
    %get3A_36 = arith.constant 0 : index
    %get3A_37 = arith.constant 0 : index
    %get3A_38 = vector.load %arg4[%get3A_36, %get3A_37] : memref<8x8xf32, #tpu.memory_space<vmem>>, vector<8x8xf32>
    %dot_general3A_39 = arith.constant dense<0.000000e+00> : vector<10000x8xf32>
    %dot_general3A_40 = tpu.matmul %max3A_28, %get3A_38, %dot_general3A_39 {dimension_numbers = #tpu.dot_dimension_numbers<[1], [0], [0], [1], [0, 0, 1, 1], [], []>, transpose_lhs_hint = false} : vector<10000x8xf32>, vector<8x8xf32>, vector<10000x8xf32> -> vector<10000x8xf32>
    %swap3A_41 = arith.constant 0 : index
    %swap3A_42 = arith.constant 0 : index
    %swap3A_43 = vector.load %arg6[%swap3A_41, %swap3A_42] : memref<10000x8xf32, #tpu.memory_space<vmem>>, vector<10000x8xf32>
    tpu.vector_store %arg6[%swap3A_41, %swap3A_42], %dot_general3A_40 {strides = array<i32>} : memref<10000x8xf32, #tpu.memory_space<vmem>>, vector<10000x8xf32>,
    return
  }
}

module attributes {stable_mosaic.version = 14 : i64} {
  func.func @_layer2_body(%arg0: memref<2x10112x8xf32, #tpu.memory_space<vmem>>, %arg1: memref<10000x8xf32, #tpu.memory_space<vmem>>, %arg2: memref<10000x1xf32, #tpu.memory_space<vmem>>, %arg3: memref<1x8xf32, #tpu.memory_space<vmem>>, %arg4: memref<8x8xf32, #tpu.memory_space<vmem>>, %arg5: memref<8x8xf32, #tpu.memory_space<vmem>>, %arg6: memref<10112x8xf32, #tpu.memory_space<vmem>>, %arg7: memref<10000x8xf32, #tpu.memory_space<vmem>>) attributes {dimension_semantics = [], scalar_prefetch = 0 : i64, scratch_operands = 0 : i64, tpu.core_type = #tpu.core_type<tc>} {
    %get3A = arith.constant 0 : index
    %get3A_0 = arith.constant 0 : index
    %get3A_1 = arith.constant 0 : index
    %get3A_2 = vector.load %arg0[%get3A, %get3A_0, %get3A_1] : memref<2x10112x8xf32, #tpu.memory_space<vmem>>, vector<1x10112x8xf32>
    %get3A_3 = vector.shape_cast %get3A_2 : vector<1x10112x8xf32> to vector<10112x8xf32>
    %get3A_4 = arith.constant 1 : index
    %get3A_5 = arith.constant 0 : index
    %get3A_6 = arith.constant 0 : index
    %get3A_7 = vector.load %arg0[%get3A_4, %get3A_5, %get3A_6] : memref<2x10112x8xf32, #tpu.memory_space<vmem>>, vector<1x10112x8xf32>
    %get3A_8 = vector.shape_cast %get3A_7 : vector<1x10112x8xf32> to vector<10112x8xf32>
    %add3A = arith.addf %get3A_3, %get3A_8 : vector<10112x8xf32>
    %slice3A = vector.extract_strided_slice %add3A {offsets = [0, 0], sizes = [10000, 8], strides = [1, 1]} : vector<10112x8xf32> to vector<10000x8xf32>
    %get3A_9 = arith.constant 0 : index
    %get3A_10 = arith.constant 0 : index
    %get3A_11 = vector.load %arg2[%get3A_9, %get3A_10] : memref<10000x1xf32, #tpu.memory_space<vmem>>, vector<10000x1xf32>
    %mul3A = vector.broadcast %get3A_11 : vector<10000x1xf32> to vector<10000x8xf32>
    %mul3A_12 = arith.mulf %slice3A, %mul3A : vector<10000x8xf32>
    %get3A_13 = arith.constant 0 : index
    %get3A_14 = arith.constant 0 : index
    %get3A_15 = vector.load %arg3[%get3A_13, %get3A_14] : memref<1x8xf32, #tpu.memory_space<vmem>>, vector<1x8xf32>
    %add3A_16 = vector.broadcast %get3A_15 : vector<1x8xf32> to vector<10000x8xf32>
    %add3A_17 = arith.addf %mul3A_12, %add3A_16 : vector<10000x8xf32>
    %get3A_18 = arith.constant 0 : index
    %get3A_19 = arith.constant 0 : index
    %get3A_20 = vector.load %arg1[%get3A_18, %get3A_19] : memref<10000x8xf32, #tpu.memory_space<vmem>>, vector<10000x8xf32>
    %add3A_21 = arith.addf %add3A_17, %get3A_20 : vector<10000x8xf32>
    %max3A = arith.constant 0.000000e+00 : f32
    %max3A_22 = vector.broadcast %max3A : f32 to vector<10000x8xf32>
    %max3A_23 = arith.maximumf %add3A_21, %max3A_22 : vector<10000x8xf32>
    %get3A_24 = arith.constant 0 : index
    %get3A_25 = arith.constant 0 : index
    %get3A_26 = vector.load %arg4[%get3A_24, %get3A_25] : memref<8x8xf32, #tpu.memory_space<vmem>>, vector<8x8xf32>
    %dot_general3A = arith.constant dense<0.000000e+00> : vector<10000x8xf32>
    %dot_general3A_27 = tpu.matmul %max3A_23, %get3A_26, %dot_general3A {dimension_numbers = #tpu.dot_dimension_numbers<[1], [0], [0], [1], [0, 0, 1, 1], [], []>, transpose_lhs_hint = false} : vector<10000x8xf32>, vector<8x8xf32>, vector<10000x8xf32> -> vector<10000x8xf32>
    %swap3A = arith.constant 0 : index
    %swap3A_28 = arith.constant 0 : index
    %swap3A_29 = vector.load %arg6[%swap3A, %swap3A_28] : memref<10112x8xf32, #tpu.memory_space<vmem>>, vector<10000x8xf32>
    tpu.vector_store %arg6[%swap3A, %swap3A_28], %dot_general3A_27 {strides = array<i32>} : memref<10112x8xf32, #tpu.memory_space<vmem>>, vector<10000x8xf32>,
    %get3A_30 = arith.constant 0 : index
    %get3A_31 = arith.constant 0 : index
    %get3A_32 = vector.load %arg5[%get3A_30, %get3A_31] : memref<8x8xf32, #tpu.memory_space<vmem>>, vector<8x8xf32>
    %dot_general3A_33 = arith.constant dense<0.000000e+00> : vector<10000x8xf32>
    %dot_general3A_34 = tpu.matmul %max3A_23, %get3A_32, %dot_general3A_33 {dimension_numbers = #tpu.dot_dimension_numbers<[1], [0], [0], [1], [0, 0, 1, 1], [], []>, transpose_lhs_hint = false} : vector<10000x8xf32>, vector<8x8xf32>, vector<10000x8xf32> -> vector<10000x8xf32>
    %swap3A_35 = arith.constant 0 : index
    %swap3A_36 = arith.constant 0 : index
    %swap3A_37 = vector.load %arg7[%swap3A_35, %swap3A_36] : memref<10000x8xf32, #tpu.memory_space<vmem>>, vector<10000x8xf32>
    tpu.vector_store %arg7[%swap3A_35, %swap3A_36], %dot_general3A_34 {strides = array<i32>} : memref<10000x8xf32, #tpu.memory_space<vmem>>, vector<10000x8xf32>,
    return
  }
}

module attributes {stable_mosaic.version = 14 : i64} {
  func.func @_final_body(%arg0: memref<2x10112x8xf32, #tpu.memory_space<vmem>>, %arg1: memref<10000x8xf32, #tpu.memory_space<vmem>>, %arg2: memref<10000x1xf32, #tpu.memory_space<vmem>>, %arg3: memref<1x8xf32, #tpu.memory_space<vmem>>, %arg4: memref<1x10000xi32, #tpu.memory_space<vmem>>, %arg5: memref<8x4xf32, #tpu.memory_space<vmem>>, %arg6: memref<1x4xf32, #tpu.memory_space<vmem>>, %arg7: memref<4x1xf32, #tpu.memory_space<vmem>>, %arg8: memref<1x1xf32, #tpu.memory_space<vmem>>, %arg9: memref<64x1xf32, #tpu.memory_space<vmem>>) attributes {dimension_semantics = [], scalar_prefetch = 0 : i64, scratch_operands = 0 : i64, tpu.core_type = #tpu.core_type<tc>} {
    %get3A = arith.constant 0 : index
    %get3A_0 = arith.constant 0 : index
    %get3A_1 = arith.constant 0 : index
    %get3A_2 = vector.load %arg0[%get3A, %get3A_0, %get3A_1] : memref<2x10112x8xf32, #tpu.memory_space<vmem>>, vector<1x10112x8xf32>
    %get3A_3 = vector.shape_cast %get3A_2 : vector<1x10112x8xf32> to vector<10112x8xf32>
    %get3A_4 = arith.constant 1 : index
    %get3A_5 = arith.constant 0 : index
    %get3A_6 = arith.constant 0 : index
    %get3A_7 = vector.load %arg0[%get3A_4, %get3A_5, %get3A_6] : memref<2x10112x8xf32, #tpu.memory_space<vmem>>, vector<1x10112x8xf32>
    %get3A_8 = vector.shape_cast %get3A_7 : vector<1x10112x8xf32> to vector<10112x8xf32>
    %add3A = arith.addf %get3A_3, %get3A_8 : vector<10112x8xf32>
    %slice3A = vector.extract_strided_slice %add3A {offsets = [0, 0], sizes = [10000, 8], strides = [1, 1]} : vector<10112x8xf32> to vector<10000x8xf32>
    %get3A_9 = arith.constant 0 : index
    %get3A_10 = arith.constant 0 : index
    %get3A_11 = vector.load %arg2[%get3A_9, %get3A_10] : memref<10000x1xf32, #tpu.memory_space<vmem>>, vector<10000x1xf32>
    %mul3A = vector.broadcast %get3A_11 : vector<10000x1xf32> to vector<10000x8xf32>
    %mul3A_12 = arith.mulf %slice3A, %mul3A : vector<10000x8xf32>
    %get3A_13 = arith.constant 0 : index
    %get3A_14 = arith.constant 0 : index
    %get3A_15 = vector.load %arg3[%get3A_13, %get3A_14] : memref<1x8xf32, #tpu.memory_space<vmem>>, vector<1x8xf32>
    %add3A_16 = vector.broadcast %get3A_15 : vector<1x8xf32> to vector<10000x8xf32>
    %add3A_17 = arith.addf %mul3A_12, %add3A_16 : vector<10000x8xf32>
    %get3A_18 = arith.constant 0 : index
    %get3A_19 = arith.constant 0 : index
    %get3A_20 = vector.load %arg1[%get3A_18, %get3A_19] : memref<10000x8xf32, #tpu.memory_space<vmem>>, vector<10000x8xf32>
    %add3A_21 = arith.addf %add3A_17, %get3A_20 : vector<10000x8xf32>
    %max3A = arith.constant 0.000000e+00 : f32
    %max3A_22 = vector.broadcast %max3A : f32 to vector<10000x8xf32>
    %max3A_23 = arith.maximumf %add3A_21, %max3A_22 : vector<10000x8xf32>
    %get3A_24 = arith.constant 0 : index
    %get3A_25 = arith.constant 0 : index
    %get3A_26 = vector.load %arg4[%get3A_24, %get3A_25] : memref<1x10000xi32, #tpu.memory_space<vmem>>, vector<1x10000xi32>
    %iota3A = tpu.iota {dimensions = array<i32: 0>} : vector<64x10000xi32>
    %eq3A = vector.broadcast %get3A_26 : vector<1x10000xi32> to vector<64x10000xi32>
    %eq3A_27 = arith.cmpi eq, %eq3A, %iota3A : vector<64x10000xi32>
    %convert_element_type3A = arith.extui %eq3A_27 : vector<64x10000xi1> to vector<64x10000xi32>
    %convert_element_type3A_28 = arith.sitofp %convert_element_type3A : vector<64x10000xi32> to vector<64x10000xf32>
    %dot_general3A = arith.constant dense<0.000000e+00> : vector<64x8xf32>
    %dot_general3A_29 = tpu.matmul %convert_element_type3A_28, %max3A_23, %dot_general3A {dimension_numbers = #tpu.dot_dimension_numbers<[1], [0], [0], [1], [0, 0, 1, 1], [], []>, transpose_lhs_hint = false} : vector<64x10000xf32>, vector<10000x8xf32>, vector<64x8xf32> -> vector<64x8xf32>
    %reduce_sum3A = arith.constant dense<0.000000e+00> : vector<64xf32>
    %reduce_sum3A_30 = vector.multi_reduction <add>, %convert_element_type3A_28, %reduce_sum3A [1] : vector<64x10000xf32> to vector<64xf32>
    %broadcast_in_dim3A = vector.shape_cast %reduce_sum3A_30 : vector<64xf32> to vector<64x1xf32>
    %max3A_31 = arith.constant 1.000000e+00 : f32
    %max3A_32 = vector.broadcast %max3A_31 : f32 to vector<64x1xf32>
    %max3A_33 = arith.maximumf %broadcast_in_dim3A, %max3A_32 : vector<64x1xf32>
    %div3A = vector.broadcast %max3A_33 : vector<64x1xf32> to vector<64x8xf32>
    %div3A_34 = arith.divf %dot_general3A_29, %div3A : vector<64x8xf32>
    %get3A_35 = arith.constant 0 : index
    %get3A_36 = arith.constant 0 : index
    %get3A_37 = vector.load %arg5[%get3A_35, %get3A_36] : memref<8x4xf32, #tpu.memory_space<vmem>>, vector<8x4xf32>
    %dot_general3A_38 = arith.constant dense<0.000000e+00> : vector<64x4xf32>
    %dot_general3A_39 = tpu.matmul %div3A_34, %get3A_37, %dot_general3A_38 {dimension_numbers = #tpu.dot_dimension_numbers<[1], [0], [0], [1], [0, 0, 1, 1], [], []>, transpose_lhs_hint = false} : vector<64x8xf32>, vector<8x4xf32>, vector<64x4xf32> -> vector<64x4xf32>
    %get3A_40 = arith.constant 0 : index
    %get3A_41 = arith.constant 0 : index
    %get3A_42 = vector.load %arg6[%get3A_40, %get3A_41] : memref<1x4xf32, #tpu.memory_space<vmem>>, vector<1x4xf32>
    %add3A_43 = vector.broadcast %get3A_42 : vector<1x4xf32> to vector<64x4xf32>
    %add3A_44 = arith.addf %dot_general3A_39, %add3A_43 : vector<64x4xf32>
    %max3A_45 = arith.constant 0.000000e+00 : f32
    %max3A_46 = vector.broadcast %max3A_45 : f32 to vector<64x4xf32>
    %max3A_47 = arith.maximumf %add3A_44, %max3A_46 : vector<64x4xf32>
    %get3A_48 = arith.constant 0 : index
    %get3A_49 = arith.constant 0 : index
    %get3A_50 = vector.load %arg7[%get3A_48, %get3A_49] : memref<4x1xf32, #tpu.memory_space<vmem>>, vector<4x1xf32>
    %dot_general3A_51 = arith.constant dense<0.000000e+00> : vector<64x1xf32>
    %dot_general3A_52 = tpu.matmul %max3A_47, %get3A_50, %dot_general3A_51 {dimension_numbers = #tpu.dot_dimension_numbers<[1], [0], [0], [1], [0, 0, 1, 1], [], []>, transpose_lhs_hint = false} : vector<64x4xf32>, vector<4x1xf32>, vector<64x1xf32> -> vector<64x1xf32>
    %get3A_53 = arith.constant 0 : index
    %get3A_54 = arith.constant 0 : index
    %get3A_55 = vector.load %arg8[%get3A_53, %get3A_54] : memref<1x1xf32, #tpu.memory_space<vmem>>, vector<1x1xf32>
    %add3A_56 = vector.broadcast %get3A_55 : vector<1x1xf32> to vector<64x1xf32>
    %add3A_57 = arith.addf %dot_general3A_52, %add3A_56 : vector<64x1xf32>
    %swap3A = arith.constant 0 : index
    %swap3A_58 = arith.constant 0 : index
    %swap3A_59 = vector.load %arg9[%swap3A, %swap3A_58] : memref<64x1xf32, #tpu.memory_space<vmem>>, vector<64x1xf32>
    tpu.vector_store %arg9[%swap3A, %swap3A_58], %add3A_57 {strides = array<i32>} : memref<64x1xf32, #tpu.memory_space<vmem>>, vector<64x1xf32>,
    return
  }
}

</mosaic_0001>

<sc_bundles>
// kernel: kernel.12.cloned.1.call-start
scs
__scs_entry_jumppad:
0x0: {  	(pc) =	sbr.rel $0x88, $3  }
0x1: {  	(tag) =	ssettag $0x0;
	lr =	simm.s32 $0x1  }
0x2: {  	[smem:$0x3F91] =	sst lr;
	_ =	strace $0xD0000000  }
0x3: {  	_ = 	snop  }
0x4: {  	_ = 	snop  }
0x5: {  	_ = 	snop  }
0x6: {  	_ = 	snop  }
0x7: {  	_ = 	snop  }
__scs_overlays_trampoline_lowered:
0x8: {  	[smem:$0x3FA0] =	sst s0  }
0x9: {  	[smem:$0x3FA1] =	sst s1  }
0xa: {  	[smem:$0x3FA2] =	sst s2  }
0xb: {  	[smem:$0x3FA3] =	sst s3  }
0xc: {  	[smem:$0x3FA4] =	sst s4  }
0xd: {  	[smem:$0x3FA5] =	sst s5  }
0xe: {  	[smem:$0x3FA6] =	sst s6  }
0xf: {  	[smem:$0x3FA7] =	sst s7  }
0x10: {  	[smem:$0x3FA8] =	sst s8  }
0x11: {  	[smem:$0x3FA9] =	sst s9;
	s0 =	simm.s32 @!p0 $0x0  }
0x12: {  	s1 =	sld [smem:$0x3F8F];
	s0 =	simm.s32 @p0 $0x1  }
0x13: {  	[smem:$0x3FAA] =	sst s0;
	s0 =	simm.s32 @!p1 $0x0  }
0x14: {  	s2 =	sld [smem:$0x3F8E];
	s0 =	simm.s32 @p1 $0x1  }
0x15: {  	[smem:$0x3FAB] =	sst s0;
	s0 =	simm.s32 @!p2 $0x0  }
0x16: {  	s3 =	sld [smem:$0x3FDB];
	s0 =	simm.s32 @p2 $0x1  }
0x17: {  	s4 =	simm.s32 $0x1BF5;
	[smem:$0x3FAD] =	sst s0  }
0x18: {  	s0 =	sld [smem:$0x3F90];
	_ =	swait.ge [sflag:s4], $0x0  }
0x19: {  	s7 =	sld [smem:$0x3F91]  }
0x1a: {  	s8 =	sadd.s32 $0xFFFFE003, lr  }
0x1b: {  	s9 =	sadd.s32 $0xFFFFFEF7, lr;
	s5 =	simm.s32 $0xFFFFFFFF;
	p2 =	slt.u32 s8, $0xFFFFF086  }
0x1c: {  	p1 =	slt.u32 s9, $0xF7A;
	s5 =	simm.s32 @!p2 $0x0  }
0x1d: {  	s5 =	simm.s32 @p1 $0x1;
	p0 =	seq.s32 s7, s2  }
0x1e: {  	s7 =	smul.u32 @!p0 $0xF7A, s2;
	p2 =	seq.s32 @!p0 s5, $0x0  }
0x1f: {  	s9 =	smul.u32 $0xF7A, s1;
	s8 =	simm.s32 @!p0 $0x1BF5;
	p2 =	por !p2, p0  }
0x20: {  	[sflag:s8] =	ssyncset.s32 @!p0 $0xFFFFF086;
	s6 =	sadd.s32 @!p0 s3, s7;
	s7 =	simm.s32 @!p0 $0x108  }
0x21: {  	s3 =	sadd.s32 s3, s9;
	s6 =	sadd.s32 @!p0 $0x88, s6;
	s7 =	simm.s32 @p2 $0x1082  }
0x22: {  	[simem:s7], [sflag:s8] =	dma.local @!p0 [hbm:s6], $0xF7A  }
0x23: {  	s9 =	sor.u32 $0xD0000000, s2;
	s6 =	simm.s32 $0x108;
	_ =	swait.ge @!p0 [sflag:s8], $0x0  }
0x24: {  	s3 =	sadd.s32 $0x88, s3;
	s6 =	simm.s32 @!p1 $0x1082;
	[sflag:s4] =	ssyncset.s32 $0xFFFFF086  }
0x25: {  	[simem:s6], [sflag:s4] =	dma.local [hbm:s3], $0xF7A  }
0x26: {  	[smem:$0x3F91] =	sst s1;
	(tag) =	ssettag s2;
	_ =	strace s9  }
0x27: {  	s1 =	sld [smem:$0x3FA1]  }
0x28: {  	s2 =	sld [smem:$0x3FA2]  }
0x29: {  	s4 =	sld [smem:$0x3FA4]  }
0x2a: {  	p0 =	seq.s32 s5, $0x0;
	s5 =	sld [smem:$0x3FA5]  }
0x2b: {  	s6 =	sld [smem:$0x3FA6]  }
0x2c: {  	s7 =	sld [smem:$0x3FA7]  }
0x2d: {  	s3 =	simm.s32 $0x108;
	s8 =	sld [smem:$0x3FA8]  }
0x2e: {  	s3 =	simm.s32 @!p0 $0x1082;
	s9 =	sld [smem:$0x3FA9]  }
0x2f: {  	lr =	sadd.s32 s0, s3;
	s0 =	sld [smem:$0x3FA0]  }
0x30: {  	s3 =	sld [smem:$0x3FA3]  }
0x31: {  	[smem:$0x3FAC] =	sst s10  }
0x32: {  	s10 =	sld [smem:$0x3FAA];
	_ =	sdelay $0x3  }
0x33: {  	p0 =	seq.s32 s10, $0x1;
	s10 =	sld [smem:$0x3FAC];
	_ =	sdelay $0x3  }
0x34: {  	[smem:$0x3FAC] =	sst s10  }
0x35: {  	s10 =	sld [smem:$0x3FAB];
	_ =	sdelay $0x3  }
0x36: {  	p1 =	seq.s32 s10, $0x1;
	s10 =	sld [smem:$0x3FAC];
	_ =	sdelay $0x3  }
0x37: {  	[smem:$0x3FAC] =	sst s10  }
0x38: {  	s10 =	sld [smem:$0x3FAD]  }
0x39: {  	_ = 	snop;
	(pc) =	sbr.ind lr, $3  }
0x3a: {  	_ = 	snop  }
0x3b: {  	_ = 	snop  }
0x3c: {  	p2 =	seq.s32 s10, $0x1;
	s10 =	sld [smem:$0x3FAC]  }
0x3d: {  	_ =	shalt  }
0x3e: {  	_ =	shalt  }
0x3f: {  	_ =	shalt  }
0x40: {  	_ =	shalt  }
0x41: {  	_ =	shalt  }
0x42: {  	_ =	shalt  }
0x43: {  	_ =	shalt  }
0x44: {  	_ =	shalt  }
0x45: {  	_ =	shalt  }
0x46: {  	_ =	shalt  }
0x47: {  	_ =	shalt  }
0x48: {  	_ =	shalt  }
0x49: {  	_ =	shalt  }
0x4a: {  	_ =	shalt  }
0x4b: {  	_ =	shalt  }
0x4c: {  	_ =	shalt  }
0x4d: {  	_ =	shalt  }
0x4e: {  	_ =	shalt  }
0x4f: {  	_ =	shalt  }
0x50: {  	_ =	shalt  }
0x51: {  	_ =	shalt  }
0x52: {  	_ =	shalt  }
0x53: {  	_ =	shalt  }
0x54: {  	_ =	shalt  }
0x55: {  	_ =	shalt  }
0x56: {  	_ =	shalt  }
0x57: {  	_ =	shalt  }
0x58: {  	_ =	shalt  }
0x59: {  	_ =	shalt  }
0x5a: {  	_ =	shalt  }
0x5b: {  	_ =	shalt  }
0x5c: {  	_ =	shalt  }
0x5d: {  	_ =	shalt  }
0x5e: {  	_ =	shalt  }
0x5f: {  	_ =	shalt  }
0x60: {  	_ =	shalt  }
0x61: {  	_ =	shalt  }
0x62: {  	_ =	shalt  }
0x63: {  	_ =	shalt  }
0x64: {  	_ =	shalt  }
0x65: {  	_ =	shalt  }
0x66: {  	_ =	shalt  }
0x67: {  	_ =	shalt  }
0x68: {  	_ =	shalt  }
0x69: {  	_ =	shalt  }
0x6a: {  	_ =	shalt  }
0x6b: {  	_ =	shalt  }
0x6c: {  	_ =	shalt  }
0x6d: {  	_ =	shalt  }
0x6e: {  	_ =	shalt  }
0x6f: {  	_ =	shalt  }
0x70: {  	_ =	shalt  }
0x71: {  	_ =	shalt  }
0x72: {  	_ =	shalt  }
0x73: {  	_ =	shalt  }
0x74: {  	_ =	shalt  }
0x75: {  	_ =	shalt  }
0x76: {  	_ =	shalt  }
0x77: {  	_ =	shalt  }
0x78: {  	_ =	shalt  }
0x79: {  	_ =	shalt  }
0x7a: {  	_ =	shalt  }
0x7b: {  	_ =	shalt  }
0x7c: {  	_ =	shalt  }
0x7d: {  	_ =	shalt  }
0x7e: {  	_ =	shalt  }
0x7f: {  	_ =	shalt  }
0x80: {  	_ =	shalt  }
0x81: {  	_ =	shalt  }
0x82: {  	_ =	shalt  }
0x83: {  	_ =	shalt  }
0x84: {  	_ =	shalt  }
0x85: {  	_ =	shalt  }
0x86: {  	_ =	shalt  }
0x87: {  	_ =	shalt  }
.Lfunc_end0:
.L_simem_size_0:
called_computation.1_lowered:
.L_overlay_start_0:
0x88: {  	s2 =	sld [smem:$0x3FD9]  }
0x89: {  	s3 =	sld [smem:$0x3FFE];
	_ =	sdelay $0x1  }
0x8a: {  	s1 =	srdreg.scid  }
0x8b: {  	s0 =	sand.u32 $0x1, s1  }
0x8c: {  	s16 =	sshll.u32 s0, $0xA;
	s2 =	sadd.s32 s3, s2  }
0x8d: {  	s2 =	sadd.s32 s2, s16  }
0x8e: {  	[smem:$0x3FB8] =	sst s2  }
0x8f: {  	_ = 	snop  }
0x90: {  	(tm) =	ssettm $0x1  }
0x91: {  	s17 =	sld [smem:$0x3FFB];
	_ =	sdelay $0x3  }
0x92: {  	_ =	strace s17  }
0x93: {  	s2 =	sld [smem:$0x3FFC];
	_ =	sdelay $0x3  }
0x94: {  	_ =	strace s2  }
0x95: {  	s2 =	sld [smem:$0x3FFD];
	_ =	sdelay $0x3  }
0x96: {  	_ =	strace s2  }
0x97: {  	_ =	strace $0x8FFFFFFF  }
0x98: {  	s18 =	sld [smem:$0x3FDB];
	_ =	sdelay $0x1  }
0x99: {  	s19 =	simm.s32 $_scs_section_size  }
0x9a: {  	s4 =	simm.s32 $_size__tile_overlayer_lowered;
	s5 =	simm.s32 $_tile_overlayer_lowered  }
0x9b: {  	s22 =	simm.s32 $0x1BFF;
	s21 =	sshll.u32 s5, $0x1;
	s2 =	sadd.s32 s19, s18  }
0x9c: {  	s6 =	simm.s32 $0x0;
	s20 =	sshll.u32 s4, $0x1;
	s4 =	sadd.s32 s21, s2  }
0x9d: {  	[timem:s6], [sflag:s22] =	dma.local [hbm:s4], s20  }
0x9e: {  	_ =	swait.ge [sflag:s22], s20  }
0x9f: {  	s3 =	ssub.s32 $0x0, s20;
	[sflag:s22] =	ssyncset.done $0x0  }
0xa0: {  	[sflag:s22] =	ssyncadd.s32 s3;
	_ =	sdelay $0x1  }
0xa1: {  	s23 =	simm.s32 $0x1B8B  }
0xa2: {  	_ =	swait.ge [sflag:s23], $0x1  }
0xa3: {  	[sflag:s23] =	ssyncset.done $0x0  }
0xa4: {  	s25 =	simm.s32 $0x1B8E;
	s24 =	sld [smem:$0x3FFE];
	[sflag:s23] =	ssyncadd.s32 $0xFFFFFFFF  }
0xa5: {  	s26 =	simm.s32 $execute0_lowered;
	[smem:$0x3FD2] =	sst s25  }
0xa6: {  	s4 =	sshll.u32 s26, $0x1;
	_ =	strace $0x80000049;
	[dreg:$0x1] =	wrdreg $0xFFFFFFFF  }
0xa7: {  	s28 =	simm.s32 $_size_execute0_lowered;
	s2 =	sadd.s32 s2, s4;
	[dreg:$0x0] =	wrdreg $0x0  }
0xa8: {  	s4 =	sshll.u32 s28, $0x1;
	[dreg:$0x2] =	wrdreg s2  }
0xa9: {  	[dreg:$0x3] =	wrdreg s4  }
0xaa: {  	[dreg:$0x4] =	wrdreg $0xC0  }
0xab: {  	_ =	task [dreg:s6], $0x5FFFF  }
0xac: {  	[dreg:$0x1] =	wrdreg $0xFFFFFFFF  }
0xad: {  	[dreg:$0x0] =	wrdreg $0x60  }
0xae: {  	[dreg:$0x2] =	wrdreg s24  }
0xaf: {  	[dreg:$0x3] =	wrdreg $0xB7800  }
0xb0: {  	[dreg:$0x4] =	wrdreg $0xA3C00  }
0xb1: {  	[dreg:$0x5] =	wrdreg $0x9  }
0xb2: {  	_ =	task.clear_ibuf [dreg:s6], $0x6FFFF;
	_ =	strace $0x90000049  }
0xb3: {  	s29 =	simm.s32 $0x9;
	_ =	strace $0x8000004B  }
0xb4: {  	_ =	swait.ge [sflag:s29], $0x1  }
0xb5: {  	[sflag:s29] =	ssyncadd.s32 $0xFFFFFFFF  }
0xb6: {  	_ =	strace $0x9000004B  }
0xb7: {  	_ =	sfence  }
0xb8: {  	s30 =	sld [smem:$0x0];
	_ =	sdelay $0x2  }
0xb9: {  	s31 =	sshll.u32 s1, $0xD;
	s1 =	sshrl.u32 s1, $0x2  }
0xba: {  	s3 =	sand.u32 $0x4000, s31;
	s1 =	sadd.s32 s1, s30  }
0xbb: {  	s0 =	sor.u32 s3, s0;
	s1 =	sshll.u32 s1, $0x11  }
0xbc: {  	s0 =	sor.u32 s1, s0  }
0xbd: {  	s0 =	sadd.s32 $0x8F2B, s0  }
0xbe: {  	[sflag:s0] =	ssyncadd.remote.s32 $0x1  }
0xbf: {  	_ =	sfence.sel $0xFFFF  }
0xc0: {  	[dreg:$0x0] =	wrdreg $0xFFFFFFFF;
	(pc) =	sbr.abs _section_cstart, $3  }
0xc1: {  	[dreg:$0x1] =	wrdreg $0xFFFFFFFF  }
0xc2: {  	_ =	task.clear_ibuf [dreg:s6], $0x2FFFF;
	_ =	strace $0x9FFFFFFF  }
0xc3: {  	(tm) =	ssettm $0x7FFFFFFF  }
tec
execute0_lowered:
.L_overlay_start_1:
0x0: {  	(tag) =	ssettag $0x1  }
0x1: {  	s5 =	rddreg [dreg:$0x0]  }
0x2: {  	s2 =	rddreg [dreg:$0x1]  }
0x3: {  	s3 =	rddreg [dreg:$0x2];
	s4 =	simm.s32 $0x0  }
0x4: {  	[smem:$0x7FF] =	sst s4;
	s10 =	sadd.s32 $0x4E00, s5  }
0x5: {  	s11 =	simm.s32 $0x800;
	_ =	strace $0x8000004A;
	[dreg:$0x4] =	wrdreg s10  }
0x6: {  	s12 =	simm.s32 $0x2A00;
	[dreg:$0xc] =	wrdreg s11  }
0x7: {  	s13 =	simm.s32 $0xA00;
	[dreg:$0xd] =	wrdreg s12  }
0x8: {  	s14 =	simm.s32 $0x2C00;
	[dreg:$0xe] =	wrdreg s13  }
0x9: {  	s15 =	simm.s32 $0xC00;
	[dreg:$0xf] =	wrdreg s14  }
0xa: {  	s16 =	simm.s32 $0x2E00;
	[dreg:$0x10] =	wrdreg s15  }
0xb: {  	s17 =	simm.s32 $0xE00;
	[dreg:$0x11] =	wrdreg s16  }
0xc: {  	s18 =	simm.s32 $0x3000;
	[dreg:$0x12] =	wrdreg s17  }
0xd: {  	s0 =	srdreg.scid;
	s19 =	simm.s32 $0x1000;
	[dreg:$0x13] =	wrdreg s18  }
0xe: {  	s1 =	stileid.u32;
	s20 =	simm.s32 $0x3200;
	[dreg:$0x14] =	wrdreg s19  }
0xf: {  	s21 =	simm.s32 $0x1200;
	s22 =	simm.s32 $0x3400;
	[dreg:$0x15] =	wrdreg s20  }
0x10: {  	s23 =	simm.s32 $0x1400;
	s0 =	sand.u32 $0x1, s0;
	[dreg:$0x16] =	wrdreg s21  }
0x11: {  	s9 =	smul.u32 $0x13C0, s1;
	s6 =	sshll.u32 s0, $0x4;
	[dreg:$0x17] =	wrdreg s22  }
0x12: {  	s8 =	smul.u32 $0x13C00, s0;
	s10 =	simm.s32 $0x600;
	[dreg:$0x18] =	wrdreg s23  }
0x13: {  	s11 =	simm.s32 $0x1C00;
	s12 =	simm.s32 $0x3E00;
	[dreg:$0xb] =	wrdreg s10  }
0x14: {  	s13 =	simm.s32 $0x1E00;
	s15 =	simm.s32 $0x4000;
	[smem:$0x7FA] =	sst s11  }
0x15: {  	s6 =	sor.u32 s1, s6;
	s7 =	sshrl.u32 s9, $0x3;
	[smem:$0x7FB] =	sst s12  }
0x16: {  	s26 =	sadd.s32 s9, s2;
	s10 =	simm.s32 $0x3C00;
	[smem:$0x7FC] =	sst s13  }
0x17: {  	[smem:$0x7FD] =	sst s15;
	s6 =	smul.u32 $0x500, s6;
	s7 =	sadd.s32 s7, s5  }
0x18: {  	s8 =	sadd.s32 s9, s8;
	[dreg:$0x1f] =	wrdreg s10;
	s25 =	sadd.s32 $0x2600, s7  }
0x19: {  	s8 =	sshrl.u32 s8, $0x3;
	s7 =	sshrl.u32 s26, $0x3;
	[dreg:$0x7] =	wrdreg s25  }
0x1a: {  	s26 =	simm.s32 $0x3800;
	s6 =	sadd.s32 s6, s5;
	[dreg:$0x9] =	wrdreg s7  }
0x1b: {  	s5 =	sadd.s32 s8, s5;
	s8 =	simm.s32 $0x400;
	[dreg:$0x1b] =	wrdreg s26  }
0x1c: {  	s25 =	simm.s32 $0x1600;
	[dreg:$0xa] =	wrdreg s8  }
0x1d: {  	s7 =	simm.s32 $0x3A00;
	[dreg:$0x1a] =	wrdreg s25  }
0x1e: {  	s24 =	sadd.s32 $0x11600, s6;
	[dreg:$0x1d] =	wrdreg s7  }
0x1f: {  	s6 =	sadd.s32 $0x7600, s6;
	[dreg:$0x5] =	wrdreg s24  }
0x20: {  	s5 =	sadd.s32 $0x1B600, s5;
	[dreg:$0x6] =	wrdreg s6  }
0x21: {  	s8 =	simm.s32 $0x1A00;
	[dreg:$0x8] =	wrdreg s5  }
0x22: {  	s24 =	simm.s32 $0x3600;
	[dreg:$0x1e] =	wrdreg s8  }
0x23: {  	s6 =	simm.s32 $0x1800;
	[dreg:$0x19] =	wrdreg s24  }
0x24: {  	[dreg:$0x1c] =	wrdreg s6  }
0x25: {  	s5 =	simm.s32 $0x5;
	s14 =	rddreg [dreg:$0x5]  }
0x26: {  	[tilespmem:s4], [sflag:$0x5] =	stream.linear.gather [hbm4b:s14+s4], $0x2800, $0x38;
	[tilespmem:$0xCB40] =	vst v63  }
0x27: {  	_ =	swait.ge [sflag:s5], $0x2800  }
0x28: {  	[sflag:s5] =	ssyncset.done $0x0  }
0x29: {  	s6 =	simm.s32 $0x2800;
	s16 =	rddreg [dreg:$0x6];
	[sflag:s5] =	ssyncadd.s32 $0xFFFFD800  }
0x2a: {  	[tilespmem:s6], [sflag:$0x5] =	stream.linear.gather [hbm4b:s16+s4], $0x2800, $0x38;
	[tilespmem:$0xCB40] =	vst v63  }
0x2b: {  	_ =	swait.ge [sflag:s5], $0x2800  }
0x2c: {  	s19 =	sshll.u32 s1, $0x6;
	s17 =	rddreg [dreg:$0x7];
	[sflag:s5] =	ssyncset.done $0x0  }
0x2d: {  	s7 =	sor.u32 $0x1C05, s19;
	s18 =	rddreg [dreg:$0x9];
	[sflag:s5] =	ssyncadd.s32 $0xFFFFD800  }
0x2e: {  	[spmem:s18], [sflag:s7] =	dma.local [hbm:s17], $0x278  }
0x2f: {  	_ =	swait.ge [sflag:s5], $0x278  }
0x30: {  	[sflag:s5] =	ssyncset.done $0x0  }
0x31: {  	s8 =	simm.s32 $0x9000;
	s20 =	rddreg [dreg:$0x4];
	[sflag:s5] =	ssyncadd.s32 $0xFFFFFD88  }
0x32: {  	[tilespmem:s8], [sflag:$0x5] =	stream.linear.gather [hbm4b:s20+s4], $0x13C0, $0x38;
	[tilespmem:$0xCB40] =	vst v63  }
0x33: {  	_ =	swait.ge [sflag:s5], $0x13C0  }
0x34: {  	[sflag:s5] =	ssyncset.done $0x0  }
0x35: {  	s9 =	sadd.s32 s9, s3;
	[sflag:s5] =	ssyncadd.s32 $0xFFFFEC40  }
0x36: {  	[spmem:s9] =	stream.linear.scatter [tilespmem:s8], [sflag:$0x5], $0x13C0, $0x38;
	[tilespmem:$0xCB40] =	vst v63  }
0x37: {  	_ =	swait.ge [sflag:s5], $0x13C0  }
0x38: {  	[sflag:s5] =	ssyncset.done $0x0  }
0x39: {  	[sflag:s5] =	ssyncadd.s32 $0xFFFFEC40  }
0x3a: {  	s11 =	simm.s32 $0x5000;
	s10 =	simm.s32 $0x200;
	[bflag:$0x0] =	sbarrier.arrive $0xFFFF  }
0x3b: {  	[tilespmem:s11], [sflag:$0x1] =	stream.indirect.gather [spmem:s2], $0x8, s4, s10, $0xb8;
	[tilespmem:$0xCB40] =	vst v63  }
0x3c: {  	s12 =	simm.s32 $0x6000  }
0x3d: {  	[tilespmem:s12], [sflag:$0x2] =	stream.indirect.gather [spmem:s2], $0x8, s10, s10, $0xb8;
	[tilespmem:$0xCB40] =	vst v63  }
0x3e: {  	s13 =	simm.s32 $0x7000;
	s14 =	rddreg [dreg:$0xa]  }
0x3f: {  	[tilespmem:s13], [sflag:$0x3] =	stream.indirect.gather [spmem:s2], $0x8, s14, s10, $0xb8;
	[tilespmem:$0xCB40] =	vst v63  }
0x40: {  	s15 =	simm.s32 $0x1;
	s16 =	rddreg [dreg:$0xb];
	s14 =	simm.s32 $0x8000  }
0x41: {  	[tilespmem:s14], [sflag:$0x4] =	stream.indirect.gather [spmem:s2], $0x8, s16, s10, $0xb8;
	[tilespmem:$0xCB40] =	vst v63  }
0x42: {  	_ =	swait.ge [sflag:s15], $0x1000  }
0x43: {  	[sflag:s15] =	ssyncset.done $0x0  }
0x44: {  	[sflag:s15] =	ssyncadd.s32 $0xFFFFF000  }
0x45: {  	[spmem:s3] =	stream.indirect.scatter.add.f32 [tilespmem:s11], [sflag:$0x5], $0x8, s6, s10, $0xb8;
	[tilespmem:$0xCB40] =	vst v63  }
0x46: {  	_ =	swait.ge [sflag:s5], $0x1000  }
0x47: {  	[sflag:s5] =	ssyncset.done $0x0  }
0x48: {  	s16 =	simm.s32 $0x2;
	s17 =	rddreg [dreg:$0xc];
	[sflag:s5] =	ssyncadd.s32 $0xFFFFF000  }
0x49: {  	[tilespmem:s11], [sflag:$0x1] =	stream.indirect.gather [spmem:s2], $0x8, s17, s10, $0xb8;
	[tilespmem:$0xCB40] =	vst v63  }
0x4a: {  	_ =	swait.ge [sflag:s16], $0x1000  }
0x4b: {  	[sflag:s16] =	ssyncset.done $0x0  }
0x4c: {  	s21 =	rddreg [dreg:$0xd];
	[sflag:s16] =	ssyncadd.s32 $0xFFFFF000  }
0x4d: {  	[spmem:s3] =	stream.indirect.scatter.add.f32 [tilespmem:s12], [sflag:$0x5], $0x8, s21, s10, $0xb8;
	[tilespmem:$0xCB40] =	vst v63  }
0x4e: {  	_ =	swait.ge [sflag:s5], $0x1000  }
0x4f: {  	[sflag:s5] =	ssyncset.done $0x0  }
0x50: {  	s17 =	simm.s32 $0x3;
	s18 =	rddreg [dreg:$0xe];
	[sflag:s5] =	ssyncadd.s32 $0xFFFFF000  }
0x51: {  	[tilespmem:s12], [sflag:$0x2] =	stream.indirect.gather [spmem:s2], $0x8, s18, s10, $0xb8;
	[tilespmem:$0xCB40] =	vst v63  }
0x52: {  	_ =	swait.ge [sflag:s17], $0x1000  }
0x53: {  	[sflag:s17] =	ssyncset.done $0x0  }
0x54: {  	s22 =	rddreg [dreg:$0xf];
	[sflag:s17] =	ssyncadd.s32 $0xFFFFF000  }
0x55: {  	[spmem:s3] =	stream.indirect.scatter.add.f32 [tilespmem:s13], [sflag:$0x5], $0x8, s22, s10, $0xb8;
	[tilespmem:$0xCB40] =	vst v63  }
0x56: {  	_ =	swait.ge [sflag:s5], $0x1000  }
0x57: {  	[sflag:s5] =	ssyncset.done $0x0  }
0x58: {  	s18 =	simm.s32 $0x4;
	s19 =	rddreg [dreg:$0x10];
	[sflag:s5] =	ssyncadd.s32 $0xFFFFF000  }
0x59: {  	[tilespmem:s13], [sflag:$0x3] =	stream.indirect.gather [spmem:s2], $0x8, s19, s10, $0xb8;
	[tilespmem:$0xCB40] =	vst v63  }
0x5a: {  	_ =	swait.ge [sflag:s18], $0x1000  }
0x5b: {  	[sflag:s18] =	ssyncset.done $0x0  }
0x5c: {  	s23 =	rddreg [dreg:$0x11];
	[sflag:s18] =	ssyncadd.s32 $0xFFFFF000  }
0x5d: {  	[spmem:s3] =	stream.indirect.scatter.add.f32 [tilespmem:s14], [sflag:$0x5], $0x8, s23, s10, $0xb8;
	[tilespmem:$0xCB40] =	vst v63  }
0x5e: {  	_ =	swait.ge [sflag:s5], $0x1000  }
0x5f: {  	[sflag:s5] =	ssyncset.done $0x0  }
0x60: {  	s24 =	rddreg [dreg:$0x12];
	[sflag:s5] =	ssyncadd.s32 $0xFFFFF000  }
0x61: {  	[tilespmem:s14], [sflag:$0x4] =	stream.indirect.gather [spmem:s2], $0x8, s24, s10, $0xb8;
	[tilespmem:$0xCB40] =	vst v63  }
0x62: {  	_ =	swait.ge [sflag:s15], $0x1000  }
0x63: {  	[sflag:s15] =	ssyncset.done $0x0  }
0x64: {  	s25 =	rddreg [dreg:$0x13];
	[sflag:s15] =	ssyncadd.s32 $0xFFFFF000  }
0x65: {  	[spmem:s3] =	stream.indirect.scatter.add.f32 [tilespmem:s11], [sflag:$0x5], $0x8, s25, s10, $0xb8;
	[tilespmem:$0xCB40] =	vst v63  }
0x66: {  	_ =	swait.ge [sflag:s5], $0x1000  }
0x67: {  	[sflag:s5] =	ssyncset.done $0x0  }
0x68: {  	s26 =	rddreg [dreg:$0x14];
	[sflag:s5] =	ssyncadd.s32 $0xFFFFF000  }
0x69: {  	[tilespmem:s11], [sflag:$0x1] =	stream.indirect.gather [spmem:s2], $0x8, s26, s10, $0xb8;
	[tilespmem:$0xCB40] =	vst v63  }
0x6a: {  	_ =	swait.ge [sflag:s16], $0x1000  }
0x6b: {  	[sflag:s16] =	ssyncset.done $0x0  }
0x6c: {  	s1 =	rddreg [dreg:$0x15];
	[sflag:s16] =	ssyncadd.s32 $0xFFFFF000  }
0x6d: {  	[spmem:s3] =	stream.indirect.scatter.add.f32 [tilespmem:s12], [sflag:$0x5], $0x8, s1, s10, $0xb8;
	[tilespmem:$0xCB40] =	vst v63  }
0x6e: {  	_ =	swait.ge [sflag:s5], $0x1000  }
0x6f: {  	[sflag:s5] =	ssyncset.done $0x0  }
0x70: {  	s20 =	rddreg [dreg:$0x16];
	[sflag:s5] =	ssyncadd.s32 $0xFFFFF000  }
0x71: {  	[tilespmem:s12], [sflag:$0x2] =	stream.indirect.gather [spmem:s2], $0x8, s20, s10, $0xb8;
	[tilespmem:$0xCB40] =	vst v63  }
0x72: {  	_ =	swait.ge [sflag:s17], $0x1000  }
0x73: {  	[sflag:s17] =	ssyncset.done $0x0  }
0x74: {  	s21 =	rddreg [dreg:$0x17];
	[sflag:s17] =	ssyncadd.s32 $0xFFFFF000  }
0x75: {  	[spmem:s3] =	stream.indirect.scatter.add.f32 [tilespmem:s13], [sflag:$0x5], $0x8, s21, s10, $0xb8;
	[tilespmem:$0xCB40] =	vst v63  }
0x76: {  	_ =	swait.ge [sflag:s5], $0x1000  }
0x77: {  	[sflag:s5] =	ssyncset.done $0x0  }
0x78: {  	s22 =	rddreg [dreg:$0x18];
	[sflag:s5] =	ssyncadd.s32 $0xFFFFF000  }
0x79: {  	[tilespmem:s13], [sflag:$0x3] =	stream.indirect.gather [spmem:s2], $0x8, s22, s10, $0xb8;
	[tilespmem:$0xCB40] =	vst v63  }
0x7a: {  	_ =	swait.ge [sflag:s18], $0x1000  }
0x7b: {  	[sflag:s18] =	ssyncset.done $0x0  }
0x7c: {  	s23 =	rddreg [dreg:$0x19];
	[sflag:s18] =	ssyncadd.s32 $0xFFFFF000  }
0x7d: {  	[spmem:s3] =	stream.indirect.scatter.add.f32 [tilespmem:s14], [sflag:$0x5], $0x8, s23, s10, $0xb8;
	[tilespmem:$0xCB40] =	vst v63  }
0x7e: {  	_ =	swait.ge [sflag:s5], $0x1000  }
0x7f: {  	[sflag:s5] =	ssyncset.done $0x0  }
0x80: {  	s24 =	rddreg [dreg:$0x1a];
	[sflag:s5] =	ssyncadd.s32 $0xFFFFF000  }
0x81: {  	[tilespmem:s14], [sflag:$0x4] =	stream.indirect.gather [spmem:s2], $0x8, s24, s10, $0xb8;
	[tilespmem:$0xCB40] =	vst v63  }
0x82: {  	_ =	swait.ge [sflag:s15], $0x1000  }
0x83: {  	[sflag:s15] =	ssyncset.done $0x0  }
0x84: {  	s25 =	rddreg [dreg:$0x1b];
	[sflag:s15] =	ssyncadd.s32 $0xFFFFF000  }
0x85: {  	[spmem:s3] =	stream.indirect.scatter.add.f32 [tilespmem:s11], [sflag:$0x5], $0x8, s25, s10, $0xb8;
	[tilespmem:$0xCB40] =	vst v63  }
0x86: {  	_ =	swait.ge [sflag:s5], $0x1000  }
0x87: {  	[sflag:s5] =	ssyncset.done $0x0  }
0x88: {  	s26 =	rddreg [dreg:$0x1c];
	[sflag:s5] =	ssyncadd.s32 $0xFFFFF000  }
0x89: {  	[tilespmem:s11], [sflag:$0x1] =	stream.indirect.gather [spmem:s2], $0x8, s26, s10, $0xb8;
	[tilespmem:$0xCB40] =	vst v63  }
0x8a: {  	_ =	swait.ge [sflag:s16], $0x1000  }
0x8b: {  	[sflag:s16] =	ssyncset.done $0x0  }
0x8c: {  	s1 =	rddreg [dreg:$0x1d];
	[sflag:s16] =	ssyncadd.s32 $0xFFFFF000  }
0x8d: {  	[spmem:s3] =	stream.indirect.scatter.add.f32 [tilespmem:s12], [sflag:$0x5], $0x8, s1, s10, $0xb8;
	[tilespmem:$0xCB40] =	vst v63  }
0x8e: {  	_ =	swait.ge [sflag:s5], $0x1000  }
0x8f: {  	[sflag:s5] =	ssyncset.done $0x0  }
0x90: {  	s20 =	rddreg [dreg:$0x1e];
	[sflag:s5] =	ssyncadd.s32 $0xFFFFF000  }
0x91: {  	[tilespmem:s12], [sflag:$0x2] =	stream.indirect.gather [spmem:s2], $0x8, s20, s10, $0xb8;
	[tilespmem:$0xCB40] =	vst v63  }
0x92: {  	_ =	swait.ge [sflag:s17], $0x1000  }
0x93: {  	[sflag:s17] =	ssyncset.done $0x0  }
0x94: {  	s21 =	rddreg [dreg:$0x1f];
	[sflag:s17] =	ssyncadd.s32 $0xFFFFF000  }
0x95: {  	[spmem:s3] =	stream.indirect.scatter.add.f32 [tilespmem:s13], [sflag:$0x5], $0x8, s21, s10, $0xb8;
	[tilespmem:$0xCB40] =	vst v63  }
0x96: {  	_ =	swait.ge [sflag:s5], $0x1000  }
0x97: {  	s22 =	sld [smem:$0x7FA]  }
0x98: {  	[sflag:s5] =	ssyncset.done $0x0  }
0x99: {  	[sflag:s5] =	ssyncadd.s32 $0xFFFFF000  }
0x9a: {  	[tilespmem:s13], [sflag:$0x3] =	stream.indirect.gather [spmem:s2], $0x8, s22, s10, $0xb8;
	[tilespmem:$0xCB40] =	vst v63  }
0x9b: {  	_ =	swait.ge [sflag:s18], $0x1000  }
0x9c: {  	s23 =	sld [smem:$0x7FB]  }
0x9d: {  	[sflag:s18] =	ssyncset.done $0x0  }
0x9e: {  	[sflag:s18] =	ssyncadd.s32 $0xFFFFF000  }
0x9f: {  	[spmem:s3] =	stream.indirect.scatter.add.f32 [tilespmem:s14], [sflag:$0x5], $0x8, s23, s10, $0xb8;
	[tilespmem:$0xCB40] =	vst v63  }
0xa0: {  	_ =	swait.ge [sflag:s5], $0x1000  }
0xa1: {  	s24 =	sld [smem:$0x7FC]  }
0xa2: {  	[sflag:s5] =	ssyncset.done $0x0  }
0xa3: {  	[sflag:s5] =	ssyncadd.s32 $0xFFFFF000  }
0xa4: {  	[tilespmem:s14], [sflag:$0x4] =	stream.indirect.gather [spmem:s2], $0x8, s24, s10, $0xb8;
	[tilespmem:$0xCB40] =	vst v63  }
0xa5: {  	_ =	swait.ge [sflag:s15], $0x1000  }
0xa6: {  	s25 =	sld [smem:$0x7FD]  }
0xa7: {  	[sflag:s15] =	ssyncset.done $0x0  }
0xa8: {  	[sflag:s15] =	ssyncadd.s32 $0xFFFFF000  }
0xa9: {  	[spmem:s3] =	stream.indirect.scatter.add.f32 [tilespmem:s11], [sflag:$0x5], $0x8, s25, s10, $0xb8;
	[tilespmem:$0xCB40] =	vst v63  }
0xaa: {  	_ =	swait.ge [sflag:s5], $0x1000  }
0xab: {  	[sflag:s5] =	ssyncset.done $0x0  }
0xac: {  	s26 =	simm.s32 $0x2000;
	[sflag:s5] =	ssyncadd.s32 $0xFFFFF000  }
0xad: {  	[tilespmem:s11], [sflag:$0x1] =	stream.indirect.gather [spmem:s2], $0x8, s26, s10, $0xb8;
	[tilespmem:$0xCB40] =	vst v63  }
0xae: {  	_ =	swait.ge [sflag:s16], $0x1000  }
0xaf: {  	[sflag:s16] =	ssyncset.done $0x0  }
0xb0: {  	s20 =	simm.s32 $0x4200;
	[sflag:s16] =	ssyncadd.s32 $0xFFFFF000  }
0xb1: {  	[spmem:s3] =	stream.indirect.scatter.add.f32 [tilespmem:s12], [sflag:$0x5], $0x8, s20, s10, $0xb8;
	[tilespmem:$0xCB40] =	vst v63  }
0xb2: {  	_ =	swait.ge [sflag:s5], $0x1000  }
0xb3: {  	[sflag:s5] =	ssyncset.done $0x0  }
0xb4: {  	s21 =	simm.s32 $0x2200;
	[sflag:s5] =	ssyncadd.s32 $0xFFFFF000  }
0xb5: {  	[tilespmem:s12], [sflag:$0x2] =	stream.indirect.gather [spmem:s2], $0x8, s21, s10, $0xb8;
	[tilespmem:$0xCB40] =	vst v63  }
0xb6: {  	_ =	swait.ge [sflag:s17], $0x1000  }
0xb7: {  	[sflag:s17] =	ssyncset.done $0x0  }
0xb8: {  	s22 =	simm.s32 $0x4400;
	[sflag:s17] =	ssyncadd.s32 $0xFFFFF000  }
0xb9: {  	[spmem:s3] =	stream.indirect.scatter.add.f32 [tilespmem:s13], [sflag:$0x5], $0x8, s22, s10, $0xb8;
	[tilespmem:$0xCB40] =	vst v63  }
0xba: {  	_ =	swait.ge [sflag:s5], $0x1000  }
0xbb: {  	[sflag:s5] =	ssyncset.done $0x0  }
0xbc: {  	s23 =	simm.s32 $0x2400;
	[sflag:s5] =	ssyncadd.s32 $0xFFFFF000  }
0xbd: {  	[tilespmem:s13], [sflag:$0x3] =	stream.indirect.gather [spmem:s2], $0x8, s23, s10, $0xb8;
	[tilespmem:$0xCB40] =	vst v63  }
0xbe: {  	_ =	swait.ge [sflag:s18], $0x1000  }
0xbf: {  	[sflag:s18] =	ssyncset.done $0x0  }
0xc0: {  	s24 =	simm.s32 $0x4600;
	[sflag:s18] =	ssyncadd.s32 $0xFFFFF000  }
0xc1: {  	[spmem:s3] =	stream.indirect.scatter.add.f32 [tilespmem:s14], [sflag:$0x5], $0x8, s24, s10, $0xb8;
	[tilespmem:$0xCB40] =	vst v63  }
0xc2: {  	_ =	swait.ge [sflag:s5], $0x1000  }
0xc3: {  	[sflag:s5] =	ssyncset.done $0x0  }
0xc4: {  	s25 =	simm.s32 $0x2600;
	[sflag:s5] =	ssyncadd.s32 $0xFFFFF000  }
0xc5: {  	[tilespmem:s14], [sflag:$0x4] =	stream.indirect.gather [spmem:s2], $0x8, s25, s10, $0xb8;
	[tilespmem:$0xCB40] =	vst v63  }
0xc6: {  	_ =	swait.ge [sflag:s15], $0x1000  }
0xc7: {  	[sflag:s15] =	ssyncset.done $0x0  }
0xc8: {  	s26 =	simm.s32 $0x4800;
	[sflag:s15] =	ssyncadd.s32 $0xFFFFF000  }
0xc9: {  	[spmem:s3] =	stream.indirect.scatter.add.f32 [tilespmem:s11], [sflag:$0x5], $0x8, s26, s10, $0xb8;
	[tilespmem:$0xCB40] =	vst v63  }
0xca: {  	_ =	swait.ge [sflag:s5], $0x1000  }
0xcb: {  	[sflag:s5] =	ssyncset.done $0x0  }
0xcc: {  	[sflag:s5] =	ssyncadd.s32 $0xFFFFF000  }
0xcd: {  	_ =	swait.ge [sflag:s16], $0x1000  }
0xce: {  	[sflag:s16] =	ssyncset.done $0x0  }
0xcf: {  	s28 =	simm.s32 $0x4A00;
	[sflag:s16] =	ssyncadd.s32 $0xFFFFF000  }
0xd0: {  	[spmem:s3] =	stream.indirect.scatter.add.f32 [tilespmem:s12], [sflag:$0x5], $0x8, s28, s10, $0xb8;
	[tilespmem:$0xCB40] =	vst v63  }
0xd1: {  	_ =	swait.ge [sflag:s5], $0x1000  }
0xd2: {  	[sflag:s5] =	ssyncset.done $0x0  }
0xd3: {  	[sflag:s5] =	ssyncadd.s32 $0xFFFFF000  }
0xd4: {  	_ =	swait.ge [sflag:s17], $0x1000  }
0xd5: {  	[sflag:s17] =	ssyncset.done $0x0  }
0xd6: {  	s29 =	simm.s32 $0x4C00;
	[sflag:s17] =	ssyncadd.s32 $0xFFFFF000  }
0xd7: {  	[spmem:s3] =	stream.indirect.scatter.add.f32 [tilespmem:s13], [sflag:$0x5], $0x8, s29, s10, $0xb8;
	[tilespmem:$0xCB40] =	vst v63  }
0xd8: {  	_ =	swait.ge [sflag:s5], $0x1000  }
0xd9: {  	[sflag:s5] =	ssyncset.done $0x0  }
0xda: {  	s0 =	ssub.s32 $0x2, s0;
	[sflag:s5] =	ssyncadd.s32 $0xFFFFF000  }
0xdb: {  	s31 =	sshrl.u32 s0, $0x1;
	_ =	swait.ge [sflag:s18], $0x1000  }
0xdc: {  	s0 =	ssub.s32 s0, s31;
	[sflag:s18] =	ssyncset.done $0x0  }
0xdd: {  	s30 =	simm.s32 $0x4E00;
	s0 =	smax.u32 s0, $0x1;
	[sflag:s18] =	ssyncadd.s32 $0xFFFFF000  }
0xde: {  	[spmem:s3] =	stream.indirect.scatter.add.f32 [tilespmem:s14], [sflag:$0x5], $0x8, s30, s10, $0xb8;
	[tilespmem:$0xCB40] =	vst v63  }
0xdf: {  	p0 =	sne.s32 s0, $0x1;
	_ =	swait.ge [sflag:s5], $0x1000  }
.Ltmp0:
0xe0: {  	[sflag:s5] =	ssyncset.done $0x0;
	(pc) =	sbr.rel @!p0 .LBB2_2-.Ltmp0, $4  }
0xe1: {  	[sflag:s5] =	ssyncadd.s32 $0xFFFFF000  }
0xe2: {  	[bflag:$0x0] =	sbarrier.arrive $0xFFFF  }
0xe3: {  	s31 =	sshrl.u32 s9, $0x3;
	s0 =	sadd.s32 $0xFFFFFFFF, s0;
	s19 =	rddreg [dreg:$0x8]  }
0xe4: {  	[hbm:s19], [sflag:s7] =	dma.local [spmem:s31], $0x278  }
.LBB2_1:
0xe5: {  	_ =	swait.ge [sflag:s5], $0x278  }
0xe6: {  	[sflag:s5] =	ssyncset.done $0x0  }
0xe7: {  	s1 =	rddreg [dreg:$0x5];
	[sflag:s5] =	ssyncadd.s32 $0xFFFFFD88  }
0xe8: {  	[tilespmem:s4], [sflag:$0x5] =	stream.linear.gather [hbm4b:s1+s4], $0x2800, $0x38;
	[tilespmem:$0xCB40] =	vst v63  }
0xe9: {  	_ =	swait.ge [sflag:s5], $0x2800  }
0xea: {  	[sflag:s5] =	ssyncset.done $0x0  }
0xeb: {  	s19 =	rddreg [dreg:$0x6];
	[sflag:s5] =	ssyncadd.s32 $0xFFFFD800  }
0xec: {  	[tilespmem:s6], [sflag:$0x5] =	stream.linear.gather [hbm4b:s19+s4], $0x2800, $0x38;
	[tilespmem:$0xCB40] =	vst v63  }
0xed: {  	_ =	swait.ge [sflag:s5], $0x2800  }
0xee: {  	[sflag:s5] =	ssyncset.done $0x0;
	s1 =	rddreg [dreg:$0x7]  }
0xef: {  	s19 =	rddreg [dreg:$0x9];
	[sflag:s5] =	ssyncadd.s32 $0xFFFFD800  }
0xf0: {  	[spmem:s19], [sflag:s7] =	dma.local [hbm:s1], $0x278  }
0xf1: {  	_ =	swait.ge [sflag:s5], $0x278  }
0xf2: {  	[sflag:s5] =	ssyncset.done $0x0  }
0xf3: {  	s19 =	rddreg [dreg:$0x4];
	[sflag:s5] =	ssyncadd.s32 $0xFFFFFD88  }
0xf4: {  	[tilespmem:s8], [sflag:$0x5] =	stream.linear.gather [hbm4b:s19+s4], $0x13C0, $0x38;
	[tilespmem:$0xCB40] =	vst v63  }
0xf5: {  	_ =	swait.ge [sflag:s5], $0x13C0  }
0xf6: {  	[sflag:s5] =	ssyncset.done $0x0  }
0xf7: {  	[sflag:s5] =	ssyncadd.s32 $0xFFFFEC40  }
0xf8: {  	[spmem:s9] =	stream.linear.scatter [tilespmem:s8], [sflag:$0x5], $0x13C0, $0x38;
	[tilespmem:$0xCB40] =	vst v63  }
0xf9: {  	_ =	swait.ge [sflag:s5], $0x13C0  }
0xfa: {  	[sflag:s5] =	ssyncset.done $0x0  }
0xfb: {  	[sflag:s5] =	ssyncadd.s32 $0xFFFFEC40  }
0xfc: {  	[bflag:$0x0] =	sbarrier.arrive $0xFFFF  }
0xfd: {  	[tilespmem:s11], [sflag:$0x1] =	stream.indirect.gather [spmem:s2], $0x8, s4, s10, $0xb8;
	[tilespmem:$0xCB40] =	vst v63  }
0xfe: {  	_ = 	snop  }
0xff: {  	[tilespmem:s12], [sflag:$0x2] =	stream.indirect.gather [spmem:s2], $0x8, s10, s10, $0xb8;
	[tilespmem:$0xCB40] =	vst v63  }
0x100: {  	s1 =	rddreg [dreg:$0xa]  }
0x101: {  	[tilespmem:s13], [sflag:$0x3] =	stream.indirect.gather [spmem:s2], $0x8, s1, s10, $0xb8;
	[tilespmem:$0xCB40] =	vst v63  }
0x102: {  	s19 =	rddreg [dreg:$0xb]  }
0x103: {  	[tilespmem:s14], [sflag:$0x4] =	stream.indirect.gather [spmem:s2], $0x8, s19, s10, $0xb8;
	[tilespmem:$0xCB40] =	vst v63  }
0x104: {  	_ =	swait.ge [sflag:s15], $0x1000  }
0x105: {  	[sflag:s15] =	ssyncset.done $0x0  }
0x106: {  	[sflag:s15] =	ssyncadd.s32 $0xFFFFF000  }
0x107: {  	[spmem:s3] =	stream.indirect.scatter.add.f32 [tilespmem:s11], [sflag:$0x5], $0x8, s6, s10, $0xb8;
	[tilespmem:$0xCB40] =	vst v63  }
0x108: {  	_ =	swait.ge [sflag:s5], $0x1000  }
0x109: {  	[sflag:s5] =	ssyncset.done $0x0  }
0x10a: {  	s19 =	rddreg [dreg:$0xc];
	[sflag:s5] =	ssyncadd.s32 $0xFFFFF000  }
0x10b: {  	[tilespmem:s11], [sflag:$0x1] =	stream.indirect.gather [spmem:s2], $0x8, s19, s10, $0xb8;
	[tilespmem:$0xCB40] =	vst v63  }
0x10c: {  	_ =	swait.ge [sflag:s16], $0x1000  }
0x10d: {  	[sflag:s16] =	ssyncset.done $0x0  }
0x10e: {  	s19 =	rddreg [dreg:$0xd];
	[sflag:s16] =	ssyncadd.s32 $0xFFFFF000  }
0x10f: {  	[spmem:s3] =	stream.indirect.scatter.add.f32 [tilespmem:s12], [sflag:$0x5], $0x8, s19, s10, $0xb8;
	[tilespmem:$0xCB40] =	vst v63  }
0x110: {  	_ =	swait.ge [sflag:s5], $0x1000  }
0x111: {  	[sflag:s5] =	ssyncset.done $0x0  }
0x112: {  	s19 =	rddreg [dreg:$0xe];
	[sflag:s5] =	ssyncadd.s32 $0xFFFFF000  }
0x113: {  	[tilespmem:s12], [sflag:$0x2] =	stream.indirect.gather [spmem:s2], $0x8, s19, s10, $0xb8;
	[tilespmem:$0xCB40] =	vst v63  }
0x114: {  	_ =	swait.ge [sflag:s17], $0x1000  }
0x115: {  	[sflag:s17] =	ssyncset.done $0x0  }
0x116: {  	s19 =	rddreg [dreg:$0xf];
	[sflag:s17] =	ssyncadd.s32 $0xFFFFF000  }
0x117: {  	[spmem:s3] =	stream.indirect.scatter.add.f32 [tilespmem:s13], [sflag:$0x5], $0x8, s19, s10, $0xb8;
	[tilespmem:$0xCB40] =	vst v63  }
0x118: {  	_ =	swait.ge [sflag:s5], $0x1000  }
0x119: {  	[sflag:s5] =	ssyncset.done $0x0  }
0x11a: {  	s19 =	rddreg [dreg:$0x10];
	[sflag:s5] =	ssyncadd.s32 $0xFFFFF000  }
0x11b: {  	[tilespmem:s13], [sflag:$0x3] =	stream.indirect.gather [spmem:s2], $0x8, s19, s10, $0xb8;
	[tilespmem:$0xCB40] =	vst v63  }
0x11c: {  	_ =	swait.ge [sflag:s18], $0x1000  }
0x11d: {  	[sflag:s18] =	ssyncset.done $0x0  }
0x11e: {  	s19 =	rddreg [dreg:$0x11];
	[sflag:s18] =	ssyncadd.s32 $0xFFFFF000  }
0x11f: {  	[spmem:s3] =	stream.indirect.scatter.add.f32 [tilespmem:s14], [sflag:$0x5], $0x8, s19, s10, $0xb8;
	[tilespmem:$0xCB40] =	vst v63  }
0x120: {  	_ =	swait.ge [sflag:s5], $0x1000  }
0x121: {  	[sflag:s5] =	ssyncset.done $0x0  }
0x122: {  	s19 =	rddreg [dreg:$0x12];
	[sflag:s5] =	ssyncadd.s32 $0xFFFFF000  }
0x123: {  	[tilespmem:s14], [sflag:$0x4] =	stream.indirect.gather [spmem:s2], $0x8, s19, s10, $0xb8;
	[tilespmem:$0xCB40] =	vst v63  }
0x124: {  	_ =	swait.ge [sflag:s15], $0x1000  }
0x125: {  	[sflag:s15] =	ssyncset.done $0x0  }
0x126: {  	s19 =	rddreg [dreg:$0x13];
	[sflag:s15] =	ssyncadd.s32 $0xFFFFF000  }
0x127: {  	[spmem:s3] =	stream.indirect.scatter.add.f32 [tilespmem:s11], [sflag:$0x5], $0x8, s19, s10, $0xb8;
	[tilespmem:$0xCB40] =	vst v63  }
0x128: {  	_ =	swait.ge [sflag:s5], $0x1000  }
0x129: {  	[sflag:s5] =	ssyncset.done $0x0  }
0x12a: {  	s19 =	rddreg [dreg:$0x14];
	[sflag:s5] =	ssyncadd.s32 $0xFFFFF000  }
0x12b: {  	[tilespmem:s11], [sflag:$0x1] =	stream.indirect.gather [spmem:s2], $0x8, s19, s10, $0xb8;
	[tilespmem:$0xCB40] =	vst v63  }
0x12c: {  	_ =	swait.ge [sflag:s16], $0x1000  }
0x12d: {  	[sflag:s16] =	ssyncset.done $0x0  }
0x12e: {  	s19 =	rddreg [dreg:$0x15];
	[sflag:s16] =	ssyncadd.s32 $0xFFFFF000  }
0x12f: {  	[spmem:s3] =	stream.indirect.scatter.add.f32 [tilespmem:s12], [sflag:$0x5], $0x8, s19, s10, $0xb8;
	[tilespmem:$0xCB40] =	vst v63  }
0x130: {  	_ =	swait.ge [sflag:s5], $0x1000  }
0x131: {  	[sflag:s5] =	ssyncset.done $0x0  }
0x132: {  	s19 =	rddreg [dreg:$0x16];
	[sflag:s5] =	ssyncadd.s32 $0xFFFFF000  }
0x133: {  	[tilespmem:s12], [sflag:$0x2] =	stream.indirect.gather [spmem:s2], $0x8, s19, s10, $0xb8;
	[tilespmem:$0xCB40] =	vst v63  }
0x134: {  	_ =	swait.ge [sflag:s17], $0x1000  }
0x135: {  	[sflag:s17] =	ssyncset.done $0x0  }
0x136: {  	s19 =	rddreg [dreg:$0x17];
	[sflag:s17] =	ssyncadd.s32 $0xFFFFF000  }
0x137: {  	[spmem:s3] =	stream.indirect.scatter.add.f32 [tilespmem:s13], [sflag:$0x5], $0x8, s19, s10, $0xb8;
	[tilespmem:$0xCB40] =	vst v63  }
0x138: {  	_ =	swait.ge [sflag:s5], $0x1000  }
0x139: {  	[sflag:s5] =	ssyncset.done $0x0  }
0x13a: {  	s19 =	rddreg [dreg:$0x18];
	[sflag:s5] =	ssyncadd.s32 $0xFFFFF000  }
0x13b: {  	[tilespmem:s13], [sflag:$0x3] =	stream.indirect.gather [spmem:s2], $0x8, s19, s10, $0xb8;
	[tilespmem:$0xCB40] =	vst v63  }
0x13c: {  	_ =	swait.ge [sflag:s18], $0x1000  }
0x13d: {  	[sflag:s18] =	ssyncset.done $0x0  }
0x13e: {  	s19 =	rddreg [dreg:$0x19];
	[sflag:s18] =	ssyncadd.s32 $0xFFFFF000  }
0x13f: {  	[spmem:s3] =	stream.indirect.scatter.add.f32 [tilespmem:s14], [sflag:$0x5], $0x8, s19, s10, $0xb8;
	[tilespmem:$0xCB40] =	vst v63  }
0x140: {  	_ =	swait.ge [sflag:s5], $0x1000  }
0x141: {  	[sflag:s5] =	ssyncset.done $0x0  }
0x142: {  	s19 =	rddreg [dreg:$0x1a];
	[sflag:s5] =	ssyncadd.s32 $0xFFFFF000  }
0x143: {  	[tilespmem:s14], [sflag:$0x4] =	stream.indirect.gather [spmem:s2], $0x8, s19, s10, $0xb8;
	[tilespmem:$0xCB40] =	vst v63  }
0x144: {  	_ =	swait.ge [sflag:s15], $0x1000  }
0x145: {  	[sflag:s15] =	ssyncset.done $0x0  }
0x146: {  	s19 =	rddreg [dreg:$0x1b];
	[sflag:s15] =	ssyncadd.s32 $0xFFFFF000  }
0x147: {  	[spmem:s3] =	stream.indirect.scatter.add.f32 [tilespmem:s11], [sflag:$0x5], $0x8, s19, s10, $0xb8;
	[tilespmem:$0xCB40] =	vst v63  }
0x148: {  	_ =	swait.ge [sflag:s5], $0x1000  }
0x149: {  	[sflag:s5] =	ssyncset.done $0x0  }
0x14a: {  	s19 =	rddreg [dreg:$0x1c];
	[sflag:s5] =	ssyncadd.s32 $0xFFFFF000  }
0x14b: {  	[tilespmem:s11], [sflag:$0x1] =	stream.indirect.gather [spmem:s2], $0x8, s19, s10, $0xb8;
	[tilespmem:$0xCB40] =	vst v63  }
0x14c: {  	_ =	swait.ge [sflag:s16], $0x1000  }
0x14d: {  	[sflag:s16] =	ssyncset.done $0x0  }
0x14e: {  	s19 =	rddreg [dreg:$0x1d];
	[sflag:s16] =	ssyncadd.s32 $0xFFFFF000  }
0x14f: {  	[spmem:s3] =	stream.indirect.scatter.add.f32 [tilespmem:s12], [sflag:$0x5], $0x8, s19, s10, $0xb8;
	[tilespmem:$0xCB40] =	vst v63  }
0x150: {  	_ =	swait.ge [sflag:s5], $0x1000  }
0x151: {  	[sflag:s5] =	ssyncset.done $0x0  }
0x152: {  	s19 =	rddreg [dreg:$0x1e];
	[sflag:s5] =	ssyncadd.s32 $0xFFFFF000  }
0x153: {  	[tilespmem:s12], [sflag:$0x2] =	stream.indirect.gather [spmem:s2], $0x8, s19, s10, $0xb8;
	[tilespmem:$0xCB40] =	vst v63  }
0x154: {  	_ =	swait.ge [sflag:s17], $0x1000  }
0x155: {  	[sflag:s17] =	ssyncset.done $0x0  }
0x156: {  	s19 =	rddreg [dreg:$0x1f];
	[sflag:s17] =	ssyncadd.s32 $0xFFFFF000  }
0x157: {  	[spmem:s3] =	stream.indirect.scatter.add.f32 [tilespmem:s13], [sflag:$0x5], $0x8, s19, s10, $0xb8;
	[tilespmem:$0xCB40] =	vst v63  }
0x158: {  	_ =	swait.ge [sflag:s5], $0x1000  }
0x159: {  	s19 =	sld [smem:$0x7FA]  }
0x15a: {  	[sflag:s5] =	ssyncset.done $0x0  }
0x15b: {  	[sflag:s5] =	ssyncadd.s32 $0xFFFFF000  }
0x15c: {  	[tilespmem:s13], [sflag:$0x3] =	stream.indirect.gather [spmem:s2], $0x8, s19, s10, $0xb8;
	[tilespmem:$0xCB40] =	vst v63  }
0x15d: {  	_ =	swait.ge [sflag:s18], $0x1000  }
0x15e: {  	s19 =	sld [smem:$0x7FB]  }
0x15f: {  	[sflag:s18] =	ssyncset.done $0x0  }
0x160: {  	[sflag:s18] =	ssyncadd.s32 $0xFFFFF000  }
0x161: {  	[spmem:s3] =	stream.indirect.scatter.add.f32 [tilespmem:s14], [sflag:$0x5], $0x8, s19, s10, $0xb8;
	[tilespmem:$0xCB40] =	vst v63  }
0x162: {  	_ =	swait.ge [sflag:s5], $0x1000  }
0x163: {  	s19 =	sld [smem:$0x7FC]  }
0x164: {  	[sflag:s5] =	ssyncset.done $0x0  }
0x165: {  	[sflag:s5] =	ssyncadd.s32 $0xFFFFF000  }
0x166: {  	[tilespmem:s14], [sflag:$0x4] =	stream.indirect.gather [spmem:s2], $0x8, s19, s10, $0xb8;
	[tilespmem:$0xCB40] =	vst v63  }
0x167: {  	_ =	swait.ge [sflag:s15], $0x1000  }
0x168: {  	s19 =	sld [smem:$0x7FD]  }
0x169: {  	[sflag:s15] =	ssyncset.done $0x0  }
0x16a: {  	[sflag:s15] =	ssyncadd.s32 $0xFFFFF000  }
0x16b: {  	[spmem:s3] =	stream.indirect.scatter.add.f32 [tilespmem:s11], [sflag:$0x5], $0x8, s19, s10, $0xb8;
	[tilespmem:$0xCB40] =	vst v63  }
0x16c: {  	_ =	swait.ge [sflag:s5], $0x1000  }
0x16d: {  	[sflag:s5] =	ssyncset.done $0x0  }
0x16e: {  	s19 =	simm.s32 $0x2000;
	[sflag:s5] =	ssyncadd.s32 $0xFFFFF000  }
0x16f: {  	[tilespmem:s11], [sflag:$0x1] =	stream.indirect.gather [spmem:s2], $0x8, s19, s10, $0xb8;
	[tilespmem:$0xCB40] =	vst v63  }
0x170: {  	_ =	swait.ge [sflag:s16], $0x1000  }
0x171: {  	[sflag:s16] =	ssyncset.done $0x0  }
0x172: {  	[sflag:s16] =	ssyncadd.s32 $0xFFFFF000  }
0x173: {  	[spmem:s3] =	stream.indirect.scatter.add.f32 [tilespmem:s12], [sflag:$0x5], $0x8, s20, s10, $0xb8;
	[tilespmem:$0xCB40] =	vst v63  }
0x174: {  	_ =	swait.ge [sflag:s5], $0x1000  }
0x175: {  	[sflag:s5] =	ssyncset.done $0x0  }
0x176: {  	[sflag:s5] =	ssyncadd.s32 $0xFFFFF000  }
0x177: {  	[tilespmem:s12], [sflag:$0x2] =	stream.indirect.gather [spmem:s2], $0x8, s21, s10, $0xb8;
	[tilespmem:$0xCB40] =	vst v63  }
0x178: {  	_ =	swait.ge [sflag:s17], $0x1000  }
0x179: {  	[sflag:s17] =	ssyncset.done $0x0  }
0x17a: {  	[sflag:s17] =	ssyncadd.s32 $0xFFFFF000  }
0x17b: {  	[spmem:s3] =	stream.indirect.scatter.add.f32 [tilespmem:s13], [sflag:$0x5], $0x8, s22, s10, $0xb8;
	[tilespmem:$0xCB40] =	vst v63  }
0x17c: {  	_ =	swait.ge [sflag:s5], $0x1000  }
0x17d: {  	[sflag:s5] =	ssyncset.done $0x0  }
0x17e: {  	[sflag:s5] =	ssyncadd.s32 $0xFFFFF000  }
0x17f: {  	[tilespmem:s13], [sflag:$0x3] =	stream.indirect.gather [spmem:s2], $0x8, s23, s10, $0xb8;
	[tilespmem:$0xCB40] =	vst v63  }
0x180: {  	_ =	swait.ge [sflag:s18], $0x1000  }
0x181: {  	[sflag:s18] =	ssyncset.done $0x0  }
0x182: {  	[sflag:s18] =	ssyncadd.s32 $0xFFFFF000  }
0x183: {  	[spmem:s3] =	stream.indirect.scatter.add.f32 [tilespmem:s14], [sflag:$0x5], $0x8, s24, s10, $0xb8;
	[tilespmem:$0xCB40] =	vst v63  }
0x184: {  	_ =	swait.ge [sflag:s5], $0x1000  }
0x185: {  	[sflag:s5] =	ssyncset.done $0x0  }
0x186: {  	[sflag:s5] =	ssyncadd.s32 $0xFFFFF000  }
0x187: {  	[tilespmem:s14], [sflag:$0x4] =	stream.indirect.gather [spmem:s2], $0x8, s25, s10, $0xb8;
	[tilespmem:$0xCB40] =	vst v63  }
0x188: {  	_ =	swait.ge [sflag:s15], $0x1000  }
0x189: {  	[sflag:s15] =	ssyncset.done $0x0  }
0x18a: {  	[sflag:s15] =	ssyncadd.s32 $0xFFFFF000  }
0x18b: {  	[spmem:s3] =	stream.indirect.scatter.add.f32 [tilespmem:s11], [sflag:$0x5], $0x8, s26, s10, $0xb8;
	[tilespmem:$0xCB40] =	vst v63  }
0x18c: {  	_ =	swait.ge [sflag:s5], $0x1000  }
0x18d: {  	[sflag:s5] =	ssyncset.done $0x0  }
0x18e: {  	[sflag:s5] =	ssyncadd.s32 $0xFFFFF000  }
0x18f: {  	_ =	swait.ge [sflag:s16], $0x1000  }
0x190: {  	[sflag:s16] =	ssyncset.done $0x0  }
0x191: {  	[sflag:s16] =	ssyncadd.s32 $0xFFFFF000  }
0x192: {  	[spmem:s3] =	stream.indirect.scatter.add.f32 [tilespmem:s12], [sflag:$0x5], $0x8, s28, s10, $0xb8;
	[tilespmem:$0xCB40] =	vst v63  }
0x193: {  	_ =	swait.ge [sflag:s5], $0x1000  }
0x194: {  	[sflag:s5] =	ssyncset.done $0x0  }
0x195: {  	[sflag:s5] =	ssyncadd.s32 $0xFFFFF000  }
0x196: {  	_ =	swait.ge [sflag:s17], $0x1000  }
0x197: {  	[sflag:s17] =	ssyncset.done $0x0  }
0x198: {  	[sflag:s17] =	ssyncadd.s32 $0xFFFFF000  }
0x199: {  	[spmem:s3] =	stream.indirect.scatter.add.f32 [tilespmem:s13], [sflag:$0x5], $0x8, s29, s10, $0xb8;
	[tilespmem:$0xCB40] =	vst v63  }
0x19a: {  	_ =	swait.ge [sflag:s5], $0x1000  }
0x19b: {  	[sflag:s5] =	ssyncset.done $0x0  }
0x19c: {  	[sflag:s5] =	ssyncadd.s32 $0xFFFFF000  }
0x19d: {  	_ =	swait.ge [sflag:s18], $0x1000  }
0x19e: {  	[sflag:s18] =	ssyncset.done $0x0  }
0x19f: {  	[sflag:s18] =	ssyncadd.s32 $0xFFFFF000  }
0x1a0: {  	[spmem:s3] =	stream.indirect.scatter.add.f32 [tilespmem:s14], [sflag:$0x5], $0x8, s30, s10, $0xb8;
	[tilespmem:$0xCB40] =	vst v63  }
0x1a1: {  	p0 =	sne.s32 s0, $0x1;
	_ =	swait.ge [sflag:s5], $0x1000  }
.Ltmp1:
0x1a2: {  	[sflag:s5] =	ssyncset.done $0x0;
	(pc) =	sbr.rel @p0 .LBB2_1-.Ltmp1, $4  }
0x1a3: {  	[sflag:s5] =	ssyncadd.s32 $0xFFFFF000  }
0x1a4: {  	[bflag:$0x0] =	sbarrier.arrive $0xFFFF  }
0x1a5: {  	s0 =	sadd.s32 $0xFFFFFFFF, s0;
	s19 =	rddreg [dreg:$0x8]  }
0x1a6: {  	[hbm:s19], [sflag:s7] =	dma.local [spmem:s31], $0x278  }
.LBB2_2:
0x1a7: {  	_ =	swait.ge [sflag:s5], $0x278  }
0x1a8: {  	[sflag:s5] =	ssyncset.done $0x0  }
0x1a9: {  	[sflag:s5] =	ssyncadd.s32 $0xFFFFFD88  }
0x1aa: {  	_ =	sfence.sel $0x180000  }
0x1ab: {  	[bflag:$0x0] =	sbarrier.arrive $0xFFFF  }
0x1ac: {  	_ =	strace $0x9000004A  }
0x1ad: {  	s0 =	stileid.u32;
	[bflag:$0x2] =	sbarrier.arrive $0xFFFF  }
0x1ae: {  	p0 =	sne.s32 s0, $0x0;
	s0 =	rddreg [dreg:$0x3]  }
0x1af: {  	s0 =	sadd.s32 @!p0 $0x100000, s0  }
0x1b0: {  	[sflag:s0] =	ssyncadd.tile.s32 @!p0 $0x1;
	_ =	shalt  }
.Lfunc_end2:
_tile_overlayer_lowered:
.L_overlay_start_2:
0x1b1: {  	(tag) =	ssettag $0x2  }
0x1b2: {  	s0 =	rddreg [dreg:$0x0];
	s2 =	stileid.u32  }
0x1b3: {  	s1 =	rddreg [dreg:$0x1];
	p0 =	sne.s32 s2, $0x0  }
0x1b4: {  	s3 =	rddreg [dreg:$0x2];
	[bflag:$0x3] =	sbarrier.arrive $0xFFFF;
	s2 =	simm.s32 @!p0 $0x1C05  }
0x1b5: {  	[timem:s3], [sflag:s2] =	dma.local @!p0 [hbm:s0], s1  }
0x1b6: {  	s0 =	simm.s32 @!p0 $0x5  }
0x1b7: {  	_ =	swait.ge @!p0 [sflag:s0], s1  }
0x1b8: {  	s1 =	ssub.s32 @!p0 $0x0, s1;
	[sflag:s0] =	ssyncset.done @!p0 $0x0  }
0x1b9: {  	[sflag:s0] =	ssyncadd.s32 @!p0 s1  }
0x1ba: {  	[bflag:$0x3] =	sbarrier.arrive $0xFFFF  }
0x1bb: {  	_ =	shalt  }

// kernel: kernel.15.cloned.1.call-start
scs
__scs_entry_jumppad:
0x0: {  	(pc) =	sbr.rel $0x88, $3  }
0x1: {  	(tag) =	ssettag $0x0;
	lr =	simm.s32 $0x1  }
0x2: {  	[smem:$0x3F91] =	sst lr;
	_ =	strace $0xD0000000  }
0x3: {  	_ = 	snop  }
0x4: {  	_ = 	snop  }
0x5: {  	_ = 	snop  }
0x6: {  	_ = 	snop  }
0x7: {  	_ = 	snop  }
__scs_overlays_trampoline_lowered:
0x8: {  	[smem:$0x3FA0] =	sst s0  }
0x9: {  	[smem:$0x3FA1] =	sst s1  }
0xa: {  	[smem:$0x3FA2] =	sst s2  }
0xb: {  	[smem:$0x3FA3] =	sst s3  }
0xc: {  	[smem:$0x3FA4] =	sst s4  }
0xd: {  	[smem:$0x3FA5] =	sst s5  }
0xe: {  	[smem:$0x3FA6] =	sst s6  }
0xf: {  	[smem:$0x3FA7] =	sst s7  }
0x10: {  	[smem:$0x3FA8] =	sst s8  }
0x11: {  	[smem:$0x3FA9] =	sst s9;
	s0 =	simm.s32 @!p0 $0x0  }
0x12: {  	s1 =	sld [smem:$0x3F8F];
	s0 =	simm.s32 @p0 $0x1  }
0x13: {  	[smem:$0x3FAA] =	sst s0;
	s0 =	simm.s32 @!p1 $0x0  }
0x14: {  	s2 =	sld [smem:$0x3F8E];
	s0 =	simm.s32 @p1 $0x1  }
0x15: {  	[smem:$0x3FAB] =	sst s0;
	s0 =	simm.s32 @!p2 $0x0  }
0x16: {  	s3 =	sld [smem:$0x3FDB];
	s0 =	simm.s32 @p2 $0x1  }
0x17: {  	s4 =	simm.s32 $0x1BF5;
	[smem:$0x3FAD] =	sst s0  }
0x18: {  	s0 =	sld [smem:$0x3F90];
	_ =	swait.ge [sflag:s4], $0x0  }
0x19: {  	s7 =	sld [smem:$0x3F91]  }
0x1a: {  	s8 =	sadd.s32 $0xFFFFE003, lr  }
0x1b: {  	s9 =	sadd.s32 $0xFFFFFEF7, lr;
	s5 =	simm.s32 $0xFFFFFFFF;
	p2 =	slt.u32 s8, $0xFFFFF086  }
0x1c: {  	p1 =	slt.u32 s9, $0xF7A;
	s5 =	simm.s32 @!p2 $0x0  }
0x1d: {  	s5 =	simm.s32 @p1 $0x1;
	p0 =	seq.s32 s7, s2  }
0x1e: {  	s7 =	smul.u32 @!p0 $0xF7A, s2;
	p2 =	seq.s32 @!p0 s5, $0x0  }
0x1f: {  	s9 =	smul.u32 $0xF7A, s1;
	s8 =	simm.s32 @!p0 $0x1BF5;
	p2 =	por !p2, p0  }
0x20: {  	[sflag:s8] =	ssyncset.s32 @!p0 $0xFFFFF086;
	s6 =	sadd.s32 @!p0 s3, s7;
	s7 =	simm.s32 @!p0 $0x108  }
0x21: {  	s3 =	sadd.s32 s3, s9;
	s6 =	sadd.s32 @!p0 $0x88, s6;
	s7 =	simm.s32 @p2 $0x1082  }
0x22: {  	[simem:s7], [sflag:s8] =	dma.local @!p0 [hbm:s6], $0xF7A  }
0x23: {  	s9 =	sor.u32 $0xD0000000, s2;
	s6 =	simm.s32 $0x108;
	_ =	swait.ge @!p0 [sflag:s8], $0x0  }
0x24: {  	s3 =	sadd.s32 $0x88, s3;
	s6 =	simm.s32 @!p1 $0x1082;
	[sflag:s4] =	ssyncset.s32 $0xFFFFF086  }
0x25: {  	[simem:s6], [sflag:s4] =	dma.local [hbm:s3], $0xF7A  }
0x26: {  	[smem:$0x3F91] =	sst s1;
	(tag) =	ssettag s2;
	_ =	strace s9  }
0x27: {  	s1 =	sld [smem:$0x3FA1]  }
0x28: {  	s2 =	sld [smem:$0x3FA2]  }
0x29: {  	s4 =	sld [smem:$0x3FA4]  }
0x2a: {  	p0 =	seq.s32 s5, $0x0;
	s5 =	sld [smem:$0x3FA5]  }
0x2b: {  	s6 =	sld [smem:$0x3FA6]  }
0x2c: {  	s7 =	sld [smem:$0x3FA7]  }
0x2d: {  	s3 =	simm.s32 $0x108;
	s8 =	sld [smem:$0x3FA8]  }
0x2e: {  	s3 =	simm.s32 @!p0 $0x1082;
	s9 =	sld [smem:$0x3FA9]  }
0x2f: {  	lr =	sadd.s32 s0, s3;
	s0 =	sld [smem:$0x3FA0]  }
0x30: {  	s3 =	sld [smem:$0x3FA3]  }
0x31: {  	[smem:$0x3FAC] =	sst s10  }
0x32: {  	s10 =	sld [smem:$0x3FAA];
	_ =	sdelay $0x3  }
0x33: {  	p0 =	seq.s32 s10, $0x1;
	s10 =	sld [smem:$0x3FAC];
	_ =	sdelay $0x3  }
0x34: {  	[smem:$0x3FAC] =	sst s10  }
0x35: {  	s10 =	sld [smem:$0x3FAB];
	_ =	sdelay $0x3  }
0x36: {  	p1 =	seq.s32 s10, $0x1;
	s10 =	sld [smem:$0x3FAC];
	_ =	sdelay $0x3  }
0x37: {  	[smem:$0x3FAC] =	sst s10  }
0x38: {  	s10 =	sld [smem:$0x3FAD]  }
0x39: {  	_ = 	snop;
	(pc) =	sbr.ind lr, $3  }
0x3a: {  	_ = 	snop  }
0x3b: {  	_ = 	snop  }
0x3c: {  	p2 =	seq.s32 s10, $0x1;
	s10 =	sld [smem:$0x3FAC]  }
0x3d: {  	_ =	shalt  }
0x3e: {  	_ =	shalt  }
0x3f: {  	_ =	shalt  }
0x40: {  	_ =	shalt  }
0x41: {  	_ =	shalt  }
0x42: {  	_ =	shalt  }
0x43: {  	_ =	shalt  }
0x44: {  	_ =	shalt  }
0x45: {  	_ =	shalt  }
0x46: {  	_ =	shalt  }
0x47: {  	_ =	shalt  }
0x48: {  	_ =	shalt  }
0x49: {  	_ =	shalt  }
0x4a: {  	_ =	shalt  }
0x4b: {  	_ =	shalt  }
0x4c: {  	_ =	shalt  }
0x4d: {  	_ =	shalt  }
0x4e: {  	_ =	shalt  }
0x4f: {  	_ =	shalt  }
0x50: {  	_ =	shalt  }
0x51: {  	_ =	shalt  }
0x52: {  	_ =	shalt  }
0x53: {  	_ =	shalt  }
0x54: {  	_ =	shalt  }
0x55: {  	_ =	shalt  }
0x56: {  	_ =	shalt  }
0x57: {  	_ =	shalt  }
0x58: {  	_ =	shalt  }
0x59: {  	_ =	shalt  }
0x5a: {  	_ =	shalt  }
0x5b: {  	_ =	shalt  }
0x5c: {  	_ =	shalt  }
0x5d: {  	_ =	shalt  }
0x5e: {  	_ =	shalt  }
0x5f: {  	_ =	shalt  }
0x60: {  	_ =	shalt  }
0x61: {  	_ =	shalt  }
0x62: {  	_ =	shalt  }
0x63: {  	_ =	shalt  }
0x64: {  	_ =	shalt  }
0x65: {  	_ =	shalt  }
0x66: {  	_ =	shalt  }
0x67: {  	_ =	shalt  }
0x68: {  	_ =	shalt  }
0x69: {  	_ =	shalt  }
0x6a: {  	_ =	shalt  }
0x6b: {  	_ =	shalt  }
0x6c: {  	_ =	shalt  }
0x6d: {  	_ =	shalt  }
0x6e: {  	_ =	shalt  }
0x6f: {  	_ =	shalt  }
0x70: {  	_ =	shalt  }
0x71: {  	_ =	shalt  }
0x72: {  	_ =	shalt  }
0x73: {  	_ =	shalt  }
0x74: {  	_ =	shalt  }
0x75: {  	_ =	shalt  }
0x76: {  	_ =	shalt  }
0x77: {  	_ =	shalt  }
0x78: {  	_ =	shalt  }
0x79: {  	_ =	shalt  }
0x7a: {  	_ =	shalt  }
0x7b: {  	_ =	shalt  }
0x7c: {  	_ =	shalt  }
0x7d: {  	_ =	shalt  }
0x7e: {  	_ =	shalt  }
0x7f: {  	_ =	shalt  }
0x80: {  	_ =	shalt  }
0x81: {  	_ =	shalt  }
0x82: {  	_ =	shalt  }
0x83: {  	_ =	shalt  }
0x84: {  	_ =	shalt  }
0x85: {  	_ =	shalt  }
0x86: {  	_ =	shalt  }
0x87: {  	_ =	shalt  }
.Lfunc_end0:
.L_simem_size_0:
called_computation.2_lowered:
.L_overlay_start_0:
0x88: {  	s2 =	sld [smem:$0x3FD9]  }
0x89: {  	s3 =	sld [smem:$0x3FFE];
	_ =	sdelay $0x1  }
0x8a: {  	s1 =	srdreg.scid  }
0x8b: {  	s0 =	sand.u32 $0x1, s1  }
0x8c: {  	s16 =	sshll.u32 s0, $0xA;
	s2 =	sadd.s32 s3, s2  }
0x8d: {  	s2 =	sadd.s32 s2, s16  }
0x8e: {  	[smem:$0x3FB8] =	sst s2  }
0x8f: {  	_ = 	snop  }
0x90: {  	(tm) =	ssettm $0x1  }
0x91: {  	s17 =	sld [smem:$0x3FFB];
	_ =	sdelay $0x3  }
0x92: {  	_ =	strace s17  }
0x93: {  	s2 =	sld [smem:$0x3FFC];
	_ =	sdelay $0x3  }
0x94: {  	_ =	strace s2  }
0x95: {  	s2 =	sld [smem:$0x3FFD];
	_ =	sdelay $0x3  }
0x96: {  	_ =	strace s2  }
0x97: {  	_ =	strace $0x8FFFFFFF  }
0x98: {  	s18 =	sld [smem:$0x3FDB];
	_ =	sdelay $0x1  }
0x99: {  	s19 =	simm.s32 $_scs_section_size  }
0x9a: {  	s4 =	simm.s32 $_size__tile_overlayer_lowered;
	s5 =	simm.s32 $_tile_overlayer_lowered  }
0x9b: {  	s22 =	simm.s32 $0x1BFF;
	s21 =	sshll.u32 s5, $0x1;
	s2 =	sadd.s32 s19, s18  }
0x9c: {  	s6 =	simm.s32 $0x0;
	s20 =	sshll.u32 s4, $0x1;
	s4 =	sadd.s32 s21, s2  }
0x9d: {  	[timem:s6], [sflag:s22] =	dma.local [hbm:s4], s20  }
0x9e: {  	_ =	swait.ge [sflag:s22], s20  }
0x9f: {  	s3 =	ssub.s32 $0x0, s20;
	[sflag:s22] =	ssyncset.done $0x0  }
0xa0: {  	[sflag:s22] =	ssyncadd.s32 s3;
	_ =	sdelay $0x1  }
0xa1: {  	s23 =	simm.s32 $0x1B8B  }
0xa2: {  	_ =	swait.ge [sflag:s23], $0x1  }
0xa3: {  	[sflag:s23] =	ssyncset.done $0x0  }
0xa4: {  	s25 =	simm.s32 $0x1B8E;
	s24 =	sld [smem:$0x3FFE];
	[sflag:s23] =	ssyncadd.s32 $0xFFFFFFFF  }
0xa5: {  	s26 =	simm.s32 $execute0_lowered;
	[smem:$0x3FD2] =	sst s25  }
0xa6: {  	s4 =	sshll.u32 s26, $0x1;
	_ =	strace $0x8000004C;
	[dreg:$0x1] =	wrdreg $0xFFFFFFFF  }
0xa7: {  	s28 =	simm.s32 $_size_execute0_lowered;
	s2 =	sadd.s32 s2, s4;
	[dreg:$0x0] =	wrdreg $0x0  }
0xa8: {  	s4 =	sshll.u32 s28, $0x1;
	[dreg:$0x2] =	wrdreg s2  }
0xa9: {  	[dreg:$0x3] =	wrdreg s4  }
0xaa: {  	[dreg:$0x4] =	wrdreg $0xC0  }
0xab: {  	_ =	task [dreg:s6], $0x5FFFF  }
0xac: {  	[dreg:$0x1] =	wrdreg $0xFFFFFFFF  }
0xad: {  	[dreg:$0x0] =	wrdreg $0x60  }
0xae: {  	[dreg:$0x2] =	wrdreg s24  }
0xaf: {  	[dreg:$0x3] =	wrdreg $0xB7800  }
0xb0: {  	[dreg:$0x4] =	wrdreg $0xA3C00  }
0xb1: {  	[dreg:$0x5] =	wrdreg $0x9  }
0xb2: {  	_ =	task.clear_ibuf [dreg:s6], $0x6FFFF;
	_ =	strace $0x9000004C  }
0xb3: {  	s29 =	simm.s32 $0x9;
	_ =	strace $0x8000004E  }
0xb4: {  	_ =	swait.ge [sflag:s29], $0x1  }
0xb5: {  	[sflag:s29] =	ssyncadd.s32 $0xFFFFFFFF  }
0xb6: {  	_ =	strace $0x9000004E  }
0xb7: {  	_ =	sfence  }
0xb8: {  	s30 =	sld [smem:$0x0];
	_ =	sdelay $0x2  }
0xb9: {  	s31 =	sshll.u32 s1, $0xD;
	s1 =	sshrl.u32 s1, $0x2  }
0xba: {  	s3 =	sand.u32 $0x4000, s31;
	s1 =	sadd.s32 s1, s30  }
0xbb: {  	s0 =	sor.u32 s3, s0;
	s1 =	sshll.u32 s1, $0x11  }
0xbc: {  	s0 =	sor.u32 s1, s0  }
0xbd: {  	s0 =	sadd.s32 $0x8F2B, s0  }
0xbe: {  	[sflag:s0] =	ssyncadd.remote.s32 $0x1  }
0xbf: {  	_ =	sfence.sel $0xFFFF  }
0xc0: {  	[dreg:$0x0] =	wrdreg $0xFFFFFFFF;
	(pc) =	sbr.abs _section_cstart, $3  }
0xc1: {  	[dreg:$0x1] =	wrdreg $0xFFFFFFFF  }
0xc2: {  	_ =	task.clear_ibuf [dreg:s6], $0x2FFFF;
	_ =	strace $0x9FFFFFFF  }
0xc3: {  	(tm) =	ssettm $0x7FFFFFFF  }
tec
execute0_lowered:
.L_overlay_start_1:
0x0: {  	(tag) =	ssettag $0x1  }
0x1: {  	s5 =	rddreg [dreg:$0x0]  }
0x2: {  	s2 =	rddreg [dreg:$0x1]  }
0x3: {  	s3 =	rddreg [dreg:$0x2];
	s4 =	simm.s32 $0x0  }
0x4: {  	[smem:$0x7FF] =	sst s4;
	s10 =	sadd.s32 $0x4E00, s5  }
0x5: {  	s11 =	simm.s32 $0x800;
	_ =	strace $0x8000004D;
	[dreg:$0x4] =	wrdreg s10  }
0x6: {  	s12 =	simm.s32 $0x2A00;
	[dreg:$0xc] =	wrdreg s11  }
0x7: {  	s13 =	simm.s32 $0xA00;
	[dreg:$0xd] =	wrdreg s12  }
0x8: {  	s14 =	simm.s32 $0x2C00;
	[dreg:$0xe] =	wrdreg s13  }
0x9: {  	s15 =	simm.s32 $0xC00;
	[dreg:$0xf] =	wrdreg s14  }
0xa: {  	s16 =	simm.s32 $0x2E00;
	[dreg:$0x10] =	wrdreg s15  }
0xb: {  	s17 =	simm.s32 $0xE00;
	[dreg:$0x11] =	wrdreg s16  }
0xc: {  	s18 =	simm.s32 $0x3000;
	[dreg:$0x12] =	wrdreg s17  }
0xd: {  	s0 =	srdreg.scid;
	s19 =	simm.s32 $0x1000;
	[dreg:$0x13] =	wrdreg s18  }
0xe: {  	s1 =	stileid.u32;
	s20 =	simm.s32 $0x3200;
	[dreg:$0x14] =	wrdreg s19  }
0xf: {  	s21 =	simm.s32 $0x1200;
	s22 =	simm.s32 $0x3400;
	[dreg:$0x15] =	wrdreg s20  }
0x10: {  	s23 =	simm.s32 $0x1400;
	s0 =	sand.u32 $0x1, s0;
	[dreg:$0x16] =	wrdreg s21  }
0x11: {  	s9 =	smul.u32 $0x13C0, s1;
	s6 =	sshll.u32 s0, $0x4;
	[dreg:$0x17] =	wrdreg s22  }
0x12: {  	s8 =	smul.u32 $0x13C00, s0;
	s10 =	simm.s32 $0x600;
	[dreg:$0x18] =	wrdreg s23  }
0x13: {  	s11 =	simm.s32 $0x1C00;
	s12 =	simm.s32 $0x3E00;
	[dreg:$0xb] =	wrdreg s10  }
0x14: {  	s13 =	simm.s32 $0x1E00;
	s15 =	simm.s32 $0x4000;
	[smem:$0x7FA] =	sst s11  }
0x15: {  	s6 =	sor.u32 s1, s6;
	s7 =	sshrl.u32 s9, $0x3;
	[smem:$0x7FB] =	sst s12  }
0x16: {  	s26 =	sadd.s32 s9, s2;
	s10 =	simm.s32 $0x3C00;
	[smem:$0x7FC] =	sst s13  }
0x17: {  	[smem:$0x7FD] =	sst s15;
	s6 =	smul.u32 $0x500, s6;
	s7 =	sadd.s32 s7, s5  }
0x18: {  	s8 =	sadd.s32 s9, s8;
	[dreg:$0x1f] =	wrdreg s10;
	s25 =	sadd.s32 $0x2600, s7  }
0x19: {  	s8 =	sshrl.u32 s8, $0x3;
	s7 =	sshrl.u32 s26, $0x3;
	[dreg:$0x7] =	wrdreg s25  }
0x1a: {  	s26 =	simm.s32 $0x3800;
	s6 =	sadd.s32 s6, s5;
	[dreg:$0x9] =	wrdreg s7  }
0x1b: {  	s5 =	sadd.s32 s8, s5;
	s8 =	simm.s32 $0x400;
	[dreg:$0x1b] =	wrdreg s26  }
0x1c: {  	s25 =	simm.s32 $0x1600;
	[dreg:$0xa] =	wrdreg s8  }
0x1d: {  	s7 =	simm.s32 $0x3A00;
	[dreg:$0x1a] =	wrdreg s25  }
0x1e: {  	s24 =	sadd.s32 $0x11600, s6;
	[dreg:$0x1d] =	wrdreg s7  }
0x1f: {  	s6 =	sadd.s32 $0x7600, s6;
	[dreg:$0x5] =	wrdreg s24  }
0x20: {  	s5 =	sadd.s32 $0x1B600, s5;
	[dreg:$0x6] =	wrdreg s6  }
0x21: {  	s8 =	simm.s32 $0x1A00;
	[dreg:$0x8] =	wrdreg s5  }
0x22: {  	s24 =	simm.s32 $0x3600;
	[dreg:$0x1e] =	wrdreg s8  }
0x23: {  	s6 =	simm.s32 $0x1800;
	[dreg:$0x19] =	wrdreg s24  }
0x24: {  	[dreg:$0x1c] =	wrdreg s6  }
0x25: {  	s5 =	simm.s32 $0x5;
	s14 =	rddreg [dreg:$0x5]  }
0x26: {  	[tilespmem:s4], [sflag:$0x5] =	stream.linear.gather [hbm4b:s14+s4], $0x2800, $0x38;
	[tilespmem:$0xCB40] =	vst v63  }
0x27: {  	_ =	swait.ge [sflag:s5], $0x2800  }
0x28: {  	[sflag:s5] =	ssyncset.done $0x0  }
0x29: {  	s6 =	simm.s32 $0x2800;
	s16 =	rddreg [dreg:$0x6];
	[sflag:s5] =	ssyncadd.s32 $0xFFFFD800  }
0x2a: {  	[tilespmem:s6], [sflag:$0x5] =	stream.linear.gather [hbm4b:s16+s4], $0x2800, $0x38;
	[tilespmem:$0xCB40] =	vst v63  }
0x2b: {  	_ =	swait.ge [sflag:s5], $0x2800  }
0x2c: {  	s19 =	sshll.u32 s1, $0x6;
	s17 =	rddreg [dreg:$0x7];
	[sflag:s5] =	ssyncset.done $0x0  }
0x2d: {  	s7 =	sor.u32 $0x1C05, s19;
	s18 =	rddreg [dreg:$0x9];
	[sflag:s5] =	ssyncadd.s32 $0xFFFFD800  }
0x2e: {  	[spmem:s18], [sflag:s7] =	dma.local [hbm:s17], $0x278  }
0x2f: {  	_ =	swait.ge [sflag:s5], $0x278  }
0x30: {  	[sflag:s5] =	ssyncset.done $0x0  }
0x31: {  	s8 =	simm.s32 $0x9000;
	s20 =	rddreg [dreg:$0x4];
	[sflag:s5] =	ssyncadd.s32 $0xFFFFFD88  }
0x32: {  	[tilespmem:s8], [sflag:$0x5] =	stream.linear.gather [hbm4b:s20+s4], $0x13C0, $0x38;
	[tilespmem:$0xCB40] =	vst v63  }
0x33: {  	_ =	swait.ge [sflag:s5], $0x13C0  }
0x34: {  	[sflag:s5] =	ssyncset.done $0x0  }
0x35: {  	s9 =	sadd.s32 s9, s3;
	[sflag:s5] =	ssyncadd.s32 $0xFFFFEC40  }
0x36: {  	[spmem:s9] =	stream.linear.scatter [tilespmem:s8], [sflag:$0x5], $0x13C0, $0x38;
	[tilespmem:$0xCB40] =	vst v63  }
0x37: {  	_ =	swait.ge [sflag:s5], $0x13C0  }
0x38: {  	[sflag:s5] =	ssyncset.done $0x0  }
0x39: {  	[sflag:s5] =	ssyncadd.s32 $0xFFFFEC40  }
0x3a: {  	s11 =	simm.s32 $0x5000;
	s10 =	simm.s32 $0x200;
	[bflag:$0x0] =	sbarrier.arrive $0xFFFF  }
0x3b: {  	[tilespmem:s11], [sflag:$0x1] =	stream.indirect.gather [spmem:s2], $0x8, s4, s10, $0xb8;
	[tilespmem:$0xCB40] =	vst v63  }
0x3c: {  	s12 =	simm.s32 $0x6000  }
0x3d: {  	[tilespmem:s12], [sflag:$0x2] =	stream.indirect.gather [spmem:s2], $0x8, s10, s10, $0xb8;
	[tilespmem:$0xCB40] =	vst v63  }
0x3e: {  	s13 =	simm.s32 $0x7000;
	s14 =	rddreg [dreg:$0xa]  }
0x3f: {  	[tilespmem:s13], [sflag:$0x3] =	stream.indirect.gather [spmem:s2], $0x8, s14, s10, $0xb8;
	[tilespmem:$0xCB40] =	vst v63  }
0x40: {  	s15 =	simm.s32 $0x1;
	s16 =	rddreg [dreg:$0xb];
	s14 =	simm.s32 $0x8000  }
0x41: {  	[tilespmem:s14], [sflag:$0x4] =	stream.indirect.gather [spmem:s2], $0x8, s16, s10, $0xb8;
	[tilespmem:$0xCB40] =	vst v63  }
0x42: {  	_ =	swait.ge [sflag:s15], $0x1000  }
0x43: {  	[sflag:s15] =	ssyncset.done $0x0  }
0x44: {  	[sflag:s15] =	ssyncadd.s32 $0xFFFFF000  }
0x45: {  	[spmem:s3] =	stream.indirect.scatter.add.f32 [tilespmem:s11], [sflag:$0x5], $0x8, s6, s10, $0xb8;
	[tilespmem:$0xCB40] =	vst v63  }
0x46: {  	_ =	swait.ge [sflag:s5], $0x1000  }
0x47: {  	[sflag:s5] =	ssyncset.done $0x0  }
0x48: {  	s16 =	simm.s32 $0x2;
	s17 =	rddreg [dreg:$0xc];
	[sflag:s5] =	ssyncadd.s32 $0xFFFFF000  }
0x49: {  	[tilespmem:s11], [sflag:$0x1] =	stream.indirect.gather [spmem:s2], $0x8, s17, s10, $0xb8;
	[tilespmem:$0xCB40] =	vst v63  }
0x4a: {  	_ =	swait.ge [sflag:s16], $0x1000  }
0x4b: {  	[sflag:s16] =	ssyncset.done $0x0  }
0x4c: {  	s21 =	rddreg [dreg:$0xd];
	[sflag:s16] =	ssyncadd.s32 $0xFFFFF000  }
0x4d: {  	[spmem:s3] =	stream.indirect.scatter.add.f32 [tilespmem:s12], [sflag:$0x5], $0x8, s21, s10, $0xb8;
	[tilespmem:$0xCB40] =	vst v63  }
0x4e: {  	_ =	swait.ge [sflag:s5], $0x1000  }
0x4f: {  	[sflag:s5] =	ssyncset.done $0x0  }
0x50: {  	s17 =	simm.s32 $0x3;
	s18 =	rddreg [dreg:$0xe];
	[sflag:s5] =	ssyncadd.s32 $0xFFFFF000  }
0x51: {  	[tilespmem:s12], [sflag:$0x2] =	stream.indirect.gather [spmem:s2], $0x8, s18, s10, $0xb8;
	[tilespmem:$0xCB40] =	vst v63  }
0x52: {  	_ =	swait.ge [sflag:s17], $0x1000  }
0x53: {  	[sflag:s17] =	ssyncset.done $0x0  }
0x54: {  	s22 =	rddreg [dreg:$0xf];
	[sflag:s17] =	ssyncadd.s32 $0xFFFFF000  }
0x55: {  	[spmem:s3] =	stream.indirect.scatter.add.f32 [tilespmem:s13], [sflag:$0x5], $0x8, s22, s10, $0xb8;
	[tilespmem:$0xCB40] =	vst v63  }
0x56: {  	_ =	swait.ge [sflag:s5], $0x1000  }
0x57: {  	[sflag:s5] =	ssyncset.done $0x0  }
0x58: {  	s18 =	simm.s32 $0x4;
	s19 =	rddreg [dreg:$0x10];
	[sflag:s5] =	ssyncadd.s32 $0xFFFFF000  }
0x59: {  	[tilespmem:s13], [sflag:$0x3] =	stream.indirect.gather [spmem:s2], $0x8, s19, s10, $0xb8;
	[tilespmem:$0xCB40] =	vst v63  }
0x5a: {  	_ =	swait.ge [sflag:s18], $0x1000  }
0x5b: {  	[sflag:s18] =	ssyncset.done $0x0  }
0x5c: {  	s23 =	rddreg [dreg:$0x11];
	[sflag:s18] =	ssyncadd.s32 $0xFFFFF000  }
0x5d: {  	[spmem:s3] =	stream.indirect.scatter.add.f32 [tilespmem:s14], [sflag:$0x5], $0x8, s23, s10, $0xb8;
	[tilespmem:$0xCB40] =	vst v63  }
0x5e: {  	_ =	swait.ge [sflag:s5], $0x1000  }
0x5f: {  	[sflag:s5] =	ssyncset.done $0x0  }
0x60: {  	s24 =	rddreg [dreg:$0x12];
	[sflag:s5] =	ssyncadd.s32 $0xFFFFF000  }
0x61: {  	[tilespmem:s14], [sflag:$0x4] =	stream.indirect.gather [spmem:s2], $0x8, s24, s10, $0xb8;
	[tilespmem:$0xCB40] =	vst v63  }
0x62: {  	_ =	swait.ge [sflag:s15], $0x1000  }
0x63: {  	[sflag:s15] =	ssyncset.done $0x0  }
0x64: {  	s25 =	rddreg [dreg:$0x13];
	[sflag:s15] =	ssyncadd.s32 $0xFFFFF000  }
0x65: {  	[spmem:s3] =	stream.indirect.scatter.add.f32 [tilespmem:s11], [sflag:$0x5], $0x8, s25, s10, $0xb8;
	[tilespmem:$0xCB40] =	vst v63  }
0x66: {  	_ =	swait.ge [sflag:s5], $0x1000  }
0x67: {  	[sflag:s5] =	ssyncset.done $0x0  }
0x68: {  	s26 =	rddreg [dreg:$0x14];
	[sflag:s5] =	ssyncadd.s32 $0xFFFFF000  }
0x69: {  	[tilespmem:s11], [sflag:$0x1] =	stream.indirect.gather [spmem:s2], $0x8, s26, s10, $0xb8;
	[tilespmem:$0xCB40] =	vst v63  }
0x6a: {  	_ =	swait.ge [sflag:s16], $0x1000  }
0x6b: {  	[sflag:s16] =	ssyncset.done $0x0  }
0x6c: {  	s1 =	rddreg [dreg:$0x15];
	[sflag:s16] =	ssyncadd.s32 $0xFFFFF000  }
0x6d: {  	[spmem:s3] =	stream.indirect.scatter.add.f32 [tilespmem:s12], [sflag:$0x5], $0x8, s1, s10, $0xb8;
	[tilespmem:$0xCB40] =	vst v63  }
0x6e: {  	_ =	swait.ge [sflag:s5], $0x1000  }
0x6f: {  	[sflag:s5] =	ssyncset.done $0x0  }
0x70: {  	s20 =	rddreg [dreg:$0x16];
	[sflag:s5] =	ssyncadd.s32 $0xFFFFF000  }
0x71: {  	[tilespmem:s12], [sflag:$0x2] =	stream.indirect.gather [spmem:s2], $0x8, s20, s10, $0xb8;
	[tilespmem:$0xCB40] =	vst v63  }
0x72: {  	_ =	swait.ge [sflag:s17], $0x1000  }
0x73: {  	[sflag:s17] =	ssyncset.done $0x0  }
0x74: {  	s21 =	rddreg [dreg:$0x17];
	[sflag:s17] =	ssyncadd.s32 $0xFFFFF000  }
0x75: {  	[spmem:s3] =	stream.indirect.scatter.add.f32 [tilespmem:s13], [sflag:$0x5], $0x8, s21, s10, $0xb8;
	[tilespmem:$0xCB40] =	vst v63  }
0x76: {  	_ =	swait.ge [sflag:s5], $0x1000  }
0x77: {  	[sflag:s5] =	ssyncset.done $0x0  }
0x78: {  	s22 =	rddreg [dreg:$0x18];
	[sflag:s5] =	ssyncadd.s32 $0xFFFFF000  }
0x79: {  	[tilespmem:s13], [sflag:$0x3] =	stream.indirect.gather [spmem:s2], $0x8, s22, s10, $0xb8;
	[tilespmem:$0xCB40] =	vst v63  }
0x7a: {  	_ =	swait.ge [sflag:s18], $0x1000  }
0x7b: {  	[sflag:s18] =	ssyncset.done $0x0  }
0x7c: {  	s23 =	rddreg [dreg:$0x19];
	[sflag:s18] =	ssyncadd.s32 $0xFFFFF000  }
0x7d: {  	[spmem:s3] =	stream.indirect.scatter.add.f32 [tilespmem:s14], [sflag:$0x5], $0x8, s23, s10, $0xb8;
	[tilespmem:$0xCB40] =	vst v63  }
0x7e: {  	_ =	swait.ge [sflag:s5], $0x1000  }
0x7f: {  	[sflag:s5] =	ssyncset.done $0x0  }
0x80: {  	s24 =	rddreg [dreg:$0x1a];
	[sflag:s5] =	ssyncadd.s32 $0xFFFFF000  }
0x81: {  	[tilespmem:s14], [sflag:$0x4] =	stream.indirect.gather [spmem:s2], $0x8, s24, s10, $0xb8;
	[tilespmem:$0xCB40] =	vst v63  }
0x82: {  	_ =	swait.ge [sflag:s15], $0x1000  }
0x83: {  	[sflag:s15] =	ssyncset.done $0x0  }
0x84: {  	s25 =	rddreg [dreg:$0x1b];
	[sflag:s15] =	ssyncadd.s32 $0xFFFFF000  }
0x85: {  	[spmem:s3] =	stream.indirect.scatter.add.f32 [tilespmem:s11], [sflag:$0x5], $0x8, s25, s10, $0xb8;
	[tilespmem:$0xCB40] =	vst v63  }
0x86: {  	_ =	swait.ge [sflag:s5], $0x1000  }
0x87: {  	[sflag:s5] =	ssyncset.done $0x0  }
0x88: {  	s26 =	rddreg [dreg:$0x1c];
	[sflag:s5] =	ssyncadd.s32 $0xFFFFF000  }
0x89: {  	[tilespmem:s11], [sflag:$0x1] =	stream.indirect.gather [spmem:s2], $0x8, s26, s10, $0xb8;
	[tilespmem:$0xCB40] =	vst v63  }
0x8a: {  	_ =	swait.ge [sflag:s16], $0x1000  }
0x8b: {  	[sflag:s16] =	ssyncset.done $0x0  }
0x8c: {  	s1 =	rddreg [dreg:$0x1d];
	[sflag:s16] =	ssyncadd.s32 $0xFFFFF000  }
0x8d: {  	[spmem:s3] =	stream.indirect.scatter.add.f32 [tilespmem:s12], [sflag:$0x5], $0x8, s1, s10, $0xb8;
	[tilespmem:$0xCB40] =	vst v63  }
0x8e: {  	_ =	swait.ge [sflag:s5], $0x1000  }
0x8f: {  	[sflag:s5] =	ssyncset.done $0x0  }
0x90: {  	s20 =	rddreg [dreg:$0x1e];
	[sflag:s5] =	ssyncadd.s32 $0xFFFFF000  }
0x91: {  	[tilespmem:s12], [sflag:$0x2] =	stream.indirect.gather [spmem:s2], $0x8, s20, s10, $0xb8;
	[tilespmem:$0xCB40] =	vst v63  }
0x92: {  	_ =	swait.ge [sflag:s17], $0x1000  }
0x93: {  	[sflag:s17] =	ssyncset.done $0x0  }
0x94: {  	s21 =	rddreg [dreg:$0x1f];
	[sflag:s17] =	ssyncadd.s32 $0xFFFFF000  }
0x95: {  	[spmem:s3] =	stream.indirect.scatter.add.f32 [tilespmem:s13], [sflag:$0x5], $0x8, s21, s10, $0xb8;
	[tilespmem:$0xCB40] =	vst v63  }
0x96: {  	_ =	swait.ge [sflag:s5], $0x1000  }
0x97: {  	s22 =	sld [smem:$0x7FA]  }
0x98: {  	[sflag:s5] =	ssyncset.done $0x0  }
0x99: {  	[sflag:s5] =	ssyncadd.s32 $0xFFFFF000  }
0x9a: {  	[tilespmem:s13], [sflag:$0x3] =	stream.indirect.gather [spmem:s2], $0x8, s22, s10, $0xb8;
	[tilespmem:$0xCB40] =	vst v63  }
0x9b: {  	_ =	swait.ge [sflag:s18], $0x1000  }
0x9c: {  	s23 =	sld [smem:$0x7FB]  }
0x9d: {  	[sflag:s18] =	ssyncset.done $0x0  }
0x9e: {  	[sflag:s18] =	ssyncadd.s32 $0xFFFFF000  }
0x9f: {  	[spmem:s3] =	stream.indirect.scatter.add.f32 [tilespmem:s14], [sflag:$0x5], $0x8, s23, s10, $0xb8;
	[tilespmem:$0xCB40] =	vst v63  }
0xa0: {  	_ =	swait.ge [sflag:s5], $0x1000  }
0xa1: {  	s24 =	sld [smem:$0x7FC]  }
0xa2: {  	[sflag:s5] =	ssyncset.done $0x0  }
0xa3: {  	[sflag:s5] =	ssyncadd.s32 $0xFFFFF000  }
0xa4: {  	[tilespmem:s14], [sflag:$0x4] =	stream.indirect.gather [spmem:s2], $0x8, s24, s10, $0xb8;
	[tilespmem:$0xCB40] =	vst v63  }
0xa5: {  	_ =	swait.ge [sflag:s15], $0x1000  }
0xa6: {  	s25 =	sld [smem:$0x7FD]  }
0xa7: {  	[sflag:s15] =	ssyncset.done $0x0  }
0xa8: {  	[sflag:s15] =	ssyncadd.s32 $0xFFFFF000  }
0xa9: {  	[spmem:s3] =	stream.indirect.scatter.add.f32 [tilespmem:s11], [sflag:$0x5], $0x8, s25, s10, $0xb8;
	[tilespmem:$0xCB40] =	vst v63  }
0xaa: {  	_ =	swait.ge [sflag:s5], $0x1000  }
0xab: {  	[sflag:s5] =	ssyncset.done $0x0  }
0xac: {  	s26 =	simm.s32 $0x2000;
	[sflag:s5] =	ssyncadd.s32 $0xFFFFF000  }
0xad: {  	[tilespmem:s11], [sflag:$0x1] =	stream.indirect.gather [spmem:s2], $0x8, s26, s10, $0xb8;
	[tilespmem:$0xCB40] =	vst v63  }
0xae: {  	_ =	swait.ge [sflag:s16], $0x1000  }
0xaf: {  	[sflag:s16] =	ssyncset.done $0x0  }
0xb0: {  	s20 =	simm.s32 $0x4200;
	[sflag:s16] =	ssyncadd.s32 $0xFFFFF000  }
0xb1: {  	[spmem:s3] =	stream.indirect.scatter.add.f32 [tilespmem:s12], [sflag:$0x5], $0x8, s20, s10, $0xb8;
	[tilespmem:$0xCB40] =	vst v63  }
0xb2: {  	_ =	swait.ge [sflag:s5], $0x1000  }
0xb3: {  	[sflag:s5] =	ssyncset.done $0x0  }
0xb4: {  	s21 =	simm.s32 $0x2200;
	[sflag:s5] =	ssyncadd.s32 $0xFFFFF000  }
0xb5: {  	[tilespmem:s12], [sflag:$0x2] =	stream.indirect.gather [spmem:s2], $0x8, s21, s10, $0xb8;
	[tilespmem:$0xCB40] =	vst v63  }
0xb6: {  	_ =	swait.ge [sflag:s17], $0x1000  }
0xb7: {  	[sflag:s17] =	ssyncset.done $0x0  }
0xb8: {  	s22 =	simm.s32 $0x4400;
	[sflag:s17] =	ssyncadd.s32 $0xFFFFF000  }
0xb9: {  	[spmem:s3] =	stream.indirect.scatter.add.f32 [tilespmem:s13], [sflag:$0x5], $0x8, s22, s10, $0xb8;
	[tilespmem:$0xCB40] =	vst v63  }
0xba: {  	_ =	swait.ge [sflag:s5], $0x1000  }
0xbb: {  	[sflag:s5] =	ssyncset.done $0x0  }
0xbc: {  	s23 =	simm.s32 $0x2400;
	[sflag:s5] =	ssyncadd.s32 $0xFFFFF000  }
0xbd: {  	[tilespmem:s13], [sflag:$0x3] =	stream.indirect.gather [spmem:s2], $0x8, s23, s10, $0xb8;
	[tilespmem:$0xCB40] =	vst v63  }
0xbe: {  	_ =	swait.ge [sflag:s18], $0x1000  }
0xbf: {  	[sflag:s18] =	ssyncset.done $0x0  }
0xc0: {  	s24 =	simm.s32 $0x4600;
	[sflag:s18] =	ssyncadd.s32 $0xFFFFF000  }
0xc1: {  	[spmem:s3] =	stream.indirect.scatter.add.f32 [tilespmem:s14], [sflag:$0x5], $0x8, s24, s10, $0xb8;
	[tilespmem:$0xCB40] =	vst v63  }
0xc2: {  	_ =	swait.ge [sflag:s5], $0x1000  }
0xc3: {  	[sflag:s5] =	ssyncset.done $0x0  }
0xc4: {  	s25 =	simm.s32 $0x2600;
	[sflag:s5] =	ssyncadd.s32 $0xFFFFF000  }
0xc5: {  	[tilespmem:s14], [sflag:$0x4] =	stream.indirect.gather [spmem:s2], $0x8, s25, s10, $0xb8;
	[tilespmem:$0xCB40] =	vst v63  }
0xc6: {  	_ =	swait.ge [sflag:s15], $0x1000  }
0xc7: {  	[sflag:s15] =	ssyncset.done $0x0  }
0xc8: {  	s26 =	simm.s32 $0x4800;
	[sflag:s15] =	ssyncadd.s32 $0xFFFFF000  }
0xc9: {  	[spmem:s3] =	stream.indirect.scatter.add.f32 [tilespmem:s11], [sflag:$0x5], $0x8, s26, s10, $0xb8;
	[tilespmem:$0xCB40] =	vst v63  }
0xca: {  	_ =	swait.ge [sflag:s5], $0x1000  }
0xcb: {  	[sflag:s5] =	ssyncset.done $0x0  }
0xcc: {  	[sflag:s5] =	ssyncadd.s32 $0xFFFFF000  }
0xcd: {  	_ =	swait.ge [sflag:s16], $0x1000  }
0xce: {  	[sflag:s16] =	ssyncset.done $0x0  }
0xcf: {  	s28 =	simm.s32 $0x4A00;
	[sflag:s16] =	ssyncadd.s32 $0xFFFFF000  }
0xd0: {  	[spmem:s3] =	stream.indirect.scatter.add.f32 [tilespmem:s12], [sflag:$0x5], $0x8, s28, s10, $0xb8;
	[tilespmem:$0xCB40] =	vst v63  }
0xd1: {  	_ =	swait.ge [sflag:s5], $0x1000  }
0xd2: {  	[sflag:s5] =	ssyncset.done $0x0  }
0xd3: {  	[sflag:s5] =	ssyncadd.s32 $0xFFFFF000  }
0xd4: {  	_ =	swait.ge [sflag:s17], $0x1000  }
0xd5: {  	[sflag:s17] =	ssyncset.done $0x0  }
0xd6: {  	s29 =	simm.s32 $0x4C00;
	[sflag:s17] =	ssyncadd.s32 $0xFFFFF000  }
0xd7: {  	[spmem:s3] =	stream.indirect.scatter.add.f32 [tilespmem:s13], [sflag:$0x5], $0x8, s29, s10, $0xb8;
	[tilespmem:$0xCB40] =	vst v63  }
0xd8: {  	_ =	swait.ge [sflag:s5], $0x1000  }
0xd9: {  	[sflag:s5] =	ssyncset.done $0x0  }
0xda: {  	s0 =	ssub.s32 $0x2, s0;
	[sflag:s5] =	ssyncadd.s32 $0xFFFFF000  }
0xdb: {  	s31 =	sshrl.u32 s0, $0x1;
	_ =	swait.ge [sflag:s18], $0x1000  }
0xdc: {  	s0 =	ssub.s32 s0, s31;
	[sflag:s18] =	ssyncset.done $0x0  }
0xdd: {  	s30 =	simm.s32 $0x4E00;
	s0 =	smax.u32 s0, $0x1;
	[sflag:s18] =	ssyncadd.s32 $0xFFFFF000  }
0xde: {  	[spmem:s3] =	stream.indirect.scatter.add.f32 [tilespmem:s14], [sflag:$0x5], $0x8, s30, s10, $0xb8;
	[tilespmem:$0xCB40] =	vst v63  }
0xdf: {  	p0 =	sne.s32 s0, $0x1;
	_ =	swait.ge [sflag:s5], $0x1000  }
.Ltmp0:
0xe0: {  	[sflag:s5] =	ssyncset.done $0x0;
	(pc) =	sbr.rel @!p0 .LBB2_2-.Ltmp0, $4  }
0xe1: {  	[sflag:s5] =	ssyncadd.s32 $0xFFFFF000  }
0xe2: {  	[bflag:$0x0] =	sbarrier.arrive $0xFFFF  }
0xe3: {  	s31 =	sshrl.u32 s9, $0x3;
	s0 =	sadd.s32 $0xFFFFFFFF, s0;
	s19 =	rddreg [dreg:$0x8]  }
0xe4: {  	[hbm:s19], [sflag:s7] =	dma.local [spmem:s31], $0x278  }
.LBB2_1:
0xe5: {  	_ =	swait.ge [sflag:s5], $0x278  }
0xe6: {  	[sflag:s5] =	ssyncset.done $0x0  }
0xe7: {  	s1 =	rddreg [dreg:$0x5];
	[sflag:s5] =	ssyncadd.s32 $0xFFFFFD88  }
0xe8: {  	[tilespmem:s4], [sflag:$0x5] =	stream.linear.gather [hbm4b:s1+s4], $0x2800, $0x38;
	[tilespmem:$0xCB40] =	vst v63  }
0xe9: {  	_ =	swait.ge [sflag:s5], $0x2800  }
0xea: {  	[sflag:s5] =	ssyncset.done $0x0  }
0xeb: {  	s19 =	rddreg [dreg:$0x6];
	[sflag:s5] =	ssyncadd.s32 $0xFFFFD800  }
0xec: {  	[tilespmem:s6], [sflag:$0x5] =	stream.linear.gather [hbm4b:s19+s4], $0x2800, $0x38;
	[tilespmem:$0xCB40] =	vst v63  }
0xed: {  	_ =	swait.ge [sflag:s5], $0x2800  }
0xee: {  	[sflag:s5] =	ssyncset.done $0x0;
	s1 =	rddreg [dreg:$0x7]  }
0xef: {  	s19 =	rddreg [dreg:$0x9];
	[sflag:s5] =	ssyncadd.s32 $0xFFFFD800  }
0xf0: {  	[spmem:s19], [sflag:s7] =	dma.local [hbm:s1], $0x278  }
0xf1: {  	_ =	swait.ge [sflag:s5], $0x278  }
0xf2: {  	[sflag:s5] =	ssyncset.done $0x0  }
0xf3: {  	s19 =	rddreg [dreg:$0x4];
	[sflag:s5] =	ssyncadd.s32 $0xFFFFFD88  }
0xf4: {  	[tilespmem:s8], [sflag:$0x5] =	stream.linear.gather [hbm4b:s19+s4], $0x13C0, $0x38;
	[tilespmem:$0xCB40] =	vst v63  }
0xf5: {  	_ =	swait.ge [sflag:s5], $0x13C0  }
0xf6: {  	[sflag:s5] =	ssyncset.done $0x0  }
0xf7: {  	[sflag:s5] =	ssyncadd.s32 $0xFFFFEC40  }
0xf8: {  	[spmem:s9] =	stream.linear.scatter [tilespmem:s8], [sflag:$0x5], $0x13C0, $0x38;
	[tilespmem:$0xCB40] =	vst v63  }
0xf9: {  	_ =	swait.ge [sflag:s5], $0x13C0  }
0xfa: {  	[sflag:s5] =	ssyncset.done $0x0  }
0xfb: {  	[sflag:s5] =	ssyncadd.s32 $0xFFFFEC40  }
0xfc: {  	[bflag:$0x0] =	sbarrier.arrive $0xFFFF  }
0xfd: {  	[tilespmem:s11], [sflag:$0x1] =	stream.indirect.gather [spmem:s2], $0x8, s4, s10, $0xb8;
	[tilespmem:$0xCB40] =	vst v63  }
0xfe: {  	_ = 	snop  }
0xff: {  	[tilespmem:s12], [sflag:$0x2] =	stream.indirect.gather [spmem:s2], $0x8, s10, s10, $0xb8;
	[tilespmem:$0xCB40] =	vst v63  }
0x100: {  	s1 =	rddreg [dreg:$0xa]  }
0x101: {  	[tilespmem:s13], [sflag:$0x3] =	stream.indirect.gather [spmem:s2], $0x8, s1, s10, $0xb8;
	[tilespmem:$0xCB40] =	vst v63  }
0x102: {  	s19 =	rddreg [dreg:$0xb]  }
0x103: {  	[tilespmem:s14], [sflag:$0x4] =	stream.indirect.gather [spmem:s2], $0x8, s19, s10, $0xb8;
	[tilespmem:$0xCB40] =	vst v63  }
0x104: {  	_ =	swait.ge [sflag:s15], $0x1000  }
0x105: {  	[sflag:s15] =	ssyncset.done $0x0  }
0x106: {  	[sflag:s15] =	ssyncadd.s32 $0xFFFFF000  }
0x107: {  	[spmem:s3] =	stream.indirect.scatter.add.f32 [tilespmem:s11], [sflag:$0x5], $0x8, s6, s10, $0xb8;
	[tilespmem:$0xCB40] =	vst v63  }
0x108: {  	_ =	swait.ge [sflag:s5], $0x1000  }
0x109: {  	[sflag:s5] =	ssyncset.done $0x0  }
0x10a: {  	s19 =	rddreg [dreg:$0xc];
	[sflag:s5] =	ssyncadd.s32 $0xFFFFF000  }
0x10b: {  	[tilespmem:s11], [sflag:$0x1] =	stream.indirect.gather [spmem:s2], $0x8, s19, s10, $0xb8;
	[tilespmem:$0xCB40] =	vst v63  }
0x10c: {  	_ =	swait.ge [sflag:s16], $0x1000  }
0x10d: {  	[sflag:s16] =	ssyncset.done $0x0  }
0x10e: {  	s19 =	rddreg [dreg:$0xd];
	[sflag:s16] =	ssyncadd.s32 $0xFFFFF000  }
0x10f: {  	[spmem:s3] =	stream.indirect.scatter.add.f32 [tilespmem:s12], [sflag:$0x5], $0x8, s19, s10, $0xb8;
	[tilespmem:$0xCB40] =	vst v63  }
0x110: {  	_ =	swait.ge [sflag:s5], $0x1000  }
0x111: {  	[sflag:s5] =	ssyncset.done $0x0  }
0x112: {  	s19 =	rddreg [dreg:$0xe];
	[sflag:s5] =	ssyncadd.s32 $0xFFFFF000  }
0x113: {  	[tilespmem:s12], [sflag:$0x2] =	stream.indirect.gather [spmem:s2], $0x8, s19, s10, $0xb8;
	[tilespmem:$0xCB40] =	vst v63  }
0x114: {  	_ =	swait.ge [sflag:s17], $0x1000  }
0x115: {  	[sflag:s17] =	ssyncset.done $0x0  }
0x116: {  	s19 =	rddreg [dreg:$0xf];
	[sflag:s17] =	ssyncadd.s32 $0xFFFFF000  }
0x117: {  	[spmem:s3] =	stream.indirect.scatter.add.f32 [tilespmem:s13], [sflag:$0x5], $0x8, s19, s10, $0xb8;
	[tilespmem:$0xCB40] =	vst v63  }
0x118: {  	_ =	swait.ge [sflag:s5], $0x1000  }
0x119: {  	[sflag:s5] =	ssyncset.done $0x0  }
0x11a: {  	s19 =	rddreg [dreg:$0x10];
	[sflag:s5] =	ssyncadd.s32 $0xFFFFF000  }
0x11b: {  	[tilespmem:s13], [sflag:$0x3] =	stream.indirect.gather [spmem:s2], $0x8, s19, s10, $0xb8;
	[tilespmem:$0xCB40] =	vst v63  }
0x11c: {  	_ =	swait.ge [sflag:s18], $0x1000  }
0x11d: {  	[sflag:s18] =	ssyncset.done $0x0  }
0x11e: {  	s19 =	rddreg [dreg:$0x11];
	[sflag:s18] =	ssyncadd.s32 $0xFFFFF000  }
0x11f: {  	[spmem:s3] =	stream.indirect.scatter.add.f32 [tilespmem:s14], [sflag:$0x5], $0x8, s19, s10, $0xb8;
	[tilespmem:$0xCB40] =	vst v63  }
0x120: {  	_ =	swait.ge [sflag:s5], $0x1000  }
0x121: {  	[sflag:s5] =	ssyncset.done $0x0  }
0x122: {  	s19 =	rddreg [dreg:$0x12];
	[sflag:s5] =	ssyncadd.s32 $0xFFFFF000  }
0x123: {  	[tilespmem:s14], [sflag:$0x4] =	stream.indirect.gather [spmem:s2], $0x8, s19, s10, $0xb8;
	[tilespmem:$0xCB40] =	vst v63  }
0x124: {  	_ =	swait.ge [sflag:s15], $0x1000  }
0x125: {  	[sflag:s15] =	ssyncset.done $0x0  }
0x126: {  	s19 =	rddreg [dreg:$0x13];
	[sflag:s15] =	ssyncadd.s32 $0xFFFFF000  }
0x127: {  	[spmem:s3] =	stream.indirect.scatter.add.f32 [tilespmem:s11], [sflag:$0x5], $0x8, s19, s10, $0xb8;
	[tilespmem:$0xCB40] =	vst v63  }
0x128: {  	_ =	swait.ge [sflag:s5], $0x1000  }
0x129: {  	[sflag:s5] =	ssyncset.done $0x0  }
0x12a: {  	s19 =	rddreg [dreg:$0x14];
	[sflag:s5] =	ssyncadd.s32 $0xFFFFF000  }
0x12b: {  	[tilespmem:s11], [sflag:$0x1] =	stream.indirect.gather [spmem:s2], $0x8, s19, s10, $0xb8;
	[tilespmem:$0xCB40] =	vst v63  }
0x12c: {  	_ =	swait.ge [sflag:s16], $0x1000  }
0x12d: {  	[sflag:s16] =	ssyncset.done $0x0  }
0x12e: {  	s19 =	rddreg [dreg:$0x15];
	[sflag:s16] =	ssyncadd.s32 $0xFFFFF000  }
0x12f: {  	[spmem:s3] =	stream.indirect.scatter.add.f32 [tilespmem:s12], [sflag:$0x5], $0x8, s19, s10, $0xb8;
	[tilespmem:$0xCB40] =	vst v63  }
0x130: {  	_ =	swait.ge [sflag:s5], $0x1000  }
0x131: {  	[sflag:s5] =	ssyncset.done $0x0  }
0x132: {  	s19 =	rddreg [dreg:$0x16];
	[sflag:s5] =	ssyncadd.s32 $0xFFFFF000  }
0x133: {  	[tilespmem:s12], [sflag:$0x2] =	stream.indirect.gather [spmem:s2], $0x8, s19, s10, $0xb8;
	[tilespmem:$0xCB40] =	vst v63  }
0x134: {  	_ =	swait.ge [sflag:s17], $0x1000  }
0x135: {  	[sflag:s17] =	ssyncset.done $0x0  }
0x136: {  	s19 =	rddreg [dreg:$0x17];
	[sflag:s17] =	ssyncadd.s32 $0xFFFFF000  }
0x137: {  	[spmem:s3] =	stream.indirect.scatter.add.f32 [tilespmem:s13], [sflag:$0x5], $0x8, s19, s10, $0xb8;
	[tilespmem:$0xCB40] =	vst v63  }
0x138: {  	_ =	swait.ge [sflag:s5], $0x1000  }
0x139: {  	[sflag:s5] =	ssyncset.done $0x0  }
0x13a: {  	s19 =	rddreg [dreg:$0x18];
	[sflag:s5] =	ssyncadd.s32 $0xFFFFF000  }
0x13b: {  	[tilespmem:s13], [sflag:$0x3] =	stream.indirect.gather [spmem:s2], $0x8, s19, s10, $0xb8;
	[tilespmem:$0xCB40] =	vst v63  }
0x13c: {  	_ =	swait.ge [sflag:s18], $0x1000  }
0x13d: {  	[sflag:s18] =	ssyncset.done $0x0  }
0x13e: {  	s19 =	rddreg [dreg:$0x19];
	[sflag:s18] =	ssyncadd.s32 $0xFFFFF000  }
0x13f: {  	[spmem:s3] =	stream.indirect.scatter.add.f32 [tilespmem:s14], [sflag:$0x5], $0x8, s19, s10, $0xb8;
	[tilespmem:$0xCB40] =	vst v63  }
0x140: {  	_ =	swait.ge [sflag:s5], $0x1000  }
0x141: {  	[sflag:s5] =	ssyncset.done $0x0  }
0x142: {  	s19 =	rddreg [dreg:$0x1a];
	[sflag:s5] =	ssyncadd.s32 $0xFFFFF000  }
0x143: {  	[tilespmem:s14], [sflag:$0x4] =	stream.indirect.gather [spmem:s2], $0x8, s19, s10, $0xb8;
	[tilespmem:$0xCB40] =	vst v63  }
0x144: {  	_ =	swait.ge [sflag:s15], $0x1000  }
0x145: {  	[sflag:s15] =	ssyncset.done $0x0  }
0x146: {  	s19 =	rddreg [dreg:$0x1b];
	[sflag:s15] =	ssyncadd.s32 $0xFFFFF000  }
0x147: {  	[spmem:s3] =	stream.indirect.scatter.add.f32 [tilespmem:s11], [sflag:$0x5], $0x8, s19, s10, $0xb8;
	[tilespmem:$0xCB40] =	vst v63  }
0x148: {  	_ =	swait.ge [sflag:s5], $0x1000  }
0x149: {  	[sflag:s5] =	ssyncset.done $0x0  }
0x14a: {  	s19 =	rddreg [dreg:$0x1c];
	[sflag:s5] =	ssyncadd.s32 $0xFFFFF000  }
0x14b: {  	[tilespmem:s11], [sflag:$0x1] =	stream.indirect.gather [spmem:s2], $0x8, s19, s10, $0xb8;
	[tilespmem:$0xCB40] =	vst v63  }
0x14c: {  	_ =	swait.ge [sflag:s16], $0x1000  }
0x14d: {  	[sflag:s16] =	ssyncset.done $0x0  }
0x14e: {  	s19 =	rddreg [dreg:$0x1d];
	[sflag:s16] =	ssyncadd.s32 $0xFFFFF000  }
0x14f: {  	[spmem:s3] =	stream.indirect.scatter.add.f32 [tilespmem:s12], [sflag:$0x5], $0x8, s19, s10, $0xb8;
	[tilespmem:$0xCB40] =	vst v63  }
0x150: {  	_ =	swait.ge [sflag:s5], $0x1000  }
0x151: {  	[sflag:s5] =	ssyncset.done $0x0  }
0x152: {  	s19 =	rddreg [dreg:$0x1e];
	[sflag:s5] =	ssyncadd.s32 $0xFFFFF000  }
0x153: {  	[tilespmem:s12], [sflag:$0x2] =	stream.indirect.gather [spmem:s2], $0x8, s19, s10, $0xb8;
	[tilespmem:$0xCB40] =	vst v63  }
0x154: {  	_ =	swait.ge [sflag:s17], $0x1000  }
0x155: {  	[sflag:s17] =	ssyncset.done $0x0  }
0x156: {  	s19 =	rddreg [dreg:$0x1f];
	[sflag:s17] =	ssyncadd.s32 $0xFFFFF000  }
0x157: {  	[spmem:s3] =	stream.indirect.scatter.add.f32 [tilespmem:s13], [sflag:$0x5], $0x8, s19, s10, $0xb8;
	[tilespmem:$0xCB40] =	vst v63  }
0x158: {  	_ =	swait.ge [sflag:s5], $0x1000  }
0x159: {  	s19 =	sld [smem:$0x7FA]  }
0x15a: {  	[sflag:s5] =	ssyncset.done $0x0  }
0x15b: {  	[sflag:s5] =	ssyncadd.s32 $0xFFFFF000  }
0x15c: {  	[tilespmem:s13], [sflag:$0x3] =	stream.indirect.gather [spmem:s2], $0x8, s19, s10, $0xb8;
	[tilespmem:$0xCB40] =	vst v63  }
0x15d: {  	_ =	swait.ge [sflag:s18], $0x1000  }
0x15e: {  	s19 =	sld [smem:$0x7FB]  }
0x15f: {  	[sflag:s18] =	ssyncset.done $0x0  }
0x160: {  	[sflag:s18] =	ssyncadd.s32 $0xFFFFF000  }
0x161: {  	[spmem:s3] =	stream.indirect.scatter.add.f32 [tilespmem:s14], [sflag:$0x5], $0x8, s19, s10, $0xb8;
	[tilespmem:$0xCB40] =	vst v63  }
0x162: {  	_ =	swait.ge [sflag:s5], $0x1000  }
0x163: {  	s19 =	sld [smem:$0x7FC]  }
0x164: {  	[sflag:s5] =	ssyncset.done $0x0  }
0x165: {  	[sflag:s5] =	ssyncadd.s32 $0xFFFFF000  }
0x166: {  	[tilespmem:s14], [sflag:$0x4] =	stream.indirect.gather [spmem:s2], $0x8, s19, s10, $0xb8;
	[tilespmem:$0xCB40] =	vst v63  }
0x167: {  	_ =	swait.ge [sflag:s15], $0x1000  }
0x168: {  	s19 =	sld [smem:$0x7FD]  }
0x169: {  	[sflag:s15] =	ssyncset.done $0x0  }
0x16a: {  	[sflag:s15] =	ssyncadd.s32 $0xFFFFF000  }
0x16b: {  	[spmem:s3] =	stream.indirect.scatter.add.f32 [tilespmem:s11], [sflag:$0x5], $0x8, s19, s10, $0xb8;
	[tilespmem:$0xCB40] =	vst v63  }
0x16c: {  	_ =	swait.ge [sflag:s5], $0x1000  }
0x16d: {  	[sflag:s5] =	ssyncset.done $0x0  }
0x16e: {  	s19 =	simm.s32 $0x2000;
	[sflag:s5] =	ssyncadd.s32 $0xFFFFF000  }
0x16f: {  	[tilespmem:s11], [sflag:$0x1] =	stream.indirect.gather [spmem:s2], $0x8, s19, s10, $0xb8;
	[tilespmem:$0xCB40] =	vst v63  }
0x170: {  	_ =	swait.ge [sflag:s16], $0x1000  }
0x171: {  	[sflag:s16] =	ssyncset.done $0x0  }
0x172: {  	[sflag:s16] =	ssyncadd.s32 $0xFFFFF000  }
0x173: {  	[spmem:s3] =	stream.indirect.scatter.add.f32 [tilespmem:s12], [sflag:$0x5], $0x8, s20, s10, $0xb8;
	[tilespmem:$0xCB40] =	vst v63  }
0x174: {  	_ =	swait.ge [sflag:s5], $0x1000  }
0x175: {  	[sflag:s5] =	ssyncset.done $0x0  }
0x176: {  	[sflag:s5] =	ssyncadd.s32 $0xFFFFF000  }
0x177: {  	[tilespmem:s12], [sflag:$0x2] =	stream.indirect.gather [spmem:s2], $0x8, s21, s10, $0xb8;
	[tilespmem:$0xCB40] =	vst v63  }
0x178: {  	_ =	swait.ge [sflag:s17], $0x1000  }
0x179: {  	[sflag:s17] =	ssyncset.done $0x0  }
0x17a: {  	[sflag:s17] =	ssyncadd.s32 $0xFFFFF000  }
0x17b: {  	[spmem:s3] =	stream.indirect.scatter.add.f32 [tilespmem:s13], [sflag:$0x5], $0x8, s22, s10, $0xb8;
	[tilespmem:$0xCB40] =	vst v63  }
0x17c: {  	_ =	swait.ge [sflag:s5], $0x1000  }
0x17d: {  	[sflag:s5] =	ssyncset.done $0x0  }
0x17e: {  	[sflag:s5] =	ssyncadd.s32 $0xFFFFF000  }
0x17f: {  	[tilespmem:s13], [sflag:$0x3] =	stream.indirect.gather [spmem:s2], $0x8, s23, s10, $0xb8;
	[tilespmem:$0xCB40] =	vst v63  }
0x180: {  	_ =	swait.ge [sflag:s18], $0x1000  }
0x181: {  	[sflag:s18] =	ssyncset.done $0x0  }
0x182: {  	[sflag:s18] =	ssyncadd.s32 $0xFFFFF000  }
0x183: {  	[spmem:s3] =	stream.indirect.scatter.add.f32 [tilespmem:s14], [sflag:$0x5], $0x8, s24, s10, $0xb8;
	[tilespmem:$0xCB40] =	vst v63  }
0x184: {  	_ =	swait.ge [sflag:s5], $0x1000  }
0x185: {  	[sflag:s5] =	ssyncset.done $0x0  }
0x186: {  	[sflag:s5] =	ssyncadd.s32 $0xFFFFF000  }
0x187: {  	[tilespmem:s14], [sflag:$0x4] =	stream.indirect.gather [spmem:s2], $0x8, s25, s10, $0xb8;
	[tilespmem:$0xCB40] =	vst v63  }
0x188: {  	_ =	swait.ge [sflag:s15], $0x1000  }
0x189: {  	[sflag:s15] =	ssyncset.done $0x0  }
0x18a: {  	[sflag:s15] =	ssyncadd.s32 $0xFFFFF000  }
0x18b: {  	[spmem:s3] =	stream.indirect.scatter.add.f32 [tilespmem:s11], [sflag:$0x5], $0x8, s26, s10, $0xb8;
	[tilespmem:$0xCB40] =	vst v63  }
0x18c: {  	_ =	swait.ge [sflag:s5], $0x1000  }
0x18d: {  	[sflag:s5] =	ssyncset.done $0x0  }
0x18e: {  	[sflag:s5] =	ssyncadd.s32 $0xFFFFF000  }
0x18f: {  	_ =	swait.ge [sflag:s16], $0x1000  }
0x190: {  	[sflag:s16] =	ssyncset.done $0x0  }
0x191: {  	[sflag:s16] =	ssyncadd.s32 $0xFFFFF000  }
0x192: {  	[spmem:s3] =	stream.indirect.scatter.add.f32 [tilespmem:s12], [sflag:$0x5], $0x8, s28, s10, $0xb8;
	[tilespmem:$0xCB40] =	vst v63  }
0x193: {  	_ =	swait.ge [sflag:s5], $0x1000  }
0x194: {  	[sflag:s5] =	ssyncset.done $0x0  }
0x195: {  	[sflag:s5] =	ssyncadd.s32 $0xFFFFF000  }
0x196: {  	_ =	swait.ge [sflag:s17], $0x1000  }
0x197: {  	[sflag:s17] =	ssyncset.done $0x0  }
0x198: {  	[sflag:s17] =	ssyncadd.s32 $0xFFFFF000  }
0x199: {  	[spmem:s3] =	stream.indirect.scatter.add.f32 [tilespmem:s13], [sflag:$0x5], $0x8, s29, s10, $0xb8;
	[tilespmem:$0xCB40] =	vst v63  }
0x19a: {  	_ =	swait.ge [sflag:s5], $0x1000  }
0x19b: {  	[sflag:s5] =	ssyncset.done $0x0  }
0x19c: {  	[sflag:s5] =	ssyncadd.s32 $0xFFFFF000  }
0x19d: {  	_ =	swait.ge [sflag:s18], $0x1000  }
0x19e: {  	[sflag:s18] =	ssyncset.done $0x0  }
0x19f: {  	[sflag:s18] =	ssyncadd.s32 $0xFFFFF000  }
0x1a0: {  	[spmem:s3] =	stream.indirect.scatter.add.f32 [tilespmem:s14], [sflag:$0x5], $0x8, s30, s10, $0xb8;
	[tilespmem:$0xCB40] =	vst v63  }
0x1a1: {  	p0 =	sne.s32 s0, $0x1;
	_ =	swait.ge [sflag:s5], $0x1000  }
.Ltmp1:
0x1a2: {  	[sflag:s5] =	ssyncset.done $0x0;
	(pc) =	sbr.rel @p0 .LBB2_1-.Ltmp1, $4  }
0x1a3: {  	[sflag:s5] =	ssyncadd.s32 $0xFFFFF000  }
0x1a4: {  	[bflag:$0x0] =	sbarrier.arrive $0xFFFF  }
0x1a5: {  	s0 =	sadd.s32 $0xFFFFFFFF, s0;
	s19 =	rddreg [dreg:$0x8]  }
0x1a6: {  	[hbm:s19], [sflag:s7] =	dma.local [spmem:s31], $0x278  }
.LBB2_2:
0x1a7: {  	_ =	swait.ge [sflag:s5], $0x278  }
0x1a8: {  	[sflag:s5] =	ssyncset.done $0x0  }
0x1a9: {  	[sflag:s5] =	ssyncadd.s32 $0xFFFFFD88  }
0x1aa: {  	_ =	sfence.sel $0x180000  }
0x1ab: {  	[bflag:$0x0] =	sbarrier.arrive $0xFFFF  }
0x1ac: {  	_ =	strace $0x9000004D  }
0x1ad: {  	s0 =	stileid.u32;
	[bflag:$0x2] =	sbarrier.arrive $0xFFFF  }
0x1ae: {  	p0 =	sne.s32 s0, $0x0;
	s0 =	rddreg [dreg:$0x3]  }
0x1af: {  	s0 =	sadd.s32 @!p0 $0x100000, s0  }
0x1b0: {  	[sflag:s0] =	ssyncadd.tile.s32 @!p0 $0x1;
	_ =	shalt  }
.Lfunc_end2:
_tile_overlayer_lowered:
.L_overlay_start_2:
0x1b1: {  	(tag) =	ssettag $0x2  }
0x1b2: {  	s0 =	rddreg [dreg:$0x0];
	s2 =	stileid.u32  }
0x1b3: {  	s1 =	rddreg [dreg:$0x1];
	p0 =	sne.s32 s2, $0x0  }
0x1b4: {  	s3 =	rddreg [dreg:$0x2];
	[bflag:$0x3] =	sbarrier.arrive $0xFFFF;
	s2 =	simm.s32 @!p0 $0x1C05  }
0x1b5: {  	[timem:s3], [sflag:s2] =	dma.local @!p0 [hbm:s0], s1  }
0x1b6: {  	s0 =	simm.s32 @!p0 $0x5  }
0x1b7: {  	_ =	swait.ge @!p0 [sflag:s0], s1  }
0x1b8: {  	s1 =	ssub.s32 @!p0 $0x0, s1;
	[sflag:s0] =	ssyncset.done @!p0 $0x0  }
0x1b9: {  	[sflag:s0] =	ssyncadd.s32 @!p0 s1  }
0x1ba: {  	[bflag:$0x3] =	sbarrier.arrive $0xFFFF  }
0x1bb: {  	_ =	shalt  }

// kernel: kernel.9.cloned.1.call-start
scs
__scs_entry_jumppad:
0x0: {  	(pc) =	sbr.rel $0x88, $3  }
0x1: {  	(tag) =	ssettag $0x0;
	lr =	simm.s32 $0x1  }
0x2: {  	[smem:$0x3F91] =	sst lr;
	_ =	strace $0xD0000000  }
0x3: {  	_ = 	snop  }
0x4: {  	_ = 	snop  }
0x5: {  	_ = 	snop  }
0x6: {  	_ = 	snop  }
0x7: {  	_ = 	snop  }
__scs_overlays_trampoline_lowered:
0x8: {  	[smem:$0x3FA0] =	sst s0  }
0x9: {  	[smem:$0x3FA1] =	sst s1  }
0xa: {  	[smem:$0x3FA2] =	sst s2  }
0xb: {  	[smem:$0x3FA3] =	sst s3  }
0xc: {  	[smem:$0x3FA4] =	sst s4  }
0xd: {  	[smem:$0x3FA5] =	sst s5  }
0xe: {  	[smem:$0x3FA6] =	sst s6  }
0xf: {  	[smem:$0x3FA7] =	sst s7  }
0x10: {  	[smem:$0x3FA8] =	sst s8  }
0x11: {  	[smem:$0x3FA9] =	sst s9;
	s0 =	simm.s32 @!p0 $0x0  }
0x12: {  	s1 =	sld [smem:$0x3F8F];
	s0 =	simm.s32 @p0 $0x1  }
0x13: {  	[smem:$0x3FAA] =	sst s0;
	s0 =	simm.s32 @!p1 $0x0  }
0x14: {  	s2 =	sld [smem:$0x3F8E];
	s0 =	simm.s32 @p1 $0x1  }
0x15: {  	[smem:$0x3FAB] =	sst s0;
	s0 =	simm.s32 @!p2 $0x0  }
0x16: {  	s3 =	sld [smem:$0x3FDB];
	s0 =	simm.s32 @p2 $0x1  }
0x17: {  	s4 =	simm.s32 $0x1BF5;
	[smem:$0x3FAD] =	sst s0  }
0x18: {  	s0 =	sld [smem:$0x3F90];
	_ =	swait.ge [sflag:s4], $0x0  }
0x19: {  	s7 =	sld [smem:$0x3F91]  }
0x1a: {  	s8 =	sadd.s32 $0xFFFFE003, lr  }
0x1b: {  	s9 =	sadd.s32 $0xFFFFFEF7, lr;
	s5 =	simm.s32 $0xFFFFFFFF;
	p2 =	slt.u32 s8, $0xFFFFF086  }
0x1c: {  	p1 =	slt.u32 s9, $0xF7A;
	s5 =	simm.s32 @!p2 $0x0  }
0x1d: {  	s5 =	simm.s32 @p1 $0x1;
	p0 =	seq.s32 s7, s2  }
0x1e: {  	s7 =	smul.u32 @!p0 $0xF7A, s2;
	p2 =	seq.s32 @!p0 s5, $0x0  }
0x1f: {  	s9 =	smul.u32 $0xF7A, s1;
	s8 =	simm.s32 @!p0 $0x1BF5;
	p2 =	por !p2, p0  }
0x20: {  	[sflag:s8] =	ssyncset.s32 @!p0 $0xFFFFF086;
	s6 =	sadd.s32 @!p0 s3, s7;
	s7 =	simm.s32 @!p0 $0x108  }
0x21: {  	s3 =	sadd.s32 s3, s9;
	s6 =	sadd.s32 @!p0 $0x88, s6;
	s7 =	simm.s32 @p2 $0x1082  }
0x22: {  	[simem:s7], [sflag:s8] =	dma.local @!p0 [hbm:s6], $0xF7A  }
0x23: {  	s9 =	sor.u32 $0xD0000000, s2;
	s6 =	simm.s32 $0x108;
	_ =	swait.ge @!p0 [sflag:s8], $0x0  }
0x24: {  	s3 =	sadd.s32 $0x88, s3;
	s6 =	simm.s32 @!p1 $0x1082;
	[sflag:s4] =	ssyncset.s32 $0xFFFFF086  }
0x25: {  	[simem:s6], [sflag:s4] =	dma.local [hbm:s3], $0xF7A  }
0x26: {  	[smem:$0x3F91] =	sst s1;
	(tag) =	ssettag s2;
	_ =	strace s9  }
0x27: {  	s1 =	sld [smem:$0x3FA1]  }
0x28: {  	s2 =	sld [smem:$0x3FA2]  }
0x29: {  	s4 =	sld [smem:$0x3FA4]  }
0x2a: {  	p0 =	seq.s32 s5, $0x0;
	s5 =	sld [smem:$0x3FA5]  }
0x2b: {  	s6 =	sld [smem:$0x3FA6]  }
0x2c: {  	s7 =	sld [smem:$0x3FA7]  }
0x2d: {  	s3 =	simm.s32 $0x108;
	s8 =	sld [smem:$0x3FA8]  }
0x2e: {  	s3 =	simm.s32 @!p0 $0x1082;
	s9 =	sld [smem:$0x3FA9]  }
0x2f: {  	lr =	sadd.s32 s0, s3;
	s0 =	sld [smem:$0x3FA0]  }
0x30: {  	s3 =	sld [smem:$0x3FA3]  }
0x31: {  	[smem:$0x3FAC] =	sst s10  }
0x32: {  	s10 =	sld [smem:$0x3FAA];
	_ =	sdelay $0x3  }
0x33: {  	p0 =	seq.s32 s10, $0x1;
	s10 =	sld [smem:$0x3FAC];
	_ =	sdelay $0x3  }
0x34: {  	[smem:$0x3FAC] =	sst s10  }
0x35: {  	s10 =	sld [smem:$0x3FAB];
	_ =	sdelay $0x3  }
0x36: {  	p1 =	seq.s32 s10, $0x1;
	s10 =	sld [smem:$0x3FAC];
	_ =	sdelay $0x3  }
0x37: {  	[smem:$0x3FAC] =	sst s10  }
0x38: {  	s10 =	sld [smem:$0x3FAD]  }
0x39: {  	_ = 	snop;
	(pc) =	sbr.ind lr, $3  }
0x3a: {  	_ = 	snop  }
0x3b: {  	_ = 	snop  }
0x3c: {  	p2 =	seq.s32 s10, $0x1;
	s10 =	sld [smem:$0x3FAC]  }
0x3d: {  	_ =	shalt  }
0x3e: {  	_ =	shalt  }
0x3f: {  	_ =	shalt  }
0x40: {  	_ =	shalt  }
0x41: {  	_ =	shalt  }
0x42: {  	_ =	shalt  }
0x43: {  	_ =	shalt  }
0x44: {  	_ =	shalt  }
0x45: {  	_ =	shalt  }
0x46: {  	_ =	shalt  }
0x47: {  	_ =	shalt  }
0x48: {  	_ =	shalt  }
0x49: {  	_ =	shalt  }
0x4a: {  	_ =	shalt  }
0x4b: {  	_ =	shalt  }
0x4c: {  	_ =	shalt  }
0x4d: {  	_ =	shalt  }
0x4e: {  	_ =	shalt  }
0x4f: {  	_ =	shalt  }
0x50: {  	_ =	shalt  }
0x51: {  	_ =	shalt  }
0x52: {  	_ =	shalt  }
0x53: {  	_ =	shalt  }
0x54: {  	_ =	shalt  }
0x55: {  	_ =	shalt  }
0x56: {  	_ =	shalt  }
0x57: {  	_ =	shalt  }
0x58: {  	_ =	shalt  }
0x59: {  	_ =	shalt  }
0x5a: {  	_ =	shalt  }
0x5b: {  	_ =	shalt  }
0x5c: {  	_ =	shalt  }
0x5d: {  	_ =	shalt  }
0x5e: {  	_ =	shalt  }
0x5f: {  	_ =	shalt  }
0x60: {  	_ =	shalt  }
0x61: {  	_ =	shalt  }
0x62: {  	_ =	shalt  }
0x63: {  	_ =	shalt  }
0x64: {  	_ =	shalt  }
0x65: {  	_ =	shalt  }
0x66: {  	_ =	shalt  }
0x67: {  	_ =	shalt  }
0x68: {  	_ =	shalt  }
0x69: {  	_ =	shalt  }
0x6a: {  	_ =	shalt  }
0x6b: {  	_ =	shalt  }
0x6c: {  	_ =	shalt  }
0x6d: {  	_ =	shalt  }
0x6e: {  	_ =	shalt  }
0x6f: {  	_ =	shalt  }
0x70: {  	_ =	shalt  }
0x71: {  	_ =	shalt  }
0x72: {  	_ =	shalt  }
0x73: {  	_ =	shalt  }
0x74: {  	_ =	shalt  }
0x75: {  	_ =	shalt  }
0x76: {  	_ =	shalt  }
0x77: {  	_ =	shalt  }
0x78: {  	_ =	shalt  }
0x79: {  	_ =	shalt  }
0x7a: {  	_ =	shalt  }
0x7b: {  	_ =	shalt  }
0x7c: {  	_ =	shalt  }
0x7d: {  	_ =	shalt  }
0x7e: {  	_ =	shalt  }
0x7f: {  	_ =	shalt  }
0x80: {  	_ =	shalt  }
0x81: {  	_ =	shalt  }
0x82: {  	_ =	shalt  }
0x83: {  	_ =	shalt  }
0x84: {  	_ =	shalt  }
0x85: {  	_ =	shalt  }
0x86: {  	_ =	shalt  }
0x87: {  	_ =	shalt  }
.Lfunc_end0:
.L_simem_size_0:
called_computation_lowered:
.L_overlay_start_0:
0x88: {  	s2 =	sld [smem:$0x3FD9]  }
0x89: {  	s3 =	sld [smem:$0x3FFE];
	_ =	sdelay $0x1  }
0x8a: {  	s1 =	srdreg.scid  }
0x8b: {  	s0 =	sand.u32 $0x1, s1  }
0x8c: {  	s16 =	sshll.u32 s0, $0xA;
	s2 =	sadd.s32 s3, s2  }
0x8d: {  	s2 =	sadd.s32 s2, s16  }
0x8e: {  	[smem:$0x3FB8] =	sst s2  }
0x8f: {  	_ = 	snop  }
0x90: {  	(tm) =	ssettm $0x1  }
0x91: {  	s17 =	sld [smem:$0x3FFB];
	_ =	sdelay $0x3  }
0x92: {  	_ =	strace s17  }
0x93: {  	s2 =	sld [smem:$0x3FFC];
	_ =	sdelay $0x3  }
0x94: {  	_ =	strace s2  }
0x95: {  	s2 =	sld [smem:$0x3FFD];
	_ =	sdelay $0x3  }
0x96: {  	_ =	strace s2  }
0x97: {  	_ =	strace $0x8FFFFFFF  }
0x98: {  	s18 =	sld [smem:$0x3FDB];
	_ =	sdelay $0x1  }
0x99: {  	s19 =	simm.s32 $_scs_section_size  }
0x9a: {  	s4 =	simm.s32 $_size__tile_overlayer_lowered;
	s5 =	simm.s32 $_tile_overlayer_lowered  }
0x9b: {  	s22 =	simm.s32 $0x1BFF;
	s21 =	sshll.u32 s5, $0x1;
	s2 =	sadd.s32 s19, s18  }
0x9c: {  	s6 =	simm.s32 $0x0;
	s20 =	sshll.u32 s4, $0x1;
	s4 =	sadd.s32 s21, s2  }
0x9d: {  	[timem:s6], [sflag:s22] =	dma.local [hbm:s4], s20  }
0x9e: {  	_ =	swait.ge [sflag:s22], s20  }
0x9f: {  	s3 =	ssub.s32 $0x0, s20;
	[sflag:s22] =	ssyncset.done $0x0  }
0xa0: {  	[sflag:s22] =	ssyncadd.s32 s3;
	_ =	sdelay $0x1  }
0xa1: {  	s23 =	simm.s32 $0x1B8B  }
0xa2: {  	_ =	swait.ge [sflag:s23], $0x1  }
0xa3: {  	[sflag:s23] =	ssyncset.done $0x0  }
0xa4: {  	s25 =	simm.s32 $0x1B8E;
	s24 =	sld [smem:$0x3FFE];
	[sflag:s23] =	ssyncadd.s32 $0xFFFFFFFF  }
0xa5: {  	s26 =	simm.s32 $execute0_lowered;
	[smem:$0x3FD2] =	sst s25  }
0xa6: {  	s4 =	sshll.u32 s26, $0x1;
	_ =	strace $0x80000046;
	[dreg:$0x1] =	wrdreg $0xFFFFFFFF  }
0xa7: {  	s28 =	simm.s32 $_size_execute0_lowered;
	s2 =	sadd.s32 s2, s4;
	[dreg:$0x0] =	wrdreg $0x0  }
0xa8: {  	s4 =	sshll.u32 s28, $0x1;
	[dreg:$0x2] =	wrdreg s2  }
0xa9: {  	[dreg:$0x3] =	wrdreg s4  }
0xaa: {  	[dreg:$0x4] =	wrdreg $0xC0  }
0xab: {  	_ =	task [dreg:s6], $0x5FFFF  }
0xac: {  	[dreg:$0x1] =	wrdreg $0xFFFFFFFF  }
0xad: {  	[dreg:$0x0] =	wrdreg $0x60  }
0xae: {  	[dreg:$0x2] =	wrdreg s24  }
0xaf: {  	[dreg:$0x3] =	wrdreg $0x11F000  }
0xb0: {  	[dreg:$0x4] =	wrdreg $0xF7800  }
0xb1: {  	[dreg:$0x5] =	wrdreg $0x9  }
0xb2: {  	_ =	task.clear_ibuf [dreg:s6], $0x6FFFF;
	_ =	strace $0x90000046  }
0xb3: {  	s29 =	simm.s32 $0x9;
	_ =	strace $0x80000048  }
0xb4: {  	_ =	swait.ge [sflag:s29], $0x1  }
0xb5: {  	[sflag:s29] =	ssyncadd.s32 $0xFFFFFFFF  }
0xb6: {  	_ =	strace $0x90000048  }
0xb7: {  	_ =	sfence  }
0xb8: {  	s30 =	sld [smem:$0x0];
	_ =	sdelay $0x2  }
0xb9: {  	s31 =	sshll.u32 s1, $0xD;
	s1 =	sshrl.u32 s1, $0x2  }
0xba: {  	s3 =	sand.u32 $0x4000, s31;
	s1 =	sadd.s32 s1, s30  }
0xbb: {  	s0 =	sor.u32 s3, s0;
	s1 =	sshll.u32 s1, $0x11  }
0xbc: {  	s0 =	sor.u32 s1, s0  }
0xbd: {  	s0 =	sadd.s32 $0x8F2B, s0  }
0xbe: {  	[sflag:s0] =	ssyncadd.remote.s32 $0x1  }
0xbf: {  	_ =	sfence.sel $0xFFFF  }
0xc0: {  	[dreg:$0x0] =	wrdreg $0xFFFFFFFF;
	(pc) =	sbr.abs _section_cstart, $3  }
0xc1: {  	[dreg:$0x1] =	wrdreg $0xFFFFFFFF  }
0xc2: {  	_ =	task.clear_ibuf [dreg:s6], $0x2FFFF;
	_ =	strace $0x9FFFFFFF  }
0xc3: {  	(tm) =	ssettm $0x7FFFFFFF  }
tec
execute0_lowered:
.L_overlay_start_1:
0x0: {  	(tag) =	ssettag $0x1  }
0x1: {  	s5 =	rddreg [dreg:$0x0]  }
0x2: {  	s2 =	rddreg [dreg:$0x1]  }
0x3: {  	s3 =	rddreg [dreg:$0x2];
	s4 =	simm.s32 $0x0  }
0x4: {  	[smem:$0x7FF] =	sst s4;
	s10 =	sadd.s32 $0x1B600, s5  }
0x5: {  	s11 =	simm.s32 $0x800;
	_ =	strace $0x80000047;
	[dreg:$0x4] =	wrdreg s10  }
0x6: {  	s12 =	simm.s32 $0x2A00;
	[dreg:$0xc] =	wrdreg s11  }
0x7: {  	s13 =	simm.s32 $0xA00;
	[dreg:$0xd] =	wrdreg s12  }
0x8: {  	s14 =	simm.s32 $0x2C00;
	[dreg:$0xe] =	wrdreg s13  }
0x9: {  	s15 =	simm.s32 $0xC00;
	[dreg:$0xf] =	wrdreg s14  }
0xa: {  	s16 =	simm.s32 $0x2E00;
	[dreg:$0x10] =	wrdreg s15  }
0xb: {  	s17 =	simm.s32 $0xE00;
	[dreg:$0x11] =	wrdreg s16  }
0xc: {  	s18 =	simm.s32 $0x3000;
	[dreg:$0x12] =	wrdreg s17  }
0xd: {  	s0 =	srdreg.scid;
	s19 =	simm.s32 $0x1000;
	[dreg:$0x13] =	wrdreg s18  }
0xe: {  	s1 =	stileid.u32;
	s20 =	simm.s32 $0x3200;
	[dreg:$0x14] =	wrdreg s19  }
0xf: {  	s21 =	simm.s32 $0x1200;
	s22 =	simm.s32 $0x3400;
	[dreg:$0x15] =	wrdreg s20  }
0x10: {  	s23 =	simm.s32 $0x1400;
	s0 =	sand.u32 $0x1, s0;
	[dreg:$0x16] =	wrdreg s21  }
0x11: {  	s9 =	smul.u32 $0x2780, s1;
	s6 =	sshll.u32 s0, $0x4;
	[dreg:$0x17] =	wrdreg s22  }
0x12: {  	s8 =	smul.u32 $0x27800, s0;
	s10 =	simm.s32 $0x600;
	[dreg:$0x18] =	wrdreg s23  }
0x13: {  	s11 =	simm.s32 $0x1C00;
	s12 =	simm.s32 $0x3E00;
	[dreg:$0xb] =	wrdreg s10  }
0x14: {  	s13 =	simm.s32 $0x1E00;
	s15 =	simm.s32 $0x4000;
	[smem:$0x7FA] =	sst s11  }
0x15: {  	s6 =	sor.u32 s1, s6;
	s7 =	sshrl.u32 s9, $0x3;
	[smem:$0x7FB] =	sst s12  }
0x16: {  	s26 =	sadd.s32 s9, s2;
	s10 =	simm.s32 $0x3C00;
	[smem:$0x7FC] =	sst s13  }
0x17: {  	[smem:$0x7FD] =	sst s15;
	s6 =	smul.u32 $0x500, s6;
	s7 =	sadd.s32 s7, s5  }
0x18: {  	s8 =	sadd.s32 s9, s8;
	[dreg:$0x1f] =	wrdreg s10;
	s25 =	sadd.s32 $0x2600, s7  }
0x19: {  	s8 =	sshrl.u32 s8, $0x3;
	s7 =	sshrl.u32 s26, $0x3;
	[dreg:$0x7] =	wrdreg s25  }
0x1a: {  	s26 =	simm.s32 $0x3800;
	s6 =	sadd.s32 s6, s5;
	[dreg:$0x9] =	wrdreg s7  }
0x1b: {  	s5 =	sadd.s32 s8, s5;
	s8 =	simm.s32 $0x400;
	[dreg:$0x1b] =	wrdreg s26  }
0x1c: {  	s25 =	simm.s32 $0x1600;
	[dreg:$0xa] =	wrdreg s8  }
0x1d: {  	s7 =	simm.s32 $0x3A00;
	[dreg:$0x1a] =	wrdreg s25  }
0x1e: {  	s24 =	sadd.s32 $0x11600, s6;
	[dreg:$0x1d] =	wrdreg s7  }
0x1f: {  	s6 =	sadd.s32 $0x7600, s6;
	[dreg:$0x5] =	wrdreg s24  }
0x20: {  	s5 =	sadd.s32 $0x1BC00, s5;
	[dreg:$0x6] =	wrdreg s6  }
0x21: {  	s8 =	simm.s32 $0x1A00;
	[dreg:$0x8] =	wrdreg s5  }
0x22: {  	s24 =	simm.s32 $0x3600;
	[dreg:$0x1e] =	wrdreg s8  }
0x23: {  	s6 =	simm.s32 $0x1800;
	[dreg:$0x19] =	wrdreg s24  }
0x24: {  	[dreg:$0x1c] =	wrdreg s6  }
0x25: {  	s5 =	simm.s32 $0x5;
	s14 =	rddreg [dreg:$0x5]  }
0x26: {  	[tilespmem:s4], [sflag:$0x5] =	stream.linear.gather [hbm4b:s14+s4], $0x2800, $0x38;
	[tilespmem:$0x14680] =	vst v63  }
0x27: {  	_ =	swait.ge [sflag:s5], $0x2800  }
0x28: {  	[sflag:s5] =	ssyncset.done $0x0  }
0x29: {  	s6 =	simm.s32 $0x2800;
	s16 =	rddreg [dreg:$0x6];
	[sflag:s5] =	ssyncadd.s32 $0xFFFFD800  }
0x2a: {  	[tilespmem:s6], [sflag:$0x5] =	stream.linear.gather [hbm4b:s16+s4], $0x2800, $0x38;
	[tilespmem:$0x14680] =	vst v63  }
0x2b: {  	_ =	swait.ge [sflag:s5], $0x2800  }
0x2c: {  	s19 =	sshll.u32 s1, $0x6;
	s17 =	rddreg [dreg:$0x7];
	[sflag:s5] =	ssyncset.done $0x0  }
0x2d: {  	s7 =	sor.u32 $0x1C05, s19;
	s18 =	rddreg [dreg:$0x9];
	[sflag:s5] =	ssyncadd.s32 $0xFFFFD800  }
0x2e: {  	[spmem:s18], [sflag:s7] =	dma.local [hbm:s17], $0x4F0  }
0x2f: {  	_ =	swait.ge [sflag:s5], $0x4F0  }
0x30: {  	[sflag:s5] =	ssyncset.done $0x0  }
0x31: {  	s8 =	simm.s32 $0xD000;
	s20 =	rddreg [dreg:$0x4];
	[sflag:s5] =	ssyncadd.s32 $0xFFFFFB10  }
0x32: {  	[tilespmem:s8], [sflag:$0x5] =	stream.linear.gather [hbm4b:s20+s4], $0x2780, $0x38;
	[tilespmem:$0x14680] =	vst v63  }
0x33: {  	_ =	swait.ge [sflag:s5], $0x2780  }
0x34: {  	[sflag:s5] =	ssyncset.done $0x0  }
0x35: {  	s9 =	sadd.s32 s9, s3;
	[sflag:s5] =	ssyncadd.s32 $0xFFFFD880  }
0x36: {  	[spmem:s9] =	stream.linear.scatter [tilespmem:s8], [sflag:$0x5], $0x2780, $0x38;
	[tilespmem:$0x14680] =	vst v63  }
0x37: {  	_ =	swait.ge [sflag:s5], $0x2780  }
0x38: {  	[sflag:s5] =	ssyncset.done $0x0  }
0x39: {  	[sflag:s5] =	ssyncadd.s32 $0xFFFFD880  }
0x3a: {  	s11 =	simm.s32 $0x5000;
	s10 =	simm.s32 $0x200;
	[bflag:$0x0] =	sbarrier.arrive $0xFFFF  }
0x3b: {  	[tilespmem:s11], [sflag:$0x1] =	stream.indirect.gather [spmem:s2], $0x10, s4, s10, $0xb8;
	[tilespmem:$0x14680] =	vst v63  }
0x3c: {  	s12 =	simm.s32 $0x7000  }
0x3d: {  	[tilespmem:s12], [sflag:$0x2] =	stream.indirect.gather [spmem:s2], $0x10, s10, s10, $0xb8;
	[tilespmem:$0x14680] =	vst v63  }
0x3e: {  	s13 =	simm.s32 $0x9000;
	s14 =	rddreg [dreg:$0xa]  }
0x3f: {  	[tilespmem:s13], [sflag:$0x3] =	stream.indirect.gather [spmem:s2], $0x10, s14, s10, $0xb8;
	[tilespmem:$0x14680] =	vst v63  }
0x40: {  	s15 =	simm.s32 $0x1;
	s16 =	rddreg [dreg:$0xb];
	s14 =	simm.s32 $0xB000  }
0x41: {  	[tilespmem:s14], [sflag:$0x4] =	stream.indirect.gather [spmem:s2], $0x10, s16, s10, $0xb8;
	[tilespmem:$0x14680] =	vst v63  }
0x42: {  	_ =	swait.ge [sflag:s15], $0x2000  }
0x43: {  	[sflag:s15] =	ssyncset.done $0x0  }
0x44: {  	[sflag:s15] =	ssyncadd.s32 $0xFFFFE000  }
0x45: {  	[spmem:s3] =	stream.indirect.scatter.add.f32 [tilespmem:s11], [sflag:$0x5], $0x10, s6, s10, $0xb8;
	[tilespmem:$0x14680] =	vst v63  }
0x46: {  	_ =	swait.ge [sflag:s5], $0x2000  }
0x47: {  	[sflag:s5] =	ssyncset.done $0x0  }
0x48: {  	s16 =	simm.s32 $0x2;
	s17 =	rddreg [dreg:$0xc];
	[sflag:s5] =	ssyncadd.s32 $0xFFFFE000  }
0x49: {  	[tilespmem:s11], [sflag:$0x1] =	stream.indirect.gather [spmem:s2], $0x10, s17, s10, $0xb8;
	[tilespmem:$0x14680] =	vst v63  }
0x4a: {  	_ =	swait.ge [sflag:s16], $0x2000  }
0x4b: {  	[sflag:s16] =	ssyncset.done $0x0  }
0x4c: {  	s21 =	rddreg [dreg:$0xd];
	[sflag:s16] =	ssyncadd.s32 $0xFFFFE000  }
0x4d: {  	[spmem:s3] =	stream.indirect.scatter.add.f32 [tilespmem:s12], [sflag:$0x5], $0x10, s21, s10, $0xb8;
	[tilespmem:$0x14680] =	vst v63  }
0x4e: {  	_ =	swait.ge [sflag:s5], $0x2000  }
0x4f: {  	[sflag:s5] =	ssyncset.done $0x0  }
0x50: {  	s17 =	simm.s32 $0x3;
	s18 =	rddreg [dreg:$0xe];
	[sflag:s5] =	ssyncadd.s32 $0xFFFFE000  }
0x51: {  	[tilespmem:s12], [sflag:$0x2] =	stream.indirect.gather [spmem:s2], $0x10, s18, s10, $0xb8;
	[tilespmem:$0x14680] =	vst v63  }
0x52: {  	_ =	swait.ge [sflag:s17], $0x2000  }
0x53: {  	[sflag:s17] =	ssyncset.done $0x0  }
0x54: {  	s22 =	rddreg [dreg:$0xf];
	[sflag:s17] =	ssyncadd.s32 $0xFFFFE000  }
0x55: {  	[spmem:s3] =	stream.indirect.scatter.add.f32 [tilespmem:s13], [sflag:$0x5], $0x10, s22, s10, $0xb8;
	[tilespmem:$0x14680] =	vst v63  }
0x56: {  	_ =	swait.ge [sflag:s5], $0x2000  }
0x57: {  	[sflag:s5] =	ssyncset.done $0x0  }
0x58: {  	s18 =	simm.s32 $0x4;
	s19 =	rddreg [dreg:$0x10];
	[sflag:s5] =	ssyncadd.s32 $0xFFFFE000  }
0x59: {  	[tilespmem:s13], [sflag:$0x3] =	stream.indirect.gather [spmem:s2], $0x10, s19, s10, $0xb8;
	[tilespmem:$0x14680] =	vst v63  }
0x5a: {  	_ =	swait.ge [sflag:s18], $0x2000  }
0x5b: {  	[sflag:s18] =	ssyncset.done $0x0  }
0x5c: {  	s23 =	rddreg [dreg:$0x11];
	[sflag:s18] =	ssyncadd.s32 $0xFFFFE000  }
0x5d: {  	[spmem:s3] =	stream.indirect.scatter.add.f32 [tilespmem:s14], [sflag:$0x5], $0x10, s23, s10, $0xb8;
	[tilespmem:$0x14680] =	vst v63  }
0x5e: {  	_ =	swait.ge [sflag:s5], $0x2000  }
0x5f: {  	[sflag:s5] =	ssyncset.done $0x0  }
0x60: {  	s24 =	rddreg [dreg:$0x12];
	[sflag:s5] =	ssyncadd.s32 $0xFFFFE000  }
0x61: {  	[tilespmem:s14], [sflag:$0x4] =	stream.indirect.gather [spmem:s2], $0x10, s24, s10, $0xb8;
	[tilespmem:$0x14680] =	vst v63  }
0x62: {  	_ =	swait.ge [sflag:s15], $0x2000  }
0x63: {  	[sflag:s15] =	ssyncset.done $0x0  }
0x64: {  	s25 =	rddreg [dreg:$0x13];
	[sflag:s15] =	ssyncadd.s32 $0xFFFFE000  }
0x65: {  	[spmem:s3] =	stream.indirect.scatter.add.f32 [tilespmem:s11], [sflag:$0x5], $0x10, s25, s10, $0xb8;
	[tilespmem:$0x14680] =	vst v63  }
0x66: {  	_ =	swait.ge [sflag:s5], $0x2000  }
0x67: {  	[sflag:s5] =	ssyncset.done $0x0  }
0x68: {  	s26 =	rddreg [dreg:$0x14];
	[sflag:s5] =	ssyncadd.s32 $0xFFFFE000  }
0x69: {  	[tilespmem:s11], [sflag:$0x1] =	stream.indirect.gather [spmem:s2], $0x10, s26, s10, $0xb8;
	[tilespmem:$0x14680] =	vst v63  }
0x6a: {  	_ =	swait.ge [sflag:s16], $0x2000  }
0x6b: {  	[sflag:s16] =	ssyncset.done $0x0  }
0x6c: {  	s1 =	rddreg [dreg:$0x15];
	[sflag:s16] =	ssyncadd.s32 $0xFFFFE000  }
0x6d: {  	[spmem:s3] =	stream.indirect.scatter.add.f32 [tilespmem:s12], [sflag:$0x5], $0x10, s1, s10, $0xb8;
	[tilespmem:$0x14680] =	vst v63  }
0x6e: {  	_ =	swait.ge [sflag:s5], $0x2000  }
0x6f: {  	[sflag:s5] =	ssyncset.done $0x0  }
0x70: {  	s20 =	rddreg [dreg:$0x16];
	[sflag:s5] =	ssyncadd.s32 $0xFFFFE000  }
0x71: {  	[tilespmem:s12], [sflag:$0x2] =	stream.indirect.gather [spmem:s2], $0x10, s20, s10, $0xb8;
	[tilespmem:$0x14680] =	vst v63  }
0x72: {  	_ =	swait.ge [sflag:s17], $0x2000  }
0x73: {  	[sflag:s17] =	ssyncset.done $0x0  }
0x74: {  	s21 =	rddreg [dreg:$0x17];
	[sflag:s17] =	ssyncadd.s32 $0xFFFFE000  }
0x75: {  	[spmem:s3] =	stream.indirect.scatter.add.f32 [tilespmem:s13], [sflag:$0x5], $0x10, s21, s10, $0xb8;
	[tilespmem:$0x14680] =	vst v63  }
0x76: {  	_ =	swait.ge [sflag:s5], $0x2000  }
0x77: {  	[sflag:s5] =	ssyncset.done $0x0  }
0x78: {  	s22 =	rddreg [dreg:$0x18];
	[sflag:s5] =	ssyncadd.s32 $0xFFFFE000  }
0x79: {  	[tilespmem:s13], [sflag:$0x3] =	stream.indirect.gather [spmem:s2], $0x10, s22, s10, $0xb8;
	[tilespmem:$0x14680] =	vst v63  }
0x7a: {  	_ =	swait.ge [sflag:s18], $0x2000  }
0x7b: {  	[sflag:s18] =	ssyncset.done $0x0  }
0x7c: {  	s23 =	rddreg [dreg:$0x19];
	[sflag:s18] =	ssyncadd.s32 $0xFFFFE000  }
0x7d: {  	[spmem:s3] =	stream.indirect.scatter.add.f32 [tilespmem:s14], [sflag:$0x5], $0x10, s23, s10, $0xb8;
	[tilespmem:$0x14680] =	vst v63  }
0x7e: {  	_ =	swait.ge [sflag:s5], $0x2000  }
0x7f: {  	[sflag:s5] =	ssyncset.done $0x0  }
0x80: {  	s24 =	rddreg [dreg:$0x1a];
	[sflag:s5] =	ssyncadd.s32 $0xFFFFE000  }
0x81: {  	[tilespmem:s14], [sflag:$0x4] =	stream.indirect.gather [spmem:s2], $0x10, s24, s10, $0xb8;
	[tilespmem:$0x14680] =	vst v63  }
0x82: {  	_ =	swait.ge [sflag:s15], $0x2000  }
0x83: {  	[sflag:s15] =	ssyncset.done $0x0  }
0x84: {  	s25 =	rddreg [dreg:$0x1b];
	[sflag:s15] =	ssyncadd.s32 $0xFFFFE000  }
0x85: {  	[spmem:s3] =	stream.indirect.scatter.add.f32 [tilespmem:s11], [sflag:$0x5], $0x10, s25, s10, $0xb8;
	[tilespmem:$0x14680] =	vst v63  }
0x86: {  	_ =	swait.ge [sflag:s5], $0x2000  }
0x87: {  	[sflag:s5] =	ssyncset.done $0x0  }
0x88: {  	s26 =	rddreg [dreg:$0x1c];
	[sflag:s5] =	ssyncadd.s32 $0xFFFFE000  }
0x89: {  	[tilespmem:s11], [sflag:$0x1] =	stream.indirect.gather [spmem:s2], $0x10, s26, s10, $0xb8;
	[tilespmem:$0x14680] =	vst v63  }
0x8a: {  	_ =	swait.ge [sflag:s16], $0x2000  }
0x8b: {  	[sflag:s16] =	ssyncset.done $0x0  }
0x8c: {  	s1 =	rddreg [dreg:$0x1d];
	[sflag:s16] =	ssyncadd.s32 $0xFFFFE000  }
0x8d: {  	[spmem:s3] =	stream.indirect.scatter.add.f32 [tilespmem:s12], [sflag:$0x5], $0x10, s1, s10, $0xb8;
	[tilespmem:$0x14680] =	vst v63  }
0x8e: {  	_ =	swait.ge [sflag:s5], $0x2000  }
0x8f: {  	[sflag:s5] =	ssyncset.done $0x0  }
0x90: {  	s20 =	rddreg [dreg:$0x1e];
	[sflag:s5] =	ssyncadd.s32 $0xFFFFE000  }
0x91: {  	[tilespmem:s12], [sflag:$0x2] =	stream.indirect.gather [spmem:s2], $0x10, s20, s10, $0xb8;
	[tilespmem:$0x14680] =	vst v63  }
0x92: {  	_ =	swait.ge [sflag:s17], $0x2000  }
0x93: {  	[sflag:s17] =	ssyncset.done $0x0  }
0x94: {  	s21 =	rddreg [dreg:$0x1f];
	[sflag:s17] =	ssyncadd.s32 $0xFFFFE000  }
0x95: {  	[spmem:s3] =	stream.indirect.scatter.add.f32 [tilespmem:s13], [sflag:$0x5], $0x10, s21, s10, $0xb8;
	[tilespmem:$0x14680] =	vst v63  }
0x96: {  	_ =	swait.ge [sflag:s5], $0x2000  }
0x97: {  	s22 =	sld [smem:$0x7FA]  }
0x98: {  	[sflag:s5] =	ssyncset.done $0x0  }
0x99: {  	[sflag:s5] =	ssyncadd.s32 $0xFFFFE000  }
0x9a: {  	[tilespmem:s13], [sflag:$0x3] =	stream.indirect.gather [spmem:s2], $0x10, s22, s10, $0xb8;
	[tilespmem:$0x14680] =	vst v63  }
0x9b: {  	_ =	swait.ge [sflag:s18], $0x2000  }
0x9c: {  	s23 =	sld [smem:$0x7FB]  }
0x9d: {  	[sflag:s18] =	ssyncset.done $0x0  }
0x9e: {  	[sflag:s18] =	ssyncadd.s32 $0xFFFFE000  }
0x9f: {  	[spmem:s3] =	stream.indirect.scatter.add.f32 [tilespmem:s14], [sflag:$0x5], $0x10, s23, s10, $0xb8;
	[tilespmem:$0x14680] =	vst v63  }
0xa0: {  	_ =	swait.ge [sflag:s5], $0x2000  }
0xa1: {  	s24 =	sld [smem:$0x7FC]  }
0xa2: {  	[sflag:s5] =	ssyncset.done $0x0  }
0xa3: {  	[sflag:s5] =	ssyncadd.s32 $0xFFFFE000  }
0xa4: {  	[tilespmem:s14], [sflag:$0x4] =	stream.indirect.gather [spmem:s2], $0x10, s24, s10, $0xb8;
	[tilespmem:$0x14680] =	vst v63  }
0xa5: {  	_ =	swait.ge [sflag:s15], $0x2000  }
0xa6: {  	s25 =	sld [smem:$0x7FD]  }
0xa7: {  	[sflag:s15] =	ssyncset.done $0x0  }
0xa8: {  	[sflag:s15] =	ssyncadd.s32 $0xFFFFE000  }
0xa9: {  	[spmem:s3] =	stream.indirect.scatter.add.f32 [tilespmem:s11], [sflag:$0x5], $0x10, s25, s10, $0xb8;
	[tilespmem:$0x14680] =	vst v63  }
0xaa: {  	_ =	swait.ge [sflag:s5], $0x2000  }
0xab: {  	[sflag:s5] =	ssyncset.done $0x0  }
0xac: {  	s26 =	simm.s32 $0x2000;
	[sflag:s5] =	ssyncadd.s32 $0xFFFFE000  }
0xad: {  	[tilespmem:s11], [sflag:$0x1] =	stream.indirect.gather [spmem:s2], $0x10, s26, s10, $0xb8;
	[tilespmem:$0x14680] =	vst v63  }
0xae: {  	_ =	swait.ge [sflag:s16], $0x2000  }
0xaf: {  	[sflag:s16] =	ssyncset.done $0x0  }
0xb0: {  	s20 =	simm.s32 $0x4200;
	[sflag:s16] =	ssyncadd.s32 $0xFFFFE000  }
0xb1: {  	[spmem:s3] =	stream.indirect.scatter.add.f32 [tilespmem:s12], [sflag:$0x5], $0x10, s20, s10, $0xb8;
	[tilespmem:$0x14680] =	vst v63  }
0xb2: {  	_ =	swait.ge [sflag:s5], $0x2000  }
0xb3: {  	[sflag:s5] =	ssyncset.done $0x0  }
0xb4: {  	s21 =	simm.s32 $0x2200;
	[sflag:s5] =	ssyncadd.s32 $0xFFFFE000  }
0xb5: {  	[tilespmem:s12], [sflag:$0x2] =	stream.indirect.gather [spmem:s2], $0x10, s21, s10, $0xb8;
	[tilespmem:$0x14680] =	vst v63  }
0xb6: {  	_ =	swait.ge [sflag:s17], $0x2000  }
0xb7: {  	[sflag:s17] =	ssyncset.done $0x0  }
0xb8: {  	s22 =	simm.s32 $0x4400;
	[sflag:s17] =	ssyncadd.s32 $0xFFFFE000  }
0xb9: {  	[spmem:s3] =	stream.indirect.scatter.add.f32 [tilespmem:s13], [sflag:$0x5], $0x10, s22, s10, $0xb8;
	[tilespmem:$0x14680] =	vst v63  }
0xba: {  	_ =	swait.ge [sflag:s5], $0x2000  }
0xbb: {  	[sflag:s5] =	ssyncset.done $0x0  }
0xbc: {  	s23 =	simm.s32 $0x2400;
	[sflag:s5] =	ssyncadd.s32 $0xFFFFE000  }
0xbd: {  	[tilespmem:s13], [sflag:$0x3] =	stream.indirect.gather [spmem:s2], $0x10, s23, s10, $0xb8;
	[tilespmem:$0x14680] =	vst v63  }
0xbe: {  	_ =	swait.ge [sflag:s18], $0x2000  }
0xbf: {  	[sflag:s18] =	ssyncset.done $0x0  }
0xc0: {  	s24 =	simm.s32 $0x4600;
	[sflag:s18] =	ssyncadd.s32 $0xFFFFE000  }
0xc1: {  	[spmem:s3] =	stream.indirect.scatter.add.f32 [tilespmem:s14], [sflag:$0x5], $0x10, s24, s10, $0xb8;
	[tilespmem:$0x14680] =	vst v63  }
0xc2: {  	_ =	swait.ge [sflag:s5], $0x2000  }
0xc3: {  	[sflag:s5] =	ssyncset.done $0x0  }
0xc4: {  	s25 =	simm.s32 $0x2600;
	[sflag:s5] =	ssyncadd.s32 $0xFFFFE000  }
0xc5: {  	[tilespmem:s14], [sflag:$0x4] =	stream.indirect.gather [spmem:s2], $0x10, s25, s10, $0xb8;
	[tilespmem:$0x14680] =	vst v63  }
0xc6: {  	_ =	swait.ge [sflag:s15], $0x2000  }
0xc7: {  	[sflag:s15] =	ssyncset.done $0x0  }
0xc8: {  	s26 =	simm.s32 $0x4800;
	[sflag:s15] =	ssyncadd.s32 $0xFFFFE000  }
0xc9: {  	[spmem:s3] =	stream.indirect.scatter.add.f32 [tilespmem:s11], [sflag:$0x5], $0x10, s26, s10, $0xb8;
	[tilespmem:$0x14680] =	vst v63  }
0xca: {  	_ =	swait.ge [sflag:s5], $0x2000  }
0xcb: {  	[sflag:s5] =	ssyncset.done $0x0  }
0xcc: {  	[sflag:s5] =	ssyncadd.s32 $0xFFFFE000  }
0xcd: {  	_ =	swait.ge [sflag:s16], $0x2000  }
0xce: {  	[sflag:s16] =	ssyncset.done $0x0  }
0xcf: {  	s28 =	simm.s32 $0x4A00;
	[sflag:s16] =	ssyncadd.s32 $0xFFFFE000  }
0xd0: {  	[spmem:s3] =	stream.indirect.scatter.add.f32 [tilespmem:s12], [sflag:$0x5], $0x10, s28, s10, $0xb8;
	[tilespmem:$0x14680] =	vst v63  }
0xd1: {  	_ =	swait.ge [sflag:s5], $0x2000  }
0xd2: {  	[sflag:s5] =	ssyncset.done $0x0  }
0xd3: {  	[sflag:s5] =	ssyncadd.s32 $0xFFFFE000  }
0xd4: {  	_ =	swait.ge [sflag:s17], $0x2000  }
0xd5: {  	[sflag:s17] =	ssyncset.done $0x0  }
0xd6: {  	s29 =	simm.s32 $0x4C00;
	[sflag:s17] =	ssyncadd.s32 $0xFFFFE000  }
0xd7: {  	[spmem:s3] =	stream.indirect.scatter.add.f32 [tilespmem:s13], [sflag:$0x5], $0x10, s29, s10, $0xb8;
	[tilespmem:$0x14680] =	vst v63  }
0xd8: {  	_ =	swait.ge [sflag:s5], $0x2000  }
0xd9: {  	[sflag:s5] =	ssyncset.done $0x0  }
0xda: {  	s0 =	ssub.s32 $0x2, s0;
	[sflag:s5] =	ssyncadd.s32 $0xFFFFE000  }
0xdb: {  	s31 =	sshrl.u32 s0, $0x1;
	_ =	swait.ge [sflag:s18], $0x2000  }
0xdc: {  	s0 =	ssub.s32 s0, s31;
	[sflag:s18] =	ssyncset.done $0x0  }
0xdd: {  	s30 =	simm.s32 $0x4E00;
	s0 =	smax.u32 s0, $0x1;
	[sflag:s18] =	ssyncadd.s32 $0xFFFFE000  }
0xde: {  	[spmem:s3] =	stream.indirect.scatter.add.f32 [tilespmem:s14], [sflag:$0x5], $0x10, s30, s10, $0xb8;
	[tilespmem:$0x14680] =	vst v63  }
0xdf: {  	p0 =	sne.s32 s0, $0x1;
	_ =	swait.ge [sflag:s5], $0x2000  }
.Ltmp0:
0xe0: {  	[sflag:s5] =	ssyncset.done $0x0;
	(pc) =	sbr.rel @!p0 .LBB2_2-.Ltmp0, $4  }
0xe1: {  	[sflag:s5] =	ssyncadd.s32 $0xFFFFE000  }
0xe2: {  	[bflag:$0x0] =	sbarrier.arrive $0xFFFF  }
0xe3: {  	s31 =	sshrl.u32 s9, $0x3;
	s0 =	sadd.s32 $0xFFFFFFFF, s0;
	s19 =	rddreg [dreg:$0x8]  }
0xe4: {  	[hbm:s19], [sflag:s7] =	dma.local [spmem:s31], $0x4F0  }
.LBB2_1:
0xe5: {  	_ =	swait.ge [sflag:s5], $0x4F0  }
0xe6: {  	[sflag:s5] =	ssyncset.done $0x0  }
0xe7: {  	s1 =	rddreg [dreg:$0x5];
	[sflag:s5] =	ssyncadd.s32 $0xFFFFFB10  }
0xe8: {  	[tilespmem:s4], [sflag:$0x5] =	stream.linear.gather [hbm4b:s1+s4], $0x2800, $0x38;
	[tilespmem:$0x14680] =	vst v63  }
0xe9: {  	_ =	swait.ge [sflag:s5], $0x2800  }
0xea: {  	[sflag:s5] =	ssyncset.done $0x0  }
0xeb: {  	s19 =	rddreg [dreg:$0x6];
	[sflag:s5] =	ssyncadd.s32 $0xFFFFD800  }
0xec: {  	[tilespmem:s6], [sflag:$0x5] =	stream.linear.gather [hbm4b:s19+s4], $0x2800, $0x38;
	[tilespmem:$0x14680] =	vst v63  }
0xed: {  	_ =	swait.ge [sflag:s5], $0x2800  }
0xee: {  	[sflag:s5] =	ssyncset.done $0x0;
	s1 =	rddreg [dreg:$0x7]  }
0xef: {  	s19 =	rddreg [dreg:$0x9];
	[sflag:s5] =	ssyncadd.s32 $0xFFFFD800  }
0xf0: {  	[spmem:s19], [sflag:s7] =	dma.local [hbm:s1], $0x4F0  }
0xf1: {  	_ =	swait.ge [sflag:s5], $0x4F0  }
0xf2: {  	[sflag:s5] =	ssyncset.done $0x0  }
0xf3: {  	s19 =	rddreg [dreg:$0x4];
	[sflag:s5] =	ssyncadd.s32 $0xFFFFFB10  }
0xf4: {  	[tilespmem:s8], [sflag:$0x5] =	stream.linear.gather [hbm4b:s19+s4], $0x2780, $0x38;
	[tilespmem:$0x14680] =	vst v63  }
0xf5: {  	_ =	swait.ge [sflag:s5], $0x2780  }
0xf6: {  	[sflag:s5] =	ssyncset.done $0x0  }
0xf7: {  	[sflag:s5] =	ssyncadd.s32 $0xFFFFD880  }
0xf8: {  	[spmem:s9] =	stream.linear.scatter [tilespmem:s8], [sflag:$0x5], $0x2780, $0x38;
	[tilespmem:$0x14680] =	vst v63  }
0xf9: {  	_ =	swait.ge [sflag:s5], $0x2780  }
0xfa: {  	[sflag:s5] =	ssyncset.done $0x0  }
0xfb: {  	[sflag:s5] =	ssyncadd.s32 $0xFFFFD880  }
0xfc: {  	[bflag:$0x0] =	sbarrier.arrive $0xFFFF  }
0xfd: {  	[tilespmem:s11], [sflag:$0x1] =	stream.indirect.gather [spmem:s2], $0x10, s4, s10, $0xb8;
	[tilespmem:$0x14680] =	vst v63  }
0xfe: {  	_ = 	snop  }
0xff: {  	[tilespmem:s12], [sflag:$0x2] =	stream.indirect.gather [spmem:s2], $0x10, s10, s10, $0xb8;
	[tilespmem:$0x14680] =	vst v63  }
0x100: {  	s1 =	rddreg [dreg:$0xa]  }
0x101: {  	[tilespmem:s13], [sflag:$0x3] =	stream.indirect.gather [spmem:s2], $0x10, s1, s10, $0xb8;
	[tilespmem:$0x14680] =	vst v63  }
0x102: {  	s19 =	rddreg [dreg:$0xb]  }
0x103: {  	[tilespmem:s14], [sflag:$0x4] =	stream.indirect.gather [spmem:s2], $0x10, s19, s10, $0xb8;
	[tilespmem:$0x14680] =	vst v63  }
0x104: {  	_ =	swait.ge [sflag:s15], $0x2000  }
0x105: {  	[sflag:s15] =	ssyncset.done $0x0  }
0x106: {  	[sflag:s15] =	ssyncadd.s32 $0xFFFFE000  }
0x107: {  	[spmem:s3] =	stream.indirect.scatter.add.f32 [tilespmem:s11], [sflag:$0x5], $0x10, s6, s10, $0xb8;
	[tilespmem:$0x14680] =	vst v63  }
0x108: {  	_ =	swait.ge [sflag:s5], $0x2000  }
0x109: {  	[sflag:s5] =	ssyncset.done $0x0  }
0x10a: {  	s19 =	rddreg [dreg:$0xc];
	[sflag:s5] =	ssyncadd.s32 $0xFFFFE000  }
0x10b: {  	[tilespmem:s11], [sflag:$0x1] =	stream.indirect.gather [spmem:s2], $0x10, s19, s10, $0xb8;
	[tilespmem:$0x14680] =	vst v63  }
0x10c: {  	_ =	swait.ge [sflag:s16], $0x2000  }
0x10d: {  	[sflag:s16] =	ssyncset.done $0x0  }
0x10e: {  	s19 =	rddreg [dreg:$0xd];
	[sflag:s16] =	ssyncadd.s32 $0xFFFFE000  }
0x10f: {  	[spmem:s3] =	stream.indirect.scatter.add.f32 [tilespmem:s12], [sflag:$0x5], $0x10, s19, s10, $0xb8;
	[tilespmem:$0x14680] =	vst v63  }
0x110: {  	_ =	swait.ge [sflag:s5], $0x2000  }
0x111: {  	[sflag:s5] =	ssyncset.done $0x0  }
0x112: {  	s19 =	rddreg [dreg:$0xe];
	[sflag:s5] =	ssyncadd.s32 $0xFFFFE000  }
0x113: {  	[tilespmem:s12], [sflag:$0x2] =	stream.indirect.gather [spmem:s2], $0x10, s19, s10, $0xb8;
	[tilespmem:$0x14680] =	vst v63  }
0x114: {  	_ =	swait.ge [sflag:s17], $0x2000  }
0x115: {  	[sflag:s17] =	ssyncset.done $0x0  }
0x116: {  	s19 =	rddreg [dreg:$0xf];
	[sflag:s17] =	ssyncadd.s32 $0xFFFFE000  }
0x117: {  	[spmem:s3] =	stream.indirect.scatter.add.f32 [tilespmem:s13], [sflag:$0x5], $0x10, s19, s10, $0xb8;
	[tilespmem:$0x14680] =	vst v63  }
0x118: {  	_ =	swait.ge [sflag:s5], $0x2000  }
0x119: {  	[sflag:s5] =	ssyncset.done $0x0  }
0x11a: {  	s19 =	rddreg [dreg:$0x10];
	[sflag:s5] =	ssyncadd.s32 $0xFFFFE000  }
0x11b: {  	[tilespmem:s13], [sflag:$0x3] =	stream.indirect.gather [spmem:s2], $0x10, s19, s10, $0xb8;
	[tilespmem:$0x14680] =	vst v63  }
0x11c: {  	_ =	swait.ge [sflag:s18], $0x2000  }
0x11d: {  	[sflag:s18] =	ssyncset.done $0x0  }
0x11e: {  	s19 =	rddreg [dreg:$0x11];
	[sflag:s18] =	ssyncadd.s32 $0xFFFFE000  }
0x11f: {  	[spmem:s3] =	stream.indirect.scatter.add.f32 [tilespmem:s14], [sflag:$0x5], $0x10, s19, s10, $0xb8;
	[tilespmem:$0x14680] =	vst v63  }
0x120: {  	_ =	swait.ge [sflag:s5], $0x2000  }
0x121: {  	[sflag:s5] =	ssyncset.done $0x0  }
0x122: {  	s19 =	rddreg [dreg:$0x12];
	[sflag:s5] =	ssyncadd.s32 $0xFFFFE000  }
0x123: {  	[tilespmem:s14], [sflag:$0x4] =	stream.indirect.gather [spmem:s2], $0x10, s19, s10, $0xb8;
	[tilespmem:$0x14680] =	vst v63  }
0x124: {  	_ =	swait.ge [sflag:s15], $0x2000  }
0x125: {  	[sflag:s15] =	ssyncset.done $0x0  }
0x126: {  	s19 =	rddreg [dreg:$0x13];
	[sflag:s15] =	ssyncadd.s32 $0xFFFFE000  }
0x127: {  	[spmem:s3] =	stream.indirect.scatter.add.f32 [tilespmem:s11], [sflag:$0x5], $0x10, s19, s10, $0xb8;
	[tilespmem:$0x14680] =	vst v63  }
0x128: {  	_ =	swait.ge [sflag:s5], $0x2000  }
0x129: {  	[sflag:s5] =	ssyncset.done $0x0  }
0x12a: {  	s19 =	rddreg [dreg:$0x14];
	[sflag:s5] =	ssyncadd.s32 $0xFFFFE000  }
0x12b: {  	[tilespmem:s11], [sflag:$0x1] =	stream.indirect.gather [spmem:s2], $0x10, s19, s10, $0xb8;
	[tilespmem:$0x14680] =	vst v63  }
0x12c: {  	_ =	swait.ge [sflag:s16], $0x2000  }
0x12d: {  	[sflag:s16] =	ssyncset.done $0x0  }
0x12e: {  	s19 =	rddreg [dreg:$0x15];
	[sflag:s16] =	ssyncadd.s32 $0xFFFFE000  }
0x12f: {  	[spmem:s3] =	stream.indirect.scatter.add.f32 [tilespmem:s12], [sflag:$0x5], $0x10, s19, s10, $0xb8;
	[tilespmem:$0x14680] =	vst v63  }
0x130: {  	_ =	swait.ge [sflag:s5], $0x2000  }
0x131: {  	[sflag:s5] =	ssyncset.done $0x0  }
0x132: {  	s19 =	rddreg [dreg:$0x16];
	[sflag:s5] =	ssyncadd.s32 $0xFFFFE000  }
0x133: {  	[tilespmem:s12], [sflag:$0x2] =	stream.indirect.gather [spmem:s2], $0x10, s19, s10, $0xb8;
	[tilespmem:$0x14680] =	vst v63  }
0x134: {  	_ =	swait.ge [sflag:s17], $0x2000  }
0x135: {  	[sflag:s17] =	ssyncset.done $0x0  }
0x136: {  	s19 =	rddreg [dreg:$0x17];
	[sflag:s17] =	ssyncadd.s32 $0xFFFFE000  }
0x137: {  	[spmem:s3] =	stream.indirect.scatter.add.f32 [tilespmem:s13], [sflag:$0x5], $0x10, s19, s10, $0xb8;
	[tilespmem:$0x14680] =	vst v63  }
0x138: {  	_ =	swait.ge [sflag:s5], $0x2000  }
0x139: {  	[sflag:s5] =	ssyncset.done $0x0  }
0x13a: {  	s19 =	rddreg [dreg:$0x18];
	[sflag:s5] =	ssyncadd.s32 $0xFFFFE000  }
0x13b: {  	[tilespmem:s13], [sflag:$0x3] =	stream.indirect.gather [spmem:s2], $0x10, s19, s10, $0xb8;
	[tilespmem:$0x14680] =	vst v63  }
0x13c: {  	_ =	swait.ge [sflag:s18], $0x2000  }
0x13d: {  	[sflag:s18] =	ssyncset.done $0x0  }
0x13e: {  	s19 =	rddreg [dreg:$0x19];
	[sflag:s18] =	ssyncadd.s32 $0xFFFFE000  }
0x13f: {  	[spmem:s3] =	stream.indirect.scatter.add.f32 [tilespmem:s14], [sflag:$0x5], $0x10, s19, s10, $0xb8;
	[tilespmem:$0x14680] =	vst v63  }
0x140: {  	_ =	swait.ge [sflag:s5], $0x2000  }
0x141: {  	[sflag:s5] =	ssyncset.done $0x0  }
0x142: {  	s19 =	rddreg [dreg:$0x1a];
	[sflag:s5] =	ssyncadd.s32 $0xFFFFE000  }
0x143: {  	[tilespmem:s14], [sflag:$0x4] =	stream.indirect.gather [spmem:s2], $0x10, s19, s10, $0xb8;
	[tilespmem:$0x14680] =	vst v63  }
0x144: {  	_ =	swait.ge [sflag:s15], $0x2000  }
0x145: {  	[sflag:s15] =	ssyncset.done $0x0  }
0x146: {  	s19 =	rddreg [dreg:$0x1b];
	[sflag:s15] =	ssyncadd.s32 $0xFFFFE000  }
0x147: {  	[spmem:s3] =	stream.indirect.scatter.add.f32 [tilespmem:s11], [sflag:$0x5], $0x10, s19, s10, $0xb8;
	[tilespmem:$0x14680] =	vst v63  }
0x148: {  	_ =	swait.ge [sflag:s5], $0x2000  }
0x149: {  	[sflag:s5] =	ssyncset.done $0x0  }
0x14a: {  	s19 =	rddreg [dreg:$0x1c];
	[sflag:s5] =	ssyncadd.s32 $0xFFFFE000  }
0x14b: {  	[tilespmem:s11], [sflag:$0x1] =	stream.indirect.gather [spmem:s2], $0x10, s19, s10, $0xb8;
	[tilespmem:$0x14680] =	vst v63  }
0x14c: {  	_ =	swait.ge [sflag:s16], $0x2000  }
0x14d: {  	[sflag:s16] =	ssyncset.done $0x0  }
0x14e: {  	s19 =	rddreg [dreg:$0x1d];
	[sflag:s16] =	ssyncadd.s32 $0xFFFFE000  }
0x14f: {  	[spmem:s3] =	stream.indirect.scatter.add.f32 [tilespmem:s12], [sflag:$0x5], $0x10, s19, s10, $0xb8;
	[tilespmem:$0x14680] =	vst v63  }
0x150: {  	_ =	swait.ge [sflag:s5], $0x2000  }
0x151: {  	[sflag:s5] =	ssyncset.done $0x0  }
0x152: {  	s19 =	rddreg [dreg:$0x1e];
	[sflag:s5] =	ssyncadd.s32 $0xFFFFE000  }
0x153: {  	[tilespmem:s12], [sflag:$0x2] =	stream.indirect.gather [spmem:s2], $0x10, s19, s10, $0xb8;
	[tilespmem:$0x14680] =	vst v63  }
0x154: {  	_ =	swait.ge [sflag:s17], $0x2000  }
0x155: {  	[sflag:s17] =	ssyncset.done $0x0  }
0x156: {  	s19 =	rddreg [dreg:$0x1f];
	[sflag:s17] =	ssyncadd.s32 $0xFFFFE000  }
0x157: {  	[spmem:s3] =	stream.indirect.scatter.add.f32 [tilespmem:s13], [sflag:$0x5], $0x10, s19, s10, $0xb8;
	[tilespmem:$0x14680] =	vst v63  }
0x158: {  	_ =	swait.ge [sflag:s5], $0x2000  }
0x159: {  	s19 =	sld [smem:$0x7FA]  }
0x15a: {  	[sflag:s5] =	ssyncset.done $0x0  }
0x15b: {  	[sflag:s5] =	ssyncadd.s32 $0xFFFFE000  }
0x15c: {  	[tilespmem:s13], [sflag:$0x3] =	stream.indirect.gather [spmem:s2], $0x10, s19, s10, $0xb8;
	[tilespmem:$0x14680] =	vst v63  }
0x15d: {  	_ =	swait.ge [sflag:s18], $0x2000  }
0x15e: {  	s19 =	sld [smem:$0x7FB]  }
0x15f: {  	[sflag:s18] =	ssyncset.done $0x0  }
0x160: {  	[sflag:s18] =	ssyncadd.s32 $0xFFFFE000  }
0x161: {  	[spmem:s3] =	stream.indirect.scatter.add.f32 [tilespmem:s14], [sflag:$0x5], $0x10, s19, s10, $0xb8;
	[tilespmem:$0x14680] =	vst v63  }
0x162: {  	_ =	swait.ge [sflag:s5], $0x2000  }
0x163: {  	s19 =	sld [smem:$0x7FC]  }
0x164: {  	[sflag:s5] =	ssyncset.done $0x0  }
0x165: {  	[sflag:s5] =	ssyncadd.s32 $0xFFFFE000  }
0x166: {  	[tilespmem:s14], [sflag:$0x4] =	stream.indirect.gather [spmem:s2], $0x10, s19, s10, $0xb8;
	[tilespmem:$0x14680] =	vst v63  }
0x167: {  	_ =	swait.ge [sflag:s15], $0x2000  }
0x168: {  	s19 =	sld [smem:$0x7FD]  }
0x169: {  	[sflag:s15] =	ssyncset.done $0x0  }
0x16a: {  	[sflag:s15] =	ssyncadd.s32 $0xFFFFE000  }
0x16b: {  	[spmem:s3] =	stream.indirect.scatter.add.f32 [tilespmem:s11], [sflag:$0x5], $0x10, s19, s10, $0xb8;
	[tilespmem:$0x14680] =	vst v63  }
0x16c: {  	_ =	swait.ge [sflag:s5], $0x2000  }
0x16d: {  	[sflag:s5] =	ssyncset.done $0x0  }
0x16e: {  	s19 =	simm.s32 $0x2000;
	[sflag:s5] =	ssyncadd.s32 $0xFFFFE000  }
0x16f: {  	[tilespmem:s11], [sflag:$0x1] =	stream.indirect.gather [spmem:s2], $0x10, s19, s10, $0xb8;
	[tilespmem:$0x14680] =	vst v63  }
0x170: {  	_ =	swait.ge [sflag:s16], $0x2000  }
0x171: {  	[sflag:s16] =	ssyncset.done $0x0  }
0x172: {  	[sflag:s16] =	ssyncadd.s32 $0xFFFFE000  }
0x173: {  	[spmem:s3] =	stream.indirect.scatter.add.f32 [tilespmem:s12], [sflag:$0x5], $0x10, s20, s10, $0xb8;
	[tilespmem:$0x14680] =	vst v63  }
0x174: {  	_ =	swait.ge [sflag:s5], $0x2000  }
0x175: {  	[sflag:s5] =	ssyncset.done $0x0  }
0x176: {  	[sflag:s5] =	ssyncadd.s32 $0xFFFFE000  }
0x177: {  	[tilespmem:s12], [sflag:$0x2] =	stream.indirect.gather [spmem:s2], $0x10, s21, s10, $0xb8;
	[tilespmem:$0x14680] =	vst v63  }
0x178: {  	_ =	swait.ge [sflag:s17], $0x2000  }
0x179: {  	[sflag:s17] =	ssyncset.done $0x0  }
0x17a: {  	[sflag:s17] =	ssyncadd.s32 $0xFFFFE000  }
0x17b: {  	[spmem:s3] =	stream.indirect.scatter.add.f32 [tilespmem:s13], [sflag:$0x5], $0x10, s22, s10, $0xb8;
	[tilespmem:$0x14680] =	vst v63  }
0x17c: {  	_ =	swait.ge [sflag:s5], $0x2000  }
0x17d: {  	[sflag:s5] =	ssyncset.done $0x0  }
0x17e: {  	[sflag:s5] =	ssyncadd.s32 $0xFFFFE000  }
0x17f: {  	[tilespmem:s13], [sflag:$0x3] =	stream.indirect.gather [spmem:s2], $0x10, s23, s10, $0xb8;
	[tilespmem:$0x14680] =	vst v63  }
0x180: {  	_ =	swait.ge [sflag:s18], $0x2000  }
0x181: {  	[sflag:s18] =	ssyncset.done $0x0  }
0x182: {  	[sflag:s18] =	ssyncadd.s32 $0xFFFFE000  }
0x183: {  	[spmem:s3] =	stream.indirect.scatter.add.f32 [tilespmem:s14], [sflag:$0x5], $0x10, s24, s10, $0xb8;
	[tilespmem:$0x14680] =	vst v63  }
0x184: {  	_ =	swait.ge [sflag:s5], $0x2000  }
0x185: {  	[sflag:s5] =	ssyncset.done $0x0  }
0x186: {  	[sflag:s5] =	ssyncadd.s32 $0xFFFFE000  }
0x187: {  	[tilespmem:s14], [sflag:$0x4] =	stream.indirect.gather [spmem:s2], $0x10, s25, s10, $0xb8;
	[tilespmem:$0x14680] =	vst v63  }
0x188: {  	_ =	swait.ge [sflag:s15], $0x2000  }
0x189: {  	[sflag:s15] =	ssyncset.done $0x0  }
0x18a: {  	[sflag:s15] =	ssyncadd.s32 $0xFFFFE000  }
0x18b: {  	[spmem:s3] =	stream.indirect.scatter.add.f32 [tilespmem:s11], [sflag:$0x5], $0x10, s26, s10, $0xb8;
	[tilespmem:$0x14680] =	vst v63  }
0x18c: {  	_ =	swait.ge [sflag:s5], $0x2000  }
0x18d: {  	[sflag:s5] =	ssyncset.done $0x0  }
0x18e: {  	[sflag:s5] =	ssyncadd.s32 $0xFFFFE000  }
0x18f: {  	_ =	swait.ge [sflag:s16], $0x2000  }
0x190: {  	[sflag:s16] =	ssyncset.done $0x0  }
0x191: {  	[sflag:s16] =	ssyncadd.s32 $0xFFFFE000  }
0x192: {  	[spmem:s3] =	stream.indirect.scatter.add.f32 [tilespmem:s12], [sflag:$0x5], $0x10, s28, s10, $0xb8;
	[tilespmem:$0x14680] =	vst v63  }
0x193: {  	_ =	swait.ge [sflag:s5], $0x2000  }
0x194: {  	[sflag:s5] =	ssyncset.done $0x0  }
0x195: {  	[sflag:s5] =	ssyncadd.s32 $0xFFFFE000  }
0x196: {  	_ =	swait.ge [sflag:s17], $0x2000  }
0x197: {  	[sflag:s17] =	ssyncset.done $0x0  }
0x198: {  	[sflag:s17] =	ssyncadd.s32 $0xFFFFE000  }
0x199: {  	[spmem:s3] =	stream.indirect.scatter.add.f32 [tilespmem:s13], [sflag:$0x5], $0x10, s29, s10, $0xb8;
	[tilespmem:$0x14680] =	vst v63  }
0x19a: {  	_ =	swait.ge [sflag:s5], $0x2000  }
0x19b: {  	[sflag:s5] =	ssyncset.done $0x0  }
0x19c: {  	[sflag:s5] =	ssyncadd.s32 $0xFFFFE000  }
0x19d: {  	_ =	swait.ge [sflag:s18], $0x2000  }
0x19e: {  	[sflag:s18] =	ssyncset.done $0x0  }
0x19f: {  	[sflag:s18] =	ssyncadd.s32 $0xFFFFE000  }
0x1a0: {  	[spmem:s3] =	stream.indirect.scatter.add.f32 [tilespmem:s14], [sflag:$0x5], $0x10, s30, s10, $0xb8;
	[tilespmem:$0x14680] =	vst v63  }
0x1a1: {  	p0 =	sne.s32 s0, $0x1;
	_ =	swait.ge [sflag:s5], $0x2000  }
.Ltmp1:
0x1a2: {  	[sflag:s5] =	ssyncset.done $0x0;
	(pc) =	sbr.rel @p0 .LBB2_1-.Ltmp1, $4  }
0x1a3: {  	[sflag:s5] =	ssyncadd.s32 $0xFFFFE000  }
0x1a4: {  	[bflag:$0x0] =	sbarrier.arrive $0xFFFF  }
0x1a5: {  	s0 =	sadd.s32 $0xFFFFFFFF, s0;
	s19 =	rddreg [dreg:$0x8]  }
0x1a6: {  	[hbm:s19], [sflag:s7] =	dma.local [spmem:s31], $0x4F0  }
.LBB2_2:
0x1a7: {  	_ =	swait.ge [sflag:s5], $0x4F0  }
0x1a8: {  	[sflag:s5] =	ssyncset.done $0x0  }
0x1a9: {  	[sflag:s5] =	ssyncadd.s32 $0xFFFFFB10  }
0x1aa: {  	_ =	sfence.sel $0x180000  }
0x1ab: {  	[bflag:$0x0] =	sbarrier.arrive $0xFFFF  }
0x1ac: {  	_ =	strace $0x90000047  }
0x1ad: {  	s0 =	stileid.u32;
	[bflag:$0x2] =	sbarrier.arrive $0xFFFF  }
0x1ae: {  	p0 =	sne.s32 s0, $0x0;
	s0 =	rddreg [dreg:$0x3]  }
0x1af: {  	s0 =	sadd.s32 @!p0 $0x100000, s0  }
0x1b0: {  	[sflag:s0] =	ssyncadd.tile.s32 @!p0 $0x1;
	_ =	shalt  }
.Lfunc_end2:
_tile_overlayer_lowered:
.L_overlay_start_2:
0x1b1: {  	(tag) =	ssettag $0x2  }
0x1b2: {  	s0 =	rddreg [dreg:$0x0];
	s2 =	stileid.u32  }
0x1b3: {  	s1 =	rddreg [dreg:$0x1];
	p0 =	sne.s32 s2, $0x0  }
0x1b4: {  	s3 =	rddreg [dreg:$0x2];
	[bflag:$0x3] =	sbarrier.arrive $0xFFFF;
	s2 =	simm.s32 @!p0 $0x1C05  }
0x1b5: {  	[timem:s3], [sflag:s2] =	dma.local @!p0 [hbm:s0], s1  }
0x1b6: {  	s0 =	simm.s32 @!p0 $0x5  }
0x1b7: {  	_ =	swait.ge @!p0 [sflag:s0], s1  }
0x1b8: {  	s1 =	ssub.s32 @!p0 $0x0, s1;
	[sflag:s0] =	ssyncset.done @!p0 $0x0  }
0x1b9: {  	[sflag:s0] =	ssyncadd.s32 @!p0 s1  }
0x1ba: {  	[bflag:$0x3] =	sbarrier.arrive $0xFFFF  }
0x1bb: {  	_ =	shalt  }

</sc_bundles>
